<compile_context>
chip_gen: v7x
topology: tpu7x:2x2x1
jax: 0.10.2.dev20260603
libtpu: 0.0.44.dev20260713+nightly
codegen_flags: <defaults>
</compile_context>

<pallas_src>
import jax
import jax.numpy as jnp
from jax import lax
from jax.experimental import pallas as pl
from jax.experimental.pallas import tpu as pltpu
from jax.experimental.pallas import tpu_sc as plsc

_B, _N = 1024, 8192
_L = 16
_NW = 32
_ROWS_PER_W = _B // _NW
_NCHUNKS = _N // _L
_CPB = 4
_NT = _N // 128
_PPB = 128 // _L


def _hsum(vec, scratch):
    iota = lax.iota(jnp.int32, _L)
    for sh in (1, 2, 4, 8):
        scratch[...] = vec
        vec = vec + plsc.load_gather(scratch, [iota ^ sh])
    return vec


def _sc_body(x_hbm, out_hbm, r0, r1, r2, r3, ob0, ob1,
             si0, si1, si2, si3, so0, so1, hs):
    wid = lax.axis_index("s") * 2 + lax.axis_index("c")
    base = wid * _ROWS_PER_W
    ones = jnp.ones((_L,), jnp.float32)
    zeros = jnp.zeros((_L,), jnp.float32)
    two_n = jnp.float32(2 * _N)
    rows = (r0, r1, r2, r3)
    isems = (si0, si1, si2, si3)
    obufs = (ob0, ob1)
    osems = (so0, so1)

    def in_copy(r, b):
        return pltpu.make_async_copy(x_hbm.at[r], rows[b], isems[b])

    def out_copy(r, b):
        return pltpu.make_async_copy(obufs[b], out_hbm.at[r], osems[b])

    def decide(s, a):
        return jnp.where(a - s < two_n,
                         jnp.where(s + 3.0 * a > two_n, ones, zeros),
                         ones)

    def reduce_only(buf):
        @plsc.parallel_loop(0, _NCHUNKS, step=_CPB, unroll=2,
                            carry=(zeros,) * (2 * _CPB))
        def acc(j, carry):
            carry = list(carry)
            for c in range(_CPB):
                x = buf[pl.ds((j + c) * _L, _L)]
                carry[2 * c] = carry[2 * c] + x
                carry[2 * c + 1] = carry[2 * c + 1] + jnp.abs(x)
            return tuple(carry)

        s = _hsum(acc[0] + acc[2] + acc[4] + acc[6], hs)
        a = _hsum(acc[1] + acc[3] + acc[5] + acc[7], hs)
        return decide(s, a)

    def merged(cur, nxt, ob, fill_v):
        @plsc.parallel_loop(0, _NT, unroll=1, carry=(zeros,) * 8)
        def acc(t, carry):
            carry = list(carry)
            for pos in range(_PPB):
                x = cur[pl.ds(t * 128 + pos * _L, _L)]
                v = jnp.where(x == -1.0, fill_v, x)
                ob[2 * t, pl.ds(pos * _L, _L)] = ones - v
                ob[2 * t + 1, pl.ds(pos * _L, _L)] = v
                y = nxt[pl.ds(t * 128 + pos * _L, _L)]
                p = pos % 4
                carry[2 * p] = carry[2 * p] + y
                carry[2 * p + 1] = carry[2 * p + 1] + jnp.abs(y)
            return tuple(carry)

        s = _hsum(acc[0] + acc[2] + acc[4] + acc[6], hs)
        a = _hsum(acc[1] + acc[3] + acc[5] + acc[7], hs)
        return decide(s, a)

    in_copy(base, 0).start()
    in_copy(base + 1, 1).start()
    in_copy(base, 0).wait()
    f_init = reduce_only(rows[0])

    @pl.loop(0, _ROWS_PER_W // 4, init_carry=f_init)
    def f_carry(g, f):
        last_g = _ROWS_PER_W // 4 - 1
        for k in range(4):
            r = base + 4 * g + k
            if k < 2:
                in_copy(r + 2, (k + 2) % 4).start()
                in_copy(r + 1, (k + 1) % 4).wait()
            else:
                @pl.when(g < last_g)
                def _():
                    in_copy(r + 2, (k + 2) % 4).start()
                if k == 2:
                    in_copy(r + 1, (k + 1) % 4).wait()
                else:
                    @pl.when(g < last_g)
                    def _():
                        in_copy(r + 1, (k + 1) % 4).wait()
            if k < 2:
                @pl.when(g > 0)
                def _():
                    out_copy(r - 2, k % 2).wait()
            else:
                out_copy(r - 2, k % 2).wait()
            f = merged(rows[k], rows[(k + 1) % 4], obufs[k % 2], f)
            out_copy(r, k % 2).start()
        return f

    out_copy(base + _ROWS_PER_W - 2, 0).wait()
    out_copy(base + _ROWS_PER_W - 1, 1).wait()


def kernel(X):
    mesh = plsc.VectorSubcoreMesh(core_axis_name="c", subcore_axis_name="s")
    f = pl.kernel(
        _sc_body,
        mesh=mesh,
        out_type=jax.ShapeDtypeStruct((_B, 2 * _NT, 128), jnp.float32),
        scratch_types=[
            pltpu.VMEM((_N,), jnp.float32),
            pltpu.VMEM((_N,), jnp.float32),
            pltpu.VMEM((_N,), jnp.float32),
            pltpu.VMEM((_N,), jnp.float32),
            pltpu.VMEM((2 * _NT, 128), jnp.float32),
            pltpu.VMEM((2 * _NT, 128), jnp.float32),
            pltpu.SemaphoreType.DMA,
            pltpu.SemaphoreType.DMA,
            pltpu.SemaphoreType.DMA,
            pltpu.SemaphoreType.DMA,
            pltpu.SemaphoreType.DMA,
            pltpu.SemaphoreType.DMA,
            pltpu.VMEM((_L,), jnp.float32),
        ],
        compiler_params=pltpu.CompilerParams(needs_layout_passes=False),
    )
    o = f(X)
    return (o.reshape(_B, _NT, 2, 128)
             .transpose(0, 1, 3, 2)
             .reshape(_B, _N, 2))

# --- scband reference (transcript-rebuilt; emitter-appended) ---
"""Pipeline reference for scband-stats-mode-18940805775889 (READ-ONLY COPY).

The authoritative reference and input builder live on the scoring server;
editing this copy changes nothing except your own understanding.
"""

import jax, jax.numpy as jnp
import numpy as np

B, N = 1024, 8192
K = 2  # valid discrete values are {0, 1}; -1 marks missing


def setup_inputs(seed: int = 0) -> dict:
    key = jax.random.key(seed)
    X = jax.random.randint(key, (B, N), 0, 3)
    # remap value 2 -> -1 sentinel so ~1/3 of entries are 'missing'
    X = jnp.where(X == 2, -1, X).astype(jnp.float32)
    return {"X": X}


def reference(X):
    # per-row mode over valid (!= -1) entries; scipy.stats.mode returns the
    # smallest value among ties, which argmax-over-counts reproduces since
    # argmax returns the first (smallest-index) maximum.
    valid = X != -1.0
    Xi = jnp.clip(X, 0.0, float(K - 1)).astype(jnp.int32)
    onehot = (Xi[..., None] == jnp.arange(K)[None, None, :]) & valid[..., None]
    counts = onehot.sum(axis=1)                      # [B, K] histogram per row
    mode = jnp.argmax(counts, axis=1).astype(X.dtype)  # [B]
    has_valid = jnp.any(valid, axis=1)               # [B]
    filled = jnp.where(valid, X, mode[:, None])      # fill -1 slots with mode
    out_row = jnp.where(has_valid[:, None], filled, jnp.ones_like(X))
    return jnp.stack([1.0 - out_row, out_row], axis=-1)  # [B, N, 2]

if __name__ == "__main__":
    import jax
    _d = setup_inputs()
    print(jax.jit(kernel)(*tuple(_d.values())))

</pallas_src>

<mosaic_0001>
#map = affine_map<(d0, d1) -> (0, 0)>
#map1 = affine_map<(d0, d1) -> (0, 0, 0)>
module attributes {stable_mosaic.version = 14 : i64} {
  func.func @_sc_body(%arg0: i32, %arg1: i32, %arg2: memref<1024x8192xf32, #tpu.memory_space<hbm>>, %arg3: memref<1024x128x128xf32, #tpu.memory_space<hbm>>, %arg4: memref<8192xf32, #tpu.memory_space<vmem>>, %arg5: memref<8192xf32, #tpu.memory_space<vmem>>, %arg6: memref<8192xf32, #tpu.memory_space<vmem>>, %arg7: memref<8192xf32, #tpu.memory_space<vmem>>, %arg8: memref<128x128xf32, #tpu.memory_space<vmem>>, %arg9: memref<128x128xf32, #tpu.memory_space<vmem>>, %arg10: memref<!tpu.dma_semaphore, #tpu.memory_space<semaphore_mem>>, %arg11: memref<!tpu.dma_semaphore, #tpu.memory_space<semaphore_mem>>, %arg12: memref<!tpu.dma_semaphore, #tpu.memory_space<semaphore_mem>>, %arg13: memref<!tpu.dma_semaphore, #tpu.memory_space<semaphore_mem>>, %arg14: memref<!tpu.dma_semaphore, #tpu.memory_space<semaphore_mem>>, %arg15: memref<!tpu.dma_semaphore, #tpu.memory_space<semaphore_mem>>, %arg16: memref<16xf32, #tpu.memory_space<vmem>>) attributes {dimension_semantics = [#tpu.dimension_semantics<core_parallel>, #tpu.dimension_semantics<subcore_parallel>], iteration_bounds = array<i64: 2, 16>, scalar_prefetch = 0 : i64, scratch_operands = 13 : i64, tpu.core_type = #tpu.core_type<sc_vector_subcore>, window_params = [{transform_indices = #map}, {transform_indices = #map1}]} {
    %mul3A = arith.constant 2 : i32
    %mul3A_0 = arith.muli %arg1, %mul3A : i32
    %add3A = arith.addi %mul3A_0, %arg0 : i32
    %mul3A_1 = arith.constant 32 : i32
    %mul3A_2 = arith.muli %add3A, %mul3A_1 : i32
    %broadcast_in_dim3A = arith.constant 1.000000e+00 : f32
    %broadcast_in_dim3A_3 = vector.broadcast %broadcast_in_dim3A : f32 to vector<16xf32>
    %broadcast_in_dim3A_4 = arith.constant 0.000000e+00 : f32
    %broadcast_in_dim3A_5 = vector.broadcast %broadcast_in_dim3A_4 : f32 to vector<16xf32>
    %dma_start3A = arith.constant 0 : i32
    %dma_start3A_6 = tpu.memref_slice %arg2[%mul3A_2, %dma_start3A] : memref<1024x8192xf32, #tpu.memory_space<hbm>> -> memref<1x8192xf32, #tpu.memory_space<hbm>>
    %dma_start3A_7 = tpu.memref_squeeze %dma_start3A_6 : memref<1x8192xf32, #tpu.memory_space<hbm>> -> memref<8192xf32, #tpu.memory_space<hbm>>
    %dma_start3A_8 = arith.constant 0 : i32
    %dma_start3A_9 = tpu.memref_slice %arg2[%mul3A_2, %dma_start3A_8] : memref<1024x8192xf32, #tpu.memory_space<hbm>> -> memref<1x8192xf32, #tpu.memory_space<hbm>>
    %dma_start3A_10 = tpu.memref_squeeze %dma_start3A_9 : memref<1x8192xf32, #tpu.memory_space<hbm>> -> memref<8192xf32, #tpu.memory_space<hbm>>
    tpu.enqueue_dma source(%dma_start3A_10 : memref<8192xf32, #tpu.memory_space<hbm>>) target(%arg4 : memref<8192xf32, #tpu.memory_space<vmem>>) target_semaphore(%arg10 : memref<!tpu.dma_semaphore, #tpu.memory_space<semaphore_mem>>)
    %add3A_11 = arith.constant 1 : i32
    %add3A_12 = arith.addi %mul3A_2, %add3A_11 : i32
    %dma_start3A_13 = arith.constant 0 : i32
    %dma_start3A_14 = tpu.memref_slice %arg2[%add3A_12, %dma_start3A_13] : memref<1024x8192xf32, #tpu.memory_space<hbm>> -> memref<1x8192xf32, #tpu.memory_space<hbm>>
    %dma_start3A_15 = tpu.memref_squeeze %dma_start3A_14 : memref<1x8192xf32, #tpu.memory_space<hbm>> -> memref<8192xf32, #tpu.memory_space<hbm>>
    %dma_start3A_16 = arith.constant 0 : i32
    %dma_start3A_17 = tpu.memref_slice %arg2[%add3A_12, %dma_start3A_16] : memref<1024x8192xf32, #tpu.memory_space<hbm>> -> memref<1x8192xf32, #tpu.memory_space<hbm>>
    %dma_start3A_18 = tpu.memref_squeeze %dma_start3A_17 : memref<1x8192xf32, #tpu.memory_space<hbm>> -> memref<8192xf32, #tpu.memory_space<hbm>>
    tpu.enqueue_dma source(%dma_start3A_18 : memref<8192xf32, #tpu.memory_space<hbm>>) target(%arg5 : memref<8192xf32, #tpu.memory_space<vmem>>) target_semaphore(%arg11 : memref<!tpu.dma_semaphore, #tpu.memory_space<semaphore_mem>>)
    %dma_wait3A = arith.constant 0 : i32
    %dma_wait3A_19 = tpu.memref_slice %arg2[%mul3A_2, %dma_wait3A] : memref<1024x8192xf32, #tpu.memory_space<hbm>> -> memref<1x8192xf32, #tpu.memory_space<hbm>>
    %dma_wait3A_20 = tpu.memref_squeeze %dma_wait3A_19 : memref<1x8192xf32, #tpu.memory_space<hbm>> -> memref<8192xf32, #tpu.memory_space<hbm>>
    %dma_wait3A_21 = arith.constant 0 : i32
    %dma_wait3A_22 = tpu.memref_slice %arg2[%mul3A_2, %dma_wait3A_21] : memref<1024x8192xf32, #tpu.memory_space<hbm>> -> memref<1x8192xf32, #tpu.memory_space<hbm>>
    %dma_wait3A_23 = tpu.memref_squeeze %dma_wait3A_22 : memref<1x8192xf32, #tpu.memory_space<hbm>> -> memref<8192xf32, #tpu.memory_space<hbm>>
    tpu.wait_dma2 semaphore(%arg10 : memref<!tpu.dma_semaphore, #tpu.memory_space<semaphore_mem>>) src(%dma_wait3A_23 : memref<8192xf32, #tpu.memory_space<hbm>>) dst(%arg4 : memref<8192xf32, #tpu.memory_space<vmem>>)
    %parallel_loop3A = arith.constant 0 : i32
    %parallel_loop3A_24 = arith.constant 512 : i32
    %parallel_loop3A_25 = arith.constant 4 : i32
    %parallel_loop3A_26:8 = scf.for %parallel_loop3A_126 = %parallel_loop3A to %parallel_loop3A_24 step %parallel_loop3A_25 iter_args(%parallel_loop3A_127 = %broadcast_in_dim3A_5, %parallel_loop3A_128 = %broadcast_in_dim3A_5, %parallel_loop3A_129 = %broadcast_in_dim3A_5, %parallel_loop3A_130 = %broadcast_in_dim3A_5, %parallel_loop3A_131 = %broadcast_in_dim3A_5, %parallel_loop3A_132 = %broadcast_in_dim3A_5, %parallel_loop3A_133 = %broadcast_in_dim3A_5, %parallel_loop3A_134 = %broadcast_in_dim3A_5) -> (vector<16xf32>, vector<16xf32>, vector<16xf32>, vector<16xf32>, vector<16xf32>, vector<16xf32>, vector<16xf32>, vector<16xf32>)  : i32 {
      %parallel_loop3A_135 = arith.constant 0 : i32
      %parallel_loop3A_136 = arith.addi %parallel_loop3A_126, %parallel_loop3A_135 : i32
      %parallel_loop3A_137 = arith.constant 16 : i32
      %parallel_loop3A_138 = arith.muli %parallel_loop3A_136, %parallel_loop3A_137 : i32
      %parallel_loop3A_139 = arith.index_cast %parallel_loop3A_138 : i32 to index
      %parallel_loop3A_140 = tpu.vector_load %arg4[%parallel_loop3A_139] {strides = array<i32>} : memref<8192xf32, #tpu.memory_space<vmem>>, vector<16xf32>,
      %parallel_loop3A_141 = arith.addf %parallel_loop3A_127, %parallel_loop3A_140 : vector<16xf32>
      %parallel_loop3A_142 = math.absf %parallel_loop3A_140 : vector<16xf32>
      %parallel_loop3A_143 = arith.addf %parallel_loop3A_128, %parallel_loop3A_142 : vector<16xf32>
      %parallel_loop3A_144 = arith.constant 1 : i32
      %parallel_loop3A_145 = arith.addi %parallel_loop3A_126, %parallel_loop3A_144 : i32
      %parallel_loop3A_146 = arith.constant 16 : i32
      %parallel_loop3A_147 = arith.muli %parallel_loop3A_145, %parallel_loop3A_146 : i32
      %parallel_loop3A_148 = arith.index_cast %parallel_loop3A_147 : i32 to index
      %parallel_loop3A_149 = tpu.vector_load %arg4[%parallel_loop3A_148] {strides = array<i32>} : memref<8192xf32, #tpu.memory_space<vmem>>, vector<16xf32>,
      %parallel_loop3A_150 = arith.addf %parallel_loop3A_129, %parallel_loop3A_149 : vector<16xf32>
      %parallel_loop3A_151 = math.absf %parallel_loop3A_149 : vector<16xf32>
      %parallel_loop3A_152 = arith.addf %parallel_loop3A_130, %parallel_loop3A_151 : vector<16xf32>
      %parallel_loop3A_153 = arith.constant 2 : i32
      %parallel_loop3A_154 = arith.addi %parallel_loop3A_126, %parallel_loop3A_153 : i32
      %parallel_loop3A_155 = arith.constant 16 : i32
      %parallel_loop3A_156 = arith.muli %parallel_loop3A_154, %parallel_loop3A_155 : i32
      %parallel_loop3A_157 = arith.index_cast %parallel_loop3A_156 : i32 to index
      %parallel_loop3A_158 = tpu.vector_load %arg4[%parallel_loop3A_157] {strides = array<i32>} : memref<8192xf32, #tpu.memory_space<vmem>>, vector<16xf32>,
      %parallel_loop3A_159 = arith.addf %parallel_loop3A_131, %parallel_loop3A_158 : vector<16xf32>
      %parallel_loop3A_160 = math.absf %parallel_loop3A_158 : vector<16xf32>
      %parallel_loop3A_161 = arith.addf %parallel_loop3A_132, %parallel_loop3A_160 : vector<16xf32>
      %parallel_loop3A_162 = arith.constant 3 : i32
      %parallel_loop3A_163 = arith.addi %parallel_loop3A_126, %parallel_loop3A_162 : i32
      %parallel_loop3A_164 = arith.constant 16 : i32
      %parallel_loop3A_165 = arith.muli %parallel_loop3A_163, %parallel_loop3A_164 : i32
      %parallel_loop3A_166 = arith.index_cast %parallel_loop3A_165 : i32 to index
      %parallel_loop3A_167 = tpu.vector_load %arg4[%parallel_loop3A_166] {strides = array<i32>} : memref<8192xf32, #tpu.memory_space<vmem>>, vector<16xf32>,
      %parallel_loop3A_168 = arith.addf %parallel_loop3A_133, %parallel_loop3A_167 : vector<16xf32>
      %parallel_loop3A_169 = math.absf %parallel_loop3A_167 : vector<16xf32>
      %parallel_loop3A_170 = arith.addf %parallel_loop3A_134, %parallel_loop3A_169 : vector<16xf32>
      scf.yield %parallel_loop3A_141, %parallel_loop3A_143, %parallel_loop3A_150, %parallel_loop3A_152, %parallel_loop3A_159, %parallel_loop3A_161, %parallel_loop3A_168, %parallel_loop3A_170 : vector<16xf32>, vector<16xf32>, vector<16xf32>, vector<16xf32>, vector<16xf32>, vector<16xf32>, vector<16xf32>, vector<16xf32>
    } {sc.loop_unroll_factor = 2 : i64, sc.parallel_access}
    %add3A_27 = arith.addf %parallel_loop3A_26#0, %parallel_loop3A_26#2 : vector<16xf32>
    %add3A_28 = arith.addf %add3A_27, %parallel_loop3A_26#4 : vector<16xf32>
    %add3A_29 = arith.addf %add3A_28, %parallel_loop3A_26#6 : vector<16xf32>
    %iota3A = tpu.iota {dimensions = array<i32: 0>} : vector<16xi32>
    %swap3A = arith.constant 0 : index
    %swap3A_30 = tpu.vector_load %arg16[%swap3A] {strides = array<i32>} : memref<16xf32, #tpu.memory_space<vmem>>, vector<16xf32>,
    tpu.vector_store %arg16[%swap3A], %add3A_29 {strides = array<i32>} : memref<16xf32, #tpu.memory_space<vmem>>, vector<16xf32>,
    %xor3A = arith.constant 1 : i32
    %xor3A_31 = vector.broadcast %xor3A : i32 to vector<16xi32>
    %xor3A_32 = arith.xori %iota3A, %xor3A_31 : vector<16xi32>
    %gather3A = tpu.vector_load_idx %arg16[%xor3A_32] : memref<16xf32, #tpu.memory_space<vmem>>[vector<16xi32>], vector<16xf32>,
    %add3A_33 = arith.addf %add3A_29, %gather3A : vector<16xf32>
    %swap3A_34 = arith.constant 0 : index
    %swap3A_35 = tpu.vector_load %arg16[%swap3A_34] {strides = array<i32>} : memref<16xf32, #tpu.memory_space<vmem>>, vector<16xf32>,
    tpu.vector_store %arg16[%swap3A_34], %add3A_33 {strides = array<i32>} : memref<16xf32, #tpu.memory_space<vmem>>, vector<16xf32>,
    %xor3A_36 = arith.constant 2 : i32
    %xor3A_37 = vector.broadcast %xor3A_36 : i32 to vector<16xi32>
    %xor3A_38 = arith.xori %iota3A, %xor3A_37 : vector<16xi32>
    %gather3A_39 = tpu.vector_load_idx %arg16[%xor3A_38] : memref<16xf32, #tpu.memory_space<vmem>>[vector<16xi32>], vector<16xf32>,
    %add3A_40 = arith.addf %add3A_33, %gather3A_39 : vector<16xf32>
    %swap3A_41 = arith.constant 0 : index
    %swap3A_42 = tpu.vector_load %arg16[%swap3A_41] {strides = array<i32>} : memref<16xf32, #tpu.memory_space<vmem>>, vector<16xf32>,
    tpu.vector_store %arg16[%swap3A_41], %add3A_40 {strides = array<i32>} : memref<16xf32, #tpu.memory_space<vmem>>, vector<16xf32>,
    %xor3A_43 = arith.constant 4 : i32
    %xor3A_44 = vector.broadcast %xor3A_43 : i32 to vector<16xi32>
    %xor3A_45 = arith.xori %iota3A, %xor3A_44 : vector<16xi32>
    %gather3A_46 = tpu.vector_load_idx %arg16[%xor3A_45] : memref<16xf32, #tpu.memory_space<vmem>>[vector<16xi32>], vector<16xf32>,
    %add3A_47 = arith.addf %add3A_40, %gather3A_46 : vector<16xf32>
    %swap3A_48 = arith.constant 0 : index
    %swap3A_49 = tpu.vector_load %arg16[%swap3A_48] {strides = array<i32>} : memref<16xf32, #tpu.memory_space<vmem>>, vector<16xf32>,
    tpu.vector_store %arg16[%swap3A_48], %add3A_47 {strides = array<i32>} : memref<16xf32, #tpu.memory_space<vmem>>, vector<16xf32>,
    %xor3A_50 = arith.constant 8 : i32
    %xor3A_51 = vector.broadcast %xor3A_50 : i32 to vector<16xi32>
    %xor3A_52 = arith.xori %iota3A, %xor3A_51 : vector<16xi32>
    %gather3A_53 = tpu.vector_load_idx %arg16[%xor3A_52] : memref<16xf32, #tpu.memory_space<vmem>>[vector<16xi32>], vector<16xf32>,
    %add3A_54 = arith.addf %add3A_47, %gather3A_53 : vector<16xf32>
    %add3A_55 = arith.addf %parallel_loop3A_26#1, %parallel_loop3A_26#3 : vector<16xf32>
    %add3A_56 = arith.addf %add3A_55, %parallel_loop3A_26#5 : vector<16xf32>
    %add3A_57 = arith.addf %add3A_56, %parallel_loop3A_26#7 : vector<16xf32>
    %iota3A_58 = tpu.iota {dimensions = array<i32: 0>} : vector<16xi32>
    %swap3A_59 = arith.constant 0 : index
    %swap3A_60 = tpu.vector_load %arg16[%swap3A_59] {strides = array<i32>} : memref<16xf32, #tpu.memory_space<vmem>>, vector<16xf32>,
    tpu.vector_store %arg16[%swap3A_59], %add3A_57 {strides = array<i32>} : memref<16xf32, #tpu.memory_space<vmem>>, vector<16xf32>,
    %xor3A_61 = arith.constant 1 : i32
    %xor3A_62 = vector.broadcast %xor3A_61 : i32 to vector<16xi32>
    %xor3A_63 = arith.xori %iota3A_58, %xor3A_62 : vector<16xi32>
    %gather3A_64 = tpu.vector_load_idx %arg16[%xor3A_63] : memref<16xf32, #tpu.memory_space<vmem>>[vector<16xi32>], vector<16xf32>,
    %add3A_65 = arith.addf %add3A_57, %gather3A_64 : vector<16xf32>
    %swap3A_66 = arith.constant 0 : index
    %swap3A_67 = tpu.vector_load %arg16[%swap3A_66] {strides = array<i32>} : memref<16xf32, #tpu.memory_space<vmem>>, vector<16xf32>,
    tpu.vector_store %arg16[%swap3A_66], %add3A_65 {strides = array<i32>} : memref<16xf32, #tpu.memory_space<vmem>>, vector<16xf32>,
    %xor3A_68 = arith.constant 2 : i32
    %xor3A_69 = vector.broadcast %xor3A_68 : i32 to vector<16xi32>
    %xor3A_70 = arith.xori %iota3A_58, %xor3A_69 : vector<16xi32>
    %gather3A_71 = tpu.vector_load_idx %arg16[%xor3A_70] : memref<16xf32, #tpu.memory_space<vmem>>[vector<16xi32>], vector<16xf32>,
    %add3A_72 = arith.addf %add3A_65, %gather3A_71 : vector<16xf32>
    %swap3A_73 = arith.constant 0 : index
    %swap3A_74 = tpu.vector_load %arg16[%swap3A_73] {strides = array<i32>} : memref<16xf32, #tpu.memory_space<vmem>>, vector<16xf32>,
    tpu.vector_store %arg16[%swap3A_73], %add3A_72 {strides = array<i32>} : memref<16xf32, #tpu.memory_space<vmem>>, vector<16xf32>,
    %xor3A_75 = arith.constant 4 : i32
    %xor3A_76 = vector.broadcast %xor3A_75 : i32 to vector<16xi32>
    %xor3A_77 = arith.xori %iota3A_58, %xor3A_76 : vector<16xi32>
    %gather3A_78 = tpu.vector_load_idx %arg16[%xor3A_77] : memref<16xf32, #tpu.memory_space<vmem>>[vector<16xi32>], vector<16xf32>,
    %add3A_79 = arith.addf %add3A_72, %gather3A_78 : vector<16xf32>
    %swap3A_80 = arith.constant 0 : index
    %swap3A_81 = tpu.vector_load %arg16[%swap3A_80] {strides = array<i32>} : memref<16xf32, #tpu.memory_space<vmem>>, vector<16xf32>,
    tpu.vector_store %arg16[%swap3A_80], %add3A_79 {strides = array<i32>} : memref<16xf32, #tpu.memory_space<vmem>>, vector<16xf32>,
    %xor3A_82 = arith.constant 8 : i32
    %xor3A_83 = vector.broadcast %xor3A_82 : i32 to vector<16xi32>
    %xor3A_84 = arith.xori %iota3A_58, %xor3A_83 : vector<16xi32>
    %gather3A_85 = tpu.vector_load_idx %arg16[%xor3A_84] : memref<16xf32, #tpu.memory_space<vmem>>[vector<16xi32>], vector<16xf32>,
    %add3A_86 = arith.addf %add3A_79, %gather3A_85 : vector<16xf32>
    %sub3A = arith.subf %add3A_86, %add3A_54 : vector<16xf32>
    %lt3A = arith.constant 1.638400e+04 : f32
    %lt3A_87 = vector.broadcast %lt3A : f32 to vector<16xf32>
    %lt3A_88 = arith.cmpf olt, %sub3A, %lt3A_87 : vector<16xf32>
    %mul3A_89 = arith.constant 3.000000e+00 : f32
    %mul3A_90 = vector.broadcast %mul3A_89 : f32 to vector<16xf32>
    %mul3A_91 = arith.mulf %mul3A_90, %add3A_86 : vector<16xf32>
    %add3A_92 = arith.addf %add3A_54, %mul3A_91 : vector<16xf32>
    %gt3A = arith.constant 1.638400e+04 : f32
    %gt3A_93 = vector.broadcast %gt3A : f32 to vector<16xf32>
    %gt3A_94 = arith.cmpf ogt, %add3A_92, %gt3A_93 : vector<16xf32>
    %select_n3A = arith.select %gt3A_94, %broadcast_in_dim3A_3, %broadcast_in_dim3A_5 : vector<16xi1>, vector<16xf32>
    %select_n3A_95 = arith.select %lt3A_88, %select_n3A, %broadcast_in_dim3A_3 : vector<16xi1>, vector<16xf32>
    %scan3A = arith.constant 1.638400e+04 : f32
    %scan3A_96 = arith.constant 0 : i32
    %scan3A_97 = arith.constant 8 : i32
    %scan3A_98 = arith.addi %scan3A_96, %scan3A_97 : i32
    %scan3A_99 = arith.constant 1 : i32
    %scan3A_100 = scf.for %scan3A_126 = %scan3A_96 to %scan3A_98 step %scan3A_99 iter_args(%scan3A_127 = %select_n3A_95) -> (vector<16xf32>)  : i32 {
      %mul3A_128 = arith.constant 1 : i32
      %mul3A_129 = arith.muli %scan3A_126, %mul3A_128 : i32
      %add3A_130 = arith.constant 0 : i32
      %add3A_131 = arith.addi %add3A_130, %mul3A_129 : i32
      %mul3A_132 = arith.constant 4 : i32
      %mul3A_133 = arith.muli %mul3A_132, %add3A_131 : i32
      %add3A_134 = arith.addi %mul3A_2, %mul3A_133 : i32
      %add3A_135 = arith.constant 0 : i32
      %add3A_136 = arith.addi %add3A_134, %add3A_135 : i32
      %add3A_137 = arith.constant 2 : i32
      %add3A_138 = arith.addi %add3A_136, %add3A_137 : i32
      %dma_start3A_139 = arith.constant 0 : i32
      %dma_start3A_140 = tpu.memref_slice %arg2[%add3A_138, %dma_start3A_139] : memref<1024x8192xf32, #tpu.memory_space<hbm>> -> memref<1x8192xf32, #tpu.memory_space<hbm>>
      %dma_start3A_141 = tpu.memref_squeeze %dma_start3A_140 : memref<1x8192xf32, #tpu.memory_space<hbm>> -> memref<8192xf32, #tpu.memory_space<hbm>>
      %dma_start3A_142 = arith.constant 0 : i32
      %dma_start3A_143 = tpu.memref_slice %arg2[%add3A_138, %dma_start3A_142] : memref<1024x8192xf32, #tpu.memory_space<hbm>> -> memref<1x8192xf32, #tpu.memory_space<hbm>>
      %dma_start3A_144 = tpu.memref_squeeze %dma_start3A_143 : memref<1x8192xf32, #tpu.memory_space<hbm>> -> memref<8192xf32, #tpu.memory_space<hbm>>
      tpu.enqueue_dma source(%dma_start3A_144 : memref<8192xf32, #tpu.memory_space<hbm>>) target(%arg6 : memref<8192xf32, #tpu.memory_space<vmem>>) target_semaphore(%arg12 : memref<!tpu.dma_semaphore, #tpu.memory_space<semaphore_mem>>)
      %add3A_145 = arith.constant 1 : i32
      %add3A_146 = arith.addi %add3A_136, %add3A_145 : i32
      %dma_wait3A_147 = arith.constant 0 : i32
      %dma_wait3A_148 = tpu.memref_slice %arg2[%add3A_146, %dma_wait3A_147] : memref<1024x8192xf32, #tpu.memory_space<hbm>> -> memref<1x8192xf32, #tpu.memory_space<hbm>>
      %dma_wait3A_149 = tpu.memref_squeeze %dma_wait3A_148 : memref<1x8192xf32, #tpu.memory_space<hbm>> -> memref<8192xf32, #tpu.memory_space<hbm>>
      %dma_wait3A_150 = arith.constant 0 : i32
      %dma_wait3A_151 = tpu.memref_slice %arg2[%add3A_146, %dma_wait3A_150] : memref<1024x8192xf32, #tpu.memory_space<hbm>> -> memref<1x8192xf32, #tpu.memory_space<hbm>>
      %dma_wait3A_152 = tpu.memref_squeeze %dma_wait3A_151 : memref<1x8192xf32, #tpu.memory_space<hbm>> -> memref<8192xf32, #tpu.memory_space<hbm>>
      tpu.wait_dma2 semaphore(%arg11 : memref<!tpu.dma_semaphore, #tpu.memory_space<semaphore_mem>>) src(%dma_wait3A_152 : memref<8192xf32, #tpu.memory_space<hbm>>) dst(%arg5 : memref<8192xf32, #tpu.memory_space<vmem>>)
      %gt3A_153 = arith.constant 0 : i32
      %gt3A_154 = arith.cmpi sgt, %add3A_131, %gt3A_153 : i32
      %convert_element_type3A = arith.extui %gt3A_154 : i1 to i32
      %cond3A = arith.constant 0 : i32
      %cond3A_155 = arith.cmpi ne, %convert_element_type3A, %cond3A : i32
      scf.if %cond3A_155 {
        %sub3A_583 = arith.constant 2 : i32
        %sub3A_584 = arith.subi %add3A_136, %sub3A_583 : i32
        %dma_wait3A_585 = arith.constant 0 : i32
        %dma_wait3A_586 = arith.constant 0 : i32
        %dma_wait3A_587 = tpu.memref_slice %arg3[%sub3A_584, %dma_wait3A_585, %dma_wait3A_586] : memref<1024x128x128xf32, #tpu.memory_space<hbm>> -> memref<1x128x128xf32, #tpu.memory_space<hbm>>
        %dma_wait3A_588 = tpu.memref_squeeze %dma_wait3A_587 : memref<1x128x128xf32, #tpu.memory_space<hbm>> -> memref<128x128xf32, #tpu.memory_space<hbm>>
        %dma_wait3A_589 = arith.constant 0 : i32
        %dma_wait3A_590 = arith.constant 0 : i32
        %dma_wait3A_591 = tpu.memref_slice %arg3[%sub3A_584, %dma_wait3A_589, %dma_wait3A_590] : memref<1024x128x128xf32, #tpu.memory_space<hbm>> -> memref<1x128x128xf32, #tpu.memory_space<hbm>>
        %dma_wait3A_592 = tpu.memref_squeeze %dma_wait3A_591 : memref<1x128x128xf32, #tpu.memory_space<hbm>> -> memref<128x128xf32, #tpu.memory_space<hbm>>
        tpu.wait_dma2 semaphore(%arg14 : memref<!tpu.dma_semaphore, #tpu.memory_space<semaphore_mem>>) src(%arg8 : memref<128x128xf32, #tpu.memory_space<vmem>>) dst(%dma_wait3A_592 : memref<128x128xf32, #tpu.memory_space<hbm>>)
      } else {
      }
      %parallel_loop3A_156 = arith.constant 0 : i32
      %parallel_loop3A_157 = arith.constant 64 : i32
      %parallel_loop3A_158 = arith.constant 1 : i32
      %parallel_loop3A_159:8 = scf.for %parallel_loop3A_583 = %parallel_loop3A_156 to %parallel_loop3A_157 step %parallel_loop3A_158 iter_args(%parallel_loop3A_584 = %broadcast_in_dim3A_5, %parallel_loop3A_585 = %broadcast_in_dim3A_5, %parallel_loop3A_586 = %broadcast_in_dim3A_5, %parallel_loop3A_587 = %broadcast_in_dim3A_5, %parallel_loop3A_588 = %broadcast_in_dim3A_5, %parallel_loop3A_589 = %broadcast_in_dim3A_5, %parallel_loop3A_590 = %broadcast_in_dim3A_5, %parallel_loop3A_591 = %broadcast_in_dim3A_5) -> (vector<16xf32>, vector<16xf32>, vector<16xf32>, vector<16xf32>, vector<16xf32>, vector<16xf32>, vector<16xf32>, vector<16xf32>)  : i32 {
        %parallel_loop3A_592 = arith.constant 128 : i32
        %parallel_loop3A_593 = arith.muli %parallel_loop3A_583, %parallel_loop3A_592 : i32
        %parallel_loop3A_594 = arith.constant 0 : i32
        %parallel_loop3A_595 = arith.addi %parallel_loop3A_593, %parallel_loop3A_594 : i32
        %parallel_loop3A_596 = arith.index_cast %parallel_loop3A_595 : i32 to index
        %parallel_loop3A_597 = tpu.vector_load %arg4[%parallel_loop3A_596] {strides = array<i32>} : memref<8192xf32, #tpu.memory_space<vmem>>, vector<16xf32>,
        %parallel_loop3A_598 = arith.constant -1.000000e+00 : f32
        %parallel_loop3A_599 = vector.broadcast %parallel_loop3A_598 : f32 to vector<16xf32>
        %parallel_loop3A_600 = arith.cmpf oeq, %parallel_loop3A_597, %parallel_loop3A_599 : vector<16xf32>
        %parallel_loop3A_601 = arith.select %parallel_loop3A_600, %scan3A_127, %parallel_loop3A_597 : vector<16xi1>, vector<16xf32>
        %parallel_loop3A_602 = arith.subf %broadcast_in_dim3A_3, %parallel_loop3A_601 : vector<16xf32>
        %parallel_loop3A_603 = arith.constant 2 : i32
        %parallel_loop3A_604 = arith.muli %parallel_loop3A_603, %parallel_loop3A_583 : i32
        %parallel_loop3A_605 = arith.index_cast %parallel_loop3A_604 : i32 to index
        %parallel_loop3A_606 = arith.constant 0 : index
        %parallel_loop3A_607 = tpu.vector_load %arg8[%parallel_loop3A_605, %parallel_loop3A_606] {strides = array<i32>} : memref<128x128xf32, #tpu.memory_space<vmem>>, vector<16xf32>,
        tpu.vector_store %arg8[%parallel_loop3A_605, %parallel_loop3A_606], %parallel_loop3A_602 {strides = array<i32>} : memref<128x128xf32, #tpu.memory_space<vmem>>, vector<16xf32>,
        %parallel_loop3A_608 = arith.constant 2 : i32
        %parallel_loop3A_609 = arith.muli %parallel_loop3A_608, %parallel_loop3A_583 : i32
        %parallel_loop3A_610 = arith.constant 1 : i32
        %parallel_loop3A_611 = arith.addi %parallel_loop3A_609, %parallel_loop3A_610 : i32
        %parallel_loop3A_612 = arith.index_cast %parallel_loop3A_611 : i32 to index
        %parallel_loop3A_613 = arith.constant 0 : index
        %parallel_loop3A_614 = tpu.vector_load %arg8[%parallel_loop3A_612, %parallel_loop3A_613] {strides = array<i32>} : memref<128x128xf32, #tpu.memory_space<vmem>>, vector<16xf32>,
        tpu.vector_store %arg8[%parallel_loop3A_612, %parallel_loop3A_613], %parallel_loop3A_601 {strides = array<i32>} : memref<128x128xf32, #tpu.memory_space<vmem>>, vector<16xf32>,
        %parallel_loop3A_615 = arith.constant 128 : i32
        %parallel_loop3A_616 = arith.muli %parallel_loop3A_583, %parallel_loop3A_615 : i32
        %parallel_loop3A_617 = arith.constant 0 : i32
        %parallel_loop3A_618 = arith.addi %parallel_loop3A_616, %parallel_loop3A_617 : i32
        %parallel_loop3A_619 = arith.index_cast %parallel_loop3A_618 : i32 to index
        %parallel_loop3A_620 = tpu.vector_load %arg5[%parallel_loop3A_619] {strides = array<i32>} : memref<8192xf32, #tpu.memory_space<vmem>>, vector<16xf32>,
        %parallel_loop3A_621 = arith.addf %parallel_loop3A_584, %parallel_loop3A_620 : vector<16xf32>
        %parallel_loop3A_622 = math.absf %parallel_loop3A_620 : vector<16xf32>
        %parallel_loop3A_623 = arith.addf %parallel_loop3A_585, %parallel_loop3A_622 : vector<16xf32>
        %parallel_loop3A_624 = arith.constant 128 : i32
        %parallel_loop3A_625 = arith.muli %parallel_loop3A_583, %parallel_loop3A_624 : i32
        %parallel_loop3A_626 = arith.constant 16 : i32
        %parallel_loop3A_627 = arith.addi %parallel_loop3A_625, %parallel_loop3A_626 : i32
        %parallel_loop3A_628 = arith.index_cast %parallel_loop3A_627 : i32 to index
        %parallel_loop3A_629 = tpu.vector_load %arg4[%parallel_loop3A_628] {strides = array<i32>} : memref<8192xf32, #tpu.memory_space<vmem>>, vector<16xf32>,
        %parallel_loop3A_630 = arith.constant -1.000000e+00 : f32
        %parallel_loop3A_631 = vector.broadcast %parallel_loop3A_630 : f32 to vector<16xf32>
        %parallel_loop3A_632 = arith.cmpf oeq, %parallel_loop3A_629, %parallel_loop3A_631 : vector<16xf32>
        %parallel_loop3A_633 = arith.select %parallel_loop3A_632, %scan3A_127, %parallel_loop3A_629 : vector<16xi1>, vector<16xf32>
        %parallel_loop3A_634 = arith.subf %broadcast_in_dim3A_3, %parallel_loop3A_633 : vector<16xf32>
        %parallel_loop3A_635 = arith.constant 2 : i32
        %parallel_loop3A_636 = arith.muli %parallel_loop3A_635, %parallel_loop3A_583 : i32
        %parallel_loop3A_637 = arith.index_cast %parallel_loop3A_636 : i32 to index
        %parallel_loop3A_638 = arith.constant 16 : index
        %parallel_loop3A_639 = tpu.vector_load %arg8[%parallel_loop3A_637, %parallel_loop3A_638] {strides = array<i32>} : memref<128x128xf32, #tpu.memory_space<vmem>>, vector<16xf32>,
        tpu.vector_store %arg8[%parallel_loop3A_637, %parallel_loop3A_638], %parallel_loop3A_634 {strides = array<i32>} : memref<128x128xf32, #tpu.memory_space<vmem>>, vector<16xf32>,
        %parallel_loop3A_640 = arith.constant 2 : i32
        %parallel_loop3A_641 = arith.muli %parallel_loop3A_640, %parallel_loop3A_583 : i32
        %parallel_loop3A_642 = arith.constant 1 : i32
        %parallel_loop3A_643 = arith.addi %parallel_loop3A_641, %parallel_loop3A_642 : i32
        %parallel_loop3A_644 = arith.index_cast %parallel_loop3A_643 : i32 to index
        %parallel_loop3A_645 = arith.constant 16 : index
        %parallel_loop3A_646 = tpu.vector_load %arg8[%parallel_loop3A_644, %parallel_loop3A_645] {strides = array<i32>} : memref<128x128xf32, #tpu.memory_space<vmem>>, vector<16xf32>,
        tpu.vector_store %arg8[%parallel_loop3A_644, %parallel_loop3A_645], %parallel_loop3A_633 {strides = array<i32>} : memref<128x128xf32, #tpu.memory_space<vmem>>, vector<16xf32>,
        %parallel_loop3A_647 = arith.constant 128 : i32
        %parallel_loop3A_648 = arith.muli %parallel_loop3A_583, %parallel_loop3A_647 : i32
        %parallel_loop3A_649 = arith.constant 16 : i32
        %parallel_loop3A_650 = arith.addi %parallel_loop3A_648, %parallel_loop3A_649 : i32
        %parallel_loop3A_651 = arith.index_cast %parallel_loop3A_650 : i32 to index
        %parallel_loop3A_652 = tpu.vector_load %arg5[%parallel_loop3A_651] {strides = array<i32>} : memref<8192xf32, #tpu.memory_space<vmem>>, vector<16xf32>,
        %parallel_loop3A_653 = arith.addf %parallel_loop3A_586, %parallel_loop3A_652 : vector<16xf32>
        %parallel_loop3A_654 = math.absf %parallel_loop3A_652 : vector<16xf32>
        %parallel_loop3A_655 = arith.addf %parallel_loop3A_587, %parallel_loop3A_654 : vector<16xf32>
        %parallel_loop3A_656 = arith.constant 128 : i32
        %parallel_loop3A_657 = arith.muli %parallel_loop3A_583, %parallel_loop3A_656 : i32
        %parallel_loop3A_658 = arith.constant 32 : i32
        %parallel_loop3A_659 = arith.addi %parallel_loop3A_657, %parallel_loop3A_658 : i32
        %parallel_loop3A_660 = arith.index_cast %parallel_loop3A_659 : i32 to index
        %parallel_loop3A_661 = tpu.vector_load %arg4[%parallel_loop3A_660] {strides = array<i32>} : memref<8192xf32, #tpu.memory_space<vmem>>, vector<16xf32>,
        %parallel_loop3A_662 = arith.constant -1.000000e+00 : f32
        %parallel_loop3A_663 = vector.broadcast %parallel_loop3A_662 : f32 to vector<16xf32>
        %parallel_loop3A_664 = arith.cmpf oeq, %parallel_loop3A_661, %parallel_loop3A_663 : vector<16xf32>
        %parallel_loop3A_665 = arith.select %parallel_loop3A_664, %scan3A_127, %parallel_loop3A_661 : vector<16xi1>, vector<16xf32>
        %parallel_loop3A_666 = arith.subf %broadcast_in_dim3A_3, %parallel_loop3A_665 : vector<16xf32>
        %parallel_loop3A_667 = arith.constant 2 : i32
        %parallel_loop3A_668 = arith.muli %parallel_loop3A_667, %parallel_loop3A_583 : i32
        %parallel_loop3A_669 = arith.index_cast %parallel_loop3A_668 : i32 to index
        %parallel_loop3A_670 = arith.constant 32 : index
        %parallel_loop3A_671 = tpu.vector_load %arg8[%parallel_loop3A_669, %parallel_loop3A_670] {strides = array<i32>} : memref<128x128xf32, #tpu.memory_space<vmem>>, vector<16xf32>,
        tpu.vector_store %arg8[%parallel_loop3A_669, %parallel_loop3A_670], %parallel_loop3A_666 {strides = array<i32>} : memref<128x128xf32, #tpu.memory_space<vmem>>, vector<16xf32>,
        %parallel_loop3A_672 = arith.constant 2 : i32
        %parallel_loop3A_673 = arith.muli %parallel_loop3A_672, %parallel_loop3A_583 : i32
        %parallel_loop3A_674 = arith.constant 1 : i32
        %parallel_loop3A_675 = arith.addi %parallel_loop3A_673, %parallel_loop3A_674 : i32
        %parallel_loop3A_676 = arith.index_cast %parallel_loop3A_675 : i32 to index
        %parallel_loop3A_677 = arith.constant 32 : index
        %parallel_loop3A_678 = tpu.vector_load %arg8[%parallel_loop3A_676, %parallel_loop3A_677] {strides = array<i32>} : memref<128x128xf32, #tpu.memory_space<vmem>>, vector<16xf32>,
        tpu.vector_store %arg8[%parallel_loop3A_676, %parallel_loop3A_677], %parallel_loop3A_665 {strides = array<i32>} : memref<128x128xf32, #tpu.memory_space<vmem>>, vector<16xf32>,
        %parallel_loop3A_679 = arith.constant 128 : i32
        %parallel_loop3A_680 = arith.muli %parallel_loop3A_583, %parallel_loop3A_679 : i32
        %parallel_loop3A_681 = arith.constant 32 : i32
        %parallel_loop3A_682 = arith.addi %parallel_loop3A_680, %parallel_loop3A_681 : i32
        %parallel_loop3A_683 = arith.index_cast %parallel_loop3A_682 : i32 to index
        %parallel_loop3A_684 = tpu.vector_load %arg5[%parallel_loop3A_683] {strides = array<i32>} : memref<8192xf32, #tpu.memory_space<vmem>>, vector<16xf32>,
        %parallel_loop3A_685 = arith.addf %parallel_loop3A_588, %parallel_loop3A_684 : vector<16xf32>
        %parallel_loop3A_686 = math.absf %parallel_loop3A_684 : vector<16xf32>
        %parallel_loop3A_687 = arith.addf %parallel_loop3A_589, %parallel_loop3A_686 : vector<16xf32>
        %parallel_loop3A_688 = arith.constant 128 : i32
        %parallel_loop3A_689 = arith.muli %parallel_loop3A_583, %parallel_loop3A_688 : i32
        %parallel_loop3A_690 = arith.constant 48 : i32
        %parallel_loop3A_691 = arith.addi %parallel_loop3A_689, %parallel_loop3A_690 : i32
        %parallel_loop3A_692 = arith.index_cast %parallel_loop3A_691 : i32 to index
        %parallel_loop3A_693 = tpu.vector_load %arg4[%parallel_loop3A_692] {strides = array<i32>} : memref<8192xf32, #tpu.memory_space<vmem>>, vector<16xf32>,
        %parallel_loop3A_694 = arith.constant -1.000000e+00 : f32
        %parallel_loop3A_695 = vector.broadcast %parallel_loop3A_694 : f32 to vector<16xf32>
        %parallel_loop3A_696 = arith.cmpf oeq, %parallel_loop3A_693, %parallel_loop3A_695 : vector<16xf32>
        %parallel_loop3A_697 = arith.select %parallel_loop3A_696, %scan3A_127, %parallel_loop3A_693 : vector<16xi1>, vector<16xf32>
        %parallel_loop3A_698 = arith.subf %broadcast_in_dim3A_3, %parallel_loop3A_697 : vector<16xf32>
        %parallel_loop3A_699 = arith.constant 2 : i32
        %parallel_loop3A_700 = arith.muli %parallel_loop3A_699, %parallel_loop3A_583 : i32
        %parallel_loop3A_701 = arith.index_cast %parallel_loop3A_700 : i32 to index
        %parallel_loop3A_702 = arith.constant 48 : index
        %parallel_loop3A_703 = tpu.vector_load %arg8[%parallel_loop3A_701, %parallel_loop3A_702] {strides = array<i32>} : memref<128x128xf32, #tpu.memory_space<vmem>>, vector<16xf32>,
        tpu.vector_store %arg8[%parallel_loop3A_701, %parallel_loop3A_702], %parallel_loop3A_698 {strides = array<i32>} : memref<128x128xf32, #tpu.memory_space<vmem>>, vector<16xf32>,
        %parallel_loop3A_704 = arith.constant 2 : i32
        %parallel_loop3A_705 = arith.muli %parallel_loop3A_704, %parallel_loop3A_583 : i32
        %parallel_loop3A_706 = arith.constant 1 : i32
        %parallel_loop3A_707 = arith.addi %parallel_loop3A_705, %parallel_loop3A_706 : i32
        %parallel_loop3A_708 = arith.index_cast %parallel_loop3A_707 : i32 to index
        %parallel_loop3A_709 = arith.constant 48 : index
        %parallel_loop3A_710 = tpu.vector_load %arg8[%parallel_loop3A_708, %parallel_loop3A_709] {strides = array<i32>} : memref<128x128xf32, #tpu.memory_space<vmem>>, vector<16xf32>,
        tpu.vector_store %arg8[%parallel_loop3A_708, %parallel_loop3A_709], %parallel_loop3A_697 {strides = array<i32>} : memref<128x128xf32, #tpu.memory_space<vmem>>, vector<16xf32>,
        %parallel_loop3A_711 = arith.constant 128 : i32
        %parallel_loop3A_712 = arith.muli %parallel_loop3A_583, %parallel_loop3A_711 : i32
        %parallel_loop3A_713 = arith.constant 48 : i32
        %parallel_loop3A_714 = arith.addi %parallel_loop3A_712, %parallel_loop3A_713 : i32
        %parallel_loop3A_715 = arith.index_cast %parallel_loop3A_714 : i32 to index
        %parallel_loop3A_716 = tpu.vector_load %arg5[%parallel_loop3A_715] {strides = array<i32>} : memref<8192xf32, #tpu.memory_space<vmem>>, vector<16xf32>,
        %parallel_loop3A_717 = arith.addf %parallel_loop3A_590, %parallel_loop3A_716 : vector<16xf32>
        %parallel_loop3A_718 = math.absf %parallel_loop3A_716 : vector<16xf32>
        %parallel_loop3A_719 = arith.addf %parallel_loop3A_591, %parallel_loop3A_718 : vector<16xf32>
        %parallel_loop3A_720 = arith.constant 128 : i32
        %parallel_loop3A_721 = arith.muli %parallel_loop3A_583, %parallel_loop3A_720 : i32
        %parallel_loop3A_722 = arith.constant 64 : i32
        %parallel_loop3A_723 = arith.addi %parallel_loop3A_721, %parallel_loop3A_722 : i32
        %parallel_loop3A_724 = arith.index_cast %parallel_loop3A_723 : i32 to index
        %parallel_loop3A_725 = tpu.vector_load %arg4[%parallel_loop3A_724] {strides = array<i32>} : memref<8192xf32, #tpu.memory_space<vmem>>, vector<16xf32>,
        %parallel_loop3A_726 = arith.constant -1.000000e+00 : f32
        %parallel_loop3A_727 = vector.broadcast %parallel_loop3A_726 : f32 to vector<16xf32>
        %parallel_loop3A_728 = arith.cmpf oeq, %parallel_loop3A_725, %parallel_loop3A_727 : vector<16xf32>
        %parallel_loop3A_729 = arith.select %parallel_loop3A_728, %scan3A_127, %parallel_loop3A_725 : vector<16xi1>, vector<16xf32>
        %parallel_loop3A_730 = arith.subf %broadcast_in_dim3A_3, %parallel_loop3A_729 : vector<16xf32>
        %parallel_loop3A_731 = arith.constant 2 : i32
        %parallel_loop3A_732 = arith.muli %parallel_loop3A_731, %parallel_loop3A_583 : i32
        %parallel_loop3A_733 = arith.index_cast %parallel_loop3A_732 : i32 to index
        %parallel_loop3A_734 = arith.constant 64 : index
        %parallel_loop3A_735 = tpu.vector_load %arg8[%parallel_loop3A_733, %parallel_loop3A_734] {strides = array<i32>} : memref<128x128xf32, #tpu.memory_space<vmem>>, vector<16xf32>,
        tpu.vector_store %arg8[%parallel_loop3A_733, %parallel_loop3A_734], %parallel_loop3A_730 {strides = array<i32>} : memref<128x128xf32, #tpu.memory_space<vmem>>, vector<16xf32>,
        %parallel_loop3A_736 = arith.constant 2 : i32
        %parallel_loop3A_737 = arith.muli %parallel_loop3A_736, %parallel_loop3A_583 : i32
        %parallel_loop3A_738 = arith.constant 1 : i32
        %parallel_loop3A_739 = arith.addi %parallel_loop3A_737, %parallel_loop3A_738 : i32
        %parallel_loop3A_740 = arith.index_cast %parallel_loop3A_739 : i32 to index
        %parallel_loop3A_741 = arith.constant 64 : index
        %parallel_loop3A_742 = tpu.vector_load %arg8[%parallel_loop3A_740, %parallel_loop3A_741] {strides = array<i32>} : memref<128x128xf32, #tpu.memory_space<vmem>>, vector<16xf32>,
        tpu.vector_store %arg8[%parallel_loop3A_740, %parallel_loop3A_741], %parallel_loop3A_729 {strides = array<i32>} : memref<128x128xf32, #tpu.memory_space<vmem>>, vector<16xf32>,
        %parallel_loop3A_743 = arith.constant 128 : i32
        %parallel_loop3A_744 = arith.muli %parallel_loop3A_583, %parallel_loop3A_743 : i32
        %parallel_loop3A_745 = arith.constant 64 : i32
        %parallel_loop3A_746 = arith.addi %parallel_loop3A_744, %parallel_loop3A_745 : i32
        %parallel_loop3A_747 = arith.index_cast %parallel_loop3A_746 : i32 to index
        %parallel_loop3A_748 = tpu.vector_load %arg5[%parallel_loop3A_747] {strides = array<i32>} : memref<8192xf32, #tpu.memory_space<vmem>>, vector<16xf32>,
        %parallel_loop3A_749 = arith.addf %parallel_loop3A_621, %parallel_loop3A_748 : vector<16xf32>
        %parallel_loop3A_750 = math.absf %parallel_loop3A_748 : vector<16xf32>
        %parallel_loop3A_751 = arith.addf %parallel_loop3A_623, %parallel_loop3A_750 : vector<16xf32>
        %parallel_loop3A_752 = arith.constant 128 : i32
        %parallel_loop3A_753 = arith.muli %parallel_loop3A_583, %parallel_loop3A_752 : i32
        %parallel_loop3A_754 = arith.constant 80 : i32
        %parallel_loop3A_755 = arith.addi %parallel_loop3A_753, %parallel_loop3A_754 : i32
        %parallel_loop3A_756 = arith.index_cast %parallel_loop3A_755 : i32 to index
        %parallel_loop3A_757 = tpu.vector_load %arg4[%parallel_loop3A_756] {strides = array<i32>} : memref<8192xf32, #tpu.memory_space<vmem>>, vector<16xf32>,
        %parallel_loop3A_758 = arith.constant -1.000000e+00 : f32
        %parallel_loop3A_759 = vector.broadcast %parallel_loop3A_758 : f32 to vector<16xf32>
        %parallel_loop3A_760 = arith.cmpf oeq, %parallel_loop3A_757, %parallel_loop3A_759 : vector<16xf32>
        %parallel_loop3A_761 = arith.select %parallel_loop3A_760, %scan3A_127, %parallel_loop3A_757 : vector<16xi1>, vector<16xf32>
        %parallel_loop3A_762 = arith.subf %broadcast_in_dim3A_3, %parallel_loop3A_761 : vector<16xf32>
        %parallel_loop3A_763 = arith.constant 2 : i32
        %parallel_loop3A_764 = arith.muli %parallel_loop3A_763, %parallel_loop3A_583 : i32
        %parallel_loop3A_765 = arith.index_cast %parallel_loop3A_764 : i32 to index
        %parallel_loop3A_766 = arith.constant 80 : index
        %parallel_loop3A_767 = tpu.vector_load %arg8[%parallel_loop3A_765, %parallel_loop3A_766] {strides = array<i32>} : memref<128x128xf32, #tpu.memory_space<vmem>>, vector<16xf32>,
        tpu.vector_store %arg8[%parallel_loop3A_765, %parallel_loop3A_766], %parallel_loop3A_762 {strides = array<i32>} : memref<128x128xf32, #tpu.memory_space<vmem>>, vector<16xf32>,
        %parallel_loop3A_768 = arith.constant 2 : i32
        %parallel_loop3A_769 = arith.muli %parallel_loop3A_768, %parallel_loop3A_583 : i32
        %parallel_loop3A_770 = arith.constant 1 : i32
        %parallel_loop3A_771 = arith.addi %parallel_loop3A_769, %parallel_loop3A_770 : i32
        %parallel_loop3A_772 = arith.index_cast %parallel_loop3A_771 : i32 to index
        %parallel_loop3A_773 = arith.constant 80 : index
        %parallel_loop3A_774 = tpu.vector_load %arg8[%parallel_loop3A_772, %parallel_loop3A_773] {strides = array<i32>} : memref<128x128xf32, #tpu.memory_space<vmem>>, vector<16xf32>,
        tpu.vector_store %arg8[%parallel_loop3A_772, %parallel_loop3A_773], %parallel_loop3A_761 {strides = array<i32>} : memref<128x128xf32, #tpu.memory_space<vmem>>, vector<16xf32>,
        %parallel_loop3A_775 = arith.constant 128 : i32
        %parallel_loop3A_776 = arith.muli %parallel_loop3A_583, %parallel_loop3A_775 : i32
        %parallel_loop3A_777 = arith.constant 80 : i32
        %parallel_loop3A_778 = arith.addi %parallel_loop3A_776, %parallel_loop3A_777 : i32
        %parallel_loop3A_779 = arith.index_cast %parallel_loop3A_778 : i32 to index
        %parallel_loop3A_780 = tpu.vector_load %arg5[%parallel_loop3A_779] {strides = array<i32>} : memref<8192xf32, #tpu.memory_space<vmem>>, vector<16xf32>,
        %parallel_loop3A_781 = arith.addf %parallel_loop3A_653, %parallel_loop3A_780 : vector<16xf32>
        %parallel_loop3A_782 = math.absf %parallel_loop3A_780 : vector<16xf32>
        %parallel_loop3A_783 = arith.addf %parallel_loop3A_655, %parallel_loop3A_782 : vector<16xf32>
        %parallel_loop3A_784 = arith.constant 128 : i32
        %parallel_loop3A_785 = arith.muli %parallel_loop3A_583, %parallel_loop3A_784 : i32
        %parallel_loop3A_786 = arith.constant 96 : i32
        %parallel_loop3A_787 = arith.addi %parallel_loop3A_785, %parallel_loop3A_786 : i32
        %parallel_loop3A_788 = arith.index_cast %parallel_loop3A_787 : i32 to index
        %parallel_loop3A_789 = tpu.vector_load %arg4[%parallel_loop3A_788] {strides = array<i32>} : memref<8192xf32, #tpu.memory_space<vmem>>, vector<16xf32>,
        %parallel_loop3A_790 = arith.constant -1.000000e+00 : f32
        %parallel_loop3A_791 = vector.broadcast %parallel_loop3A_790 : f32 to vector<16xf32>
        %parallel_loop3A_792 = arith.cmpf oeq, %parallel_loop3A_789, %parallel_loop3A_791 : vector<16xf32>
        %parallel_loop3A_793 = arith.select %parallel_loop3A_792, %scan3A_127, %parallel_loop3A_789 : vector<16xi1>, vector<16xf32>
        %parallel_loop3A_794 = arith.subf %broadcast_in_dim3A_3, %parallel_loop3A_793 : vector<16xf32>
        %parallel_loop3A_795 = arith.constant 2 : i32
        %parallel_loop3A_796 = arith.muli %parallel_loop3A_795, %parallel_loop3A_583 : i32
        %parallel_loop3A_797 = arith.index_cast %parallel_loop3A_796 : i32 to index
        %parallel_loop3A_798 = arith.constant 96 : index
        %parallel_loop3A_799 = tpu.vector_load %arg8[%parallel_loop3A_797, %parallel_loop3A_798] {strides = array<i32>} : memref<128x128xf32, #tpu.memory_space<vmem>>, vector<16xf32>,
        tpu.vector_store %arg8[%parallel_loop3A_797, %parallel_loop3A_798], %parallel_loop3A_794 {strides = array<i32>} : memref<128x128xf32, #tpu.memory_space<vmem>>, vector<16xf32>,
        %parallel_loop3A_800 = arith.constant 2 : i32
        %parallel_loop3A_801 = arith.muli %parallel_loop3A_800, %parallel_loop3A_583 : i32
        %parallel_loop3A_802 = arith.constant 1 : i32
        %parallel_loop3A_803 = arith.addi %parallel_loop3A_801, %parallel_loop3A_802 : i32
        %parallel_loop3A_804 = arith.index_cast %parallel_loop3A_803 : i32 to index
        %parallel_loop3A_805 = arith.constant 96 : index
        %parallel_loop3A_806 = tpu.vector_load %arg8[%parallel_loop3A_804, %parallel_loop3A_805] {strides = array<i32>} : memref<128x128xf32, #tpu.memory_space<vmem>>, vector<16xf32>,
        tpu.vector_store %arg8[%parallel_loop3A_804, %parallel_loop3A_805], %parallel_loop3A_793 {strides = array<i32>} : memref<128x128xf32, #tpu.memory_space<vmem>>, vector<16xf32>,
        %parallel_loop3A_807 = arith.constant 128 : i32
        %parallel_loop3A_808 = arith.muli %parallel_loop3A_583, %parallel_loop3A_807 : i32
        %parallel_loop3A_809 = arith.constant 96 : i32
        %parallel_loop3A_810 = arith.addi %parallel_loop3A_808, %parallel_loop3A_809 : i32
        %parallel_loop3A_811 = arith.index_cast %parallel_loop3A_810 : i32 to index
        %parallel_loop3A_812 = tpu.vector_load %arg5[%parallel_loop3A_811] {strides = array<i32>} : memref<8192xf32, #tpu.memory_space<vmem>>, vector<16xf32>,
        %parallel_loop3A_813 = arith.addf %parallel_loop3A_685, %parallel_loop3A_812 : vector<16xf32>
        %parallel_loop3A_814 = math.absf %parallel_loop3A_812 : vector<16xf32>
        %parallel_loop3A_815 = arith.addf %parallel_loop3A_687, %parallel_loop3A_814 : vector<16xf32>
        %parallel_loop3A_816 = arith.constant 128 : i32
        %parallel_loop3A_817 = arith.muli %parallel_loop3A_583, %parallel_loop3A_816 : i32
        %parallel_loop3A_818 = arith.constant 112 : i32
        %parallel_loop3A_819 = arith.addi %parallel_loop3A_817, %parallel_loop3A_818 : i32
        %parallel_loop3A_820 = arith.index_cast %parallel_loop3A_819 : i32 to index
        %parallel_loop3A_821 = tpu.vector_load %arg4[%parallel_loop3A_820] {strides = array<i32>} : memref<8192xf32, #tpu.memory_space<vmem>>, vector<16xf32>,
        %parallel_loop3A_822 = arith.constant -1.000000e+00 : f32
        %parallel_loop3A_823 = vector.broadcast %parallel_loop3A_822 : f32 to vector<16xf32>
        %parallel_loop3A_824 = arith.cmpf oeq, %parallel_loop3A_821, %parallel_loop3A_823 : vector<16xf32>
        %parallel_loop3A_825 = arith.select %parallel_loop3A_824, %scan3A_127, %parallel_loop3A_821 : vector<16xi1>, vector<16xf32>
        %parallel_loop3A_826 = arith.subf %broadcast_in_dim3A_3, %parallel_loop3A_825 : vector<16xf32>
        %parallel_loop3A_827 = arith.constant 2 : i32
        %parallel_loop3A_828 = arith.muli %parallel_loop3A_827, %parallel_loop3A_583 : i32
        %parallel_loop3A_829 = arith.index_cast %parallel_loop3A_828 : i32 to index
        %parallel_loop3A_830 = arith.constant 112 : index
        %parallel_loop3A_831 = tpu.vector_load %arg8[%parallel_loop3A_829, %parallel_loop3A_830] {strides = array<i32>} : memref<128x128xf32, #tpu.memory_space<vmem>>, vector<16xf32>,
        tpu.vector_store %arg8[%parallel_loop3A_829, %parallel_loop3A_830], %parallel_loop3A_826 {strides = array<i32>} : memref<128x128xf32, #tpu.memory_space<vmem>>, vector<16xf32>,
        %parallel_loop3A_832 = arith.constant 2 : i32
        %parallel_loop3A_833 = arith.muli %parallel_loop3A_832, %parallel_loop3A_583 : i32
        %parallel_loop3A_834 = arith.constant 1 : i32
        %parallel_loop3A_835 = arith.addi %parallel_loop3A_833, %parallel_loop3A_834 : i32
        %parallel_loop3A_836 = arith.index_cast %parallel_loop3A_835 : i32 to index
        %parallel_loop3A_837 = arith.constant 112 : index
        %parallel_loop3A_838 = tpu.vector_load %arg8[%parallel_loop3A_836, %parallel_loop3A_837] {strides = array<i32>} : memref<128x128xf32, #tpu.memory_space<vmem>>, vector<16xf32>,
        tpu.vector_store %arg8[%parallel_loop3A_836, %parallel_loop3A_837], %parallel_loop3A_825 {strides = array<i32>} : memref<128x128xf32, #tpu.memory_space<vmem>>, vector<16xf32>,
        %parallel_loop3A_839 = arith.constant 128 : i32
        %parallel_loop3A_840 = arith.muli %parallel_loop3A_583, %parallel_loop3A_839 : i32
        %parallel_loop3A_841 = arith.constant 112 : i32
        %parallel_loop3A_842 = arith.addi %parallel_loop3A_840, %parallel_loop3A_841 : i32
        %parallel_loop3A_843 = arith.index_cast %parallel_loop3A_842 : i32 to index
        %parallel_loop3A_844 = tpu.vector_load %arg5[%parallel_loop3A_843] {strides = array<i32>} : memref<8192xf32, #tpu.memory_space<vmem>>, vector<16xf32>,
        %parallel_loop3A_845 = arith.addf %parallel_loop3A_717, %parallel_loop3A_844 : vector<16xf32>
        %parallel_loop3A_846 = math.absf %parallel_loop3A_844 : vector<16xf32>
        %parallel_loop3A_847 = arith.addf %parallel_loop3A_719, %parallel_loop3A_846 : vector<16xf32>
        scf.yield %parallel_loop3A_749, %parallel_loop3A_751, %parallel_loop3A_781, %parallel_loop3A_783, %parallel_loop3A_813, %parallel_loop3A_815, %parallel_loop3A_845, %parallel_loop3A_847 : vector<16xf32>, vector<16xf32>, vector<16xf32>, vector<16xf32>, vector<16xf32>, vector<16xf32>, vector<16xf32>, vector<16xf32>
      } {sc.loop_unroll_factor = 1 : i64, sc.parallel_access}
      %add3A_160 = arith.addf %parallel_loop3A_159#0, %parallel_loop3A_159#2 : vector<16xf32>
      %add3A_161 = arith.addf %add3A_160, %parallel_loop3A_159#4 : vector<16xf32>
      %add3A_162 = arith.addf %add3A_161, %parallel_loop3A_159#6 : vector<16xf32>
      %iota3A_163 = tpu.iota {dimensions = array<i32: 0>} : vector<16xi32>
      %swap3A_164 = arith.constant 0 : index
      %swap3A_165 = tpu.vector_load %arg16[%swap3A_164] {strides = array<i32>} : memref<16xf32, #tpu.memory_space<vmem>>, vector<16xf32>,
      tpu.vector_store %arg16[%swap3A_164], %add3A_162 {strides = array<i32>} : memref<16xf32, #tpu.memory_space<vmem>>, vector<16xf32>,
      %xor3A_166 = arith.constant 1 : i32
      %xor3A_167 = vector.broadcast %xor3A_166 : i32 to vector<16xi32>
      %xor3A_168 = arith.xori %iota3A_163, %xor3A_167 : vector<16xi32>
      %gather3A_169 = tpu.vector_load_idx %arg16[%xor3A_168] : memref<16xf32, #tpu.memory_space<vmem>>[vector<16xi32>], vector<16xf32>,
      %add3A_170 = arith.addf %add3A_162, %gather3A_169 : vector<16xf32>
      %swap3A_171 = arith.constant 0 : index
      %swap3A_172 = tpu.vector_load %arg16[%swap3A_171] {strides = array<i32>} : memref<16xf32, #tpu.memory_space<vmem>>, vector<16xf32>,
      tpu.vector_store %arg16[%swap3A_171], %add3A_170 {strides = array<i32>} : memref<16xf32, #tpu.memory_space<vmem>>, vector<16xf32>,
      %xor3A_173 = arith.constant 2 : i32
      %xor3A_174 = vector.broadcast %xor3A_173 : i32 to vector<16xi32>
      %xor3A_175 = arith.xori %iota3A_163, %xor3A_174 : vector<16xi32>
      %gather3A_176 = tpu.vector_load_idx %arg16[%xor3A_175] : memref<16xf32, #tpu.memory_space<vmem>>[vector<16xi32>], vector<16xf32>,
      %add3A_177 = arith.addf %add3A_170, %gather3A_176 : vector<16xf32>
      %swap3A_178 = arith.constant 0 : index
      %swap3A_179 = tpu.vector_load %arg16[%swap3A_178] {strides = array<i32>} : memref<16xf32, #tpu.memory_space<vmem>>, vector<16xf32>,
      tpu.vector_store %arg16[%swap3A_178], %add3A_177 {strides = array<i32>} : memref<16xf32, #tpu.memory_space<vmem>>, vector<16xf32>,
      %xor3A_180 = arith.constant 4 : i32
      %xor3A_181 = vector.broadcast %xor3A_180 : i32 to vector<16xi32>
      %xor3A_182 = arith.xori %iota3A_163, %xor3A_181 : vector<16xi32>
      %gather3A_183 = tpu.vector_load_idx %arg16[%xor3A_182] : memref<16xf32, #tpu.memory_space<vmem>>[vector<16xi32>], vector<16xf32>,
      %add3A_184 = arith.addf %add3A_177, %gather3A_183 : vector<16xf32>
      %swap3A_185 = arith.constant 0 : index
      %swap3A_186 = tpu.vector_load %arg16[%swap3A_185] {strides = array<i32>} : memref<16xf32, #tpu.memory_space<vmem>>, vector<16xf32>,
      tpu.vector_store %arg16[%swap3A_185], %add3A_184 {strides = array<i32>} : memref<16xf32, #tpu.memory_space<vmem>>, vector<16xf32>,
      %xor3A_187 = arith.constant 8 : i32
      %xor3A_188 = vector.broadcast %xor3A_187 : i32 to vector<16xi32>
      %xor3A_189 = arith.xori %iota3A_163, %xor3A_188 : vector<16xi32>
      %gather3A_190 = tpu.vector_load_idx %arg16[%xor3A_189] : memref<16xf32, #tpu.memory_space<vmem>>[vector<16xi32>], vector<16xf32>,
      %add3A_191 = arith.addf %add3A_184, %gather3A_190 : vector<16xf32>
      %add3A_192 = arith.addf %parallel_loop3A_159#1, %parallel_loop3A_159#3 : vector<16xf32>
      %add3A_193 = arith.addf %add3A_192, %parallel_loop3A_159#5 : vector<16xf32>
      %add3A_194 = arith.addf %add3A_193, %parallel_loop3A_159#7 : vector<16xf32>
      %iota3A_195 = tpu.iota {dimensions = array<i32: 0>} : vector<16xi32>
      %swap3A_196 = arith.constant 0 : index
      %swap3A_197 = tpu.vector_load %arg16[%swap3A_196] {strides = array<i32>} : memref<16xf32, #tpu.memory_space<vmem>>, vector<16xf32>,
      tpu.vector_store %arg16[%swap3A_196], %add3A_194 {strides = array<i32>} : memref<16xf32, #tpu.memory_space<vmem>>, vector<16xf32>,
      %xor3A_198 = arith.constant 1 : i32
      %xor3A_199 = vector.broadcast %xor3A_198 : i32 to vector<16xi32>
      %xor3A_200 = arith.xori %iota3A_195, %xor3A_199 : vector<16xi32>
      %gather3A_201 = tpu.vector_load_idx %arg16[%xor3A_200] : memref<16xf32, #tpu.memory_space<vmem>>[vector<16xi32>], vector<16xf32>,
      %add3A_202 = arith.addf %add3A_194, %gather3A_201 : vector<16xf32>
      %swap3A_203 = arith.constant 0 : index
      %swap3A_204 = tpu.vector_load %arg16[%swap3A_203] {strides = array<i32>} : memref<16xf32, #tpu.memory_space<vmem>>, vector<16xf32>,
      tpu.vector_store %arg16[%swap3A_203], %add3A_202 {strides = array<i32>} : memref<16xf32, #tpu.memory_space<vmem>>, vector<16xf32>,
      %xor3A_205 = arith.constant 2 : i32
      %xor3A_206 = vector.broadcast %xor3A_205 : i32 to vector<16xi32>
      %xor3A_207 = arith.xori %iota3A_195, %xor3A_206 : vector<16xi32>
      %gather3A_208 = tpu.vector_load_idx %arg16[%xor3A_207] : memref<16xf32, #tpu.memory_space<vmem>>[vector<16xi32>], vector<16xf32>,
      %add3A_209 = arith.addf %add3A_202, %gather3A_208 : vector<16xf32>
      %swap3A_210 = arith.constant 0 : index
      %swap3A_211 = tpu.vector_load %arg16[%swap3A_210] {strides = array<i32>} : memref<16xf32, #tpu.memory_space<vmem>>, vector<16xf32>,
      tpu.vector_store %arg16[%swap3A_210], %add3A_209 {strides = array<i32>} : memref<16xf32, #tpu.memory_space<vmem>>, vector<16xf32>,
      %xor3A_212 = arith.constant 4 : i32
      %xor3A_213 = vector.broadcast %xor3A_212 : i32 to vector<16xi32>
      %xor3A_214 = arith.xori %iota3A_195, %xor3A_213 : vector<16xi32>
      %gather3A_215 = tpu.vector_load_idx %arg16[%xor3A_214] : memref<16xf32, #tpu.memory_space<vmem>>[vector<16xi32>], vector<16xf32>,
      %add3A_216 = arith.addf %add3A_209, %gather3A_215 : vector<16xf32>
      %swap3A_217 = arith.constant 0 : index
      %swap3A_218 = tpu.vector_load %arg16[%swap3A_217] {strides = array<i32>} : memref<16xf32, #tpu.memory_space<vmem>>, vector<16xf32>,
      tpu.vector_store %arg16[%swap3A_217], %add3A_216 {strides = array<i32>} : memref<16xf32, #tpu.memory_space<vmem>>, vector<16xf32>,
      %xor3A_219 = arith.constant 8 : i32
      %xor3A_220 = vector.broadcast %xor3A_219 : i32 to vector<16xi32>
      %xor3A_221 = arith.xori %iota3A_195, %xor3A_220 : vector<16xi32>
      %gather3A_222 = tpu.vector_load_idx %arg16[%xor3A_221] : memref<16xf32, #tpu.memory_space<vmem>>[vector<16xi32>], vector<16xf32>,
      %add3A_223 = arith.addf %add3A_216, %gather3A_222 : vector<16xf32>
      %sub3A_224 = arith.subf %add3A_223, %add3A_191 : vector<16xf32>
      %lt3A_225 = vector.broadcast %scan3A : f32 to vector<16xf32>
      %lt3A_226 = arith.cmpf olt, %sub3A_224, %lt3A_225 : vector<16xf32>
      %mul3A_227 = arith.constant 3.000000e+00 : f32
      %mul3A_228 = vector.broadcast %mul3A_227 : f32 to vector<16xf32>
      %mul3A_229 = arith.mulf %mul3A_228, %add3A_223 : vector<16xf32>
      %add3A_230 = arith.addf %add3A_191, %mul3A_229 : vector<16xf32>
      %gt3A_231 = vector.broadcast %scan3A : f32 to vector<16xf32>
      %gt3A_232 = arith.cmpf ogt, %add3A_230, %gt3A_231 : vector<16xf32>
      %select_n3A_233 = arith.select %gt3A_232, %broadcast_in_dim3A_3, %broadcast_in_dim3A_5 : vector<16xi1>, vector<16xf32>
      %select_n3A_234 = arith.select %lt3A_226, %select_n3A_233, %broadcast_in_dim3A_3 : vector<16xi1>, vector<16xf32>
      %dma_start3A_235 = arith.constant 0 : i32
      %dma_start3A_236 = arith.constant 0 : i32
      %dma_start3A_237 = tpu.memref_slice %arg3[%add3A_136, %dma_start3A_235, %dma_start3A_236] : memref<1024x128x128xf32, #tpu.memory_space<hbm>> -> memref<1x128x128xf32, #tpu.memory_space<hbm>>
      %dma_start3A_238 = tpu.memref_squeeze %dma_start3A_237 : memref<1x128x128xf32, #tpu.memory_space<hbm>> -> memref<128x128xf32, #tpu.memory_space<hbm>>
      %dma_start3A_239 = arith.constant 0 : i32
      %dma_start3A_240 = arith.constant 0 : i32
      %dma_start3A_241 = tpu.memref_slice %arg3[%add3A_136, %dma_start3A_239, %dma_start3A_240] : memref<1024x128x128xf32, #tpu.memory_space<hbm>> -> memref<1x128x128xf32, #tpu.memory_space<hbm>>
      %dma_start3A_242 = tpu.memref_squeeze %dma_start3A_241 : memref<1x128x128xf32, #tpu.memory_space<hbm>> -> memref<128x128xf32, #tpu.memory_space<hbm>>
      tpu.enqueue_dma source(%arg8 : memref<128x128xf32, #tpu.memory_space<vmem>>) target(%dma_start3A_242 : memref<128x128xf32, #tpu.memory_space<hbm>>) target_semaphore(%arg14 : memref<!tpu.dma_semaphore, #tpu.memory_space<semaphore_mem>>)
      %mul3A_243 = arith.constant 4 : i32
      %mul3A_244 = arith.muli %mul3A_243, %add3A_131 : i32
      %add3A_245 = arith.addi %mul3A_2, %mul3A_244 : i32
      %add3A_246 = arith.constant 1 : i32
      %add3A_247 = arith.addi %add3A_245, %add3A_246 : i32
      %add3A_248 = arith.constant 2 : i32
      %add3A_249 = arith.addi %add3A_247, %add3A_248 : i32
      %dma_start3A_250 = arith.constant 0 : i32
      %dma_start3A_251 = tpu.memref_slice %arg2[%add3A_249, %dma_start3A_250] : memref<1024x8192xf32, #tpu.memory_space<hbm>> -> memref<1x8192xf32, #tpu.memory_space<hbm>>
      %dma_start3A_252 = tpu.memref_squeeze %dma_start3A_251 : memref<1x8192xf32, #tpu.memory_space<hbm>> -> memref<8192xf32, #tpu.memory_space<hbm>>
      %dma_start3A_253 = arith.constant 0 : i32
      %dma_start3A_254 = tpu.memref_slice %arg2[%add3A_249, %dma_start3A_253] : memref<1024x8192xf32, #tpu.memory_space<hbm>> -> memref<1x8192xf32, #tpu.memory_space<hbm>>
      %dma_start3A_255 = tpu.memref_squeeze %dma_start3A_254 : memref<1x8192xf32, #tpu.memory_space<hbm>> -> memref<8192xf32, #tpu.memory_space<hbm>>
      tpu.enqueue_dma source(%dma_start3A_255 : memref<8192xf32, #tpu.memory_space<hbm>>) target(%arg7 : memref<8192xf32, #tpu.memory_space<vmem>>) target_semaphore(%arg13 : memref<!tpu.dma_semaphore, #tpu.memory_space<semaphore_mem>>)
      %add3A_256 = arith.constant 1 : i32
      %add3A_257 = arith.addi %add3A_247, %add3A_256 : i32
      %dma_wait3A_258 = arith.constant 0 : i32
      %dma_wait3A_259 = tpu.memref_slice %arg2[%add3A_257, %dma_wait3A_258] : memref<1024x8192xf32, #tpu.memory_space<hbm>> -> memref<1x8192xf32, #tpu.memory_space<hbm>>
      %dma_wait3A_260 = tpu.memref_squeeze %dma_wait3A_259 : memref<1x8192xf32, #tpu.memory_space<hbm>> -> memref<8192xf32, #tpu.memory_space<hbm>>
      %dma_wait3A_261 = arith.constant 0 : i32
      %dma_wait3A_262 = tpu.memref_slice %arg2[%add3A_257, %dma_wait3A_261] : memref<1024x8192xf32, #tpu.memory_space<hbm>> -> memref<1x8192xf32, #tpu.memory_space<hbm>>
      %dma_wait3A_263 = tpu.memref_squeeze %dma_wait3A_262 : memref<1x8192xf32, #tpu.memory_space<hbm>> -> memref<8192xf32, #tpu.memory_space<hbm>>
      tpu.wait_dma2 semaphore(%arg12 : memref<!tpu.dma_semaphore, #tpu.memory_space<semaphore_mem>>) src(%dma_wait3A_263 : memref<8192xf32, #tpu.memory_space<hbm>>) dst(%arg6 : memref<8192xf32, #tpu.memory_space<vmem>>)
      %gt3A_264 = arith.constant 0 : i32
      %gt3A_265 = arith.cmpi sgt, %add3A_131, %gt3A_264 : i32
      %convert_element_type3A_266 = arith.extui %gt3A_265 : i1 to i32
      %cond3A_267 = arith.constant 0 : i32
      %cond3A_268 = arith.cmpi ne, %convert_element_type3A_266, %cond3A_267 : i32
      scf.if %cond3A_268 {
        %sub3A_583 = arith.constant 2 : i32
        %sub3A_584 = arith.subi %add3A_247, %sub3A_583 : i32
        %dma_wait3A_585 = arith.constant 0 : i32
        %dma_wait3A_586 = arith.constant 0 : i32
        %dma_wait3A_587 = tpu.memref_slice %arg3[%sub3A_584, %dma_wait3A_585, %dma_wait3A_586] : memref<1024x128x128xf32, #tpu.memory_space<hbm>> -> memref<1x128x128xf32, #tpu.memory_space<hbm>>
        %dma_wait3A_588 = tpu.memref_squeeze %dma_wait3A_587 : memref<1x128x128xf32, #tpu.memory_space<hbm>> -> memref<128x128xf32, #tpu.memory_space<hbm>>
        %dma_wait3A_589 = arith.constant 0 : i32
        %dma_wait3A_590 = arith.constant 0 : i32
        %dma_wait3A_591 = tpu.memref_slice %arg3[%sub3A_584, %dma_wait3A_589, %dma_wait3A_590] : memref<1024x128x128xf32, #tpu.memory_space<hbm>> -> memref<1x128x128xf32, #tpu.memory_space<hbm>>
        %dma_wait3A_592 = tpu.memref_squeeze %dma_wait3A_591 : memref<1x128x128xf32, #tpu.memory_space<hbm>> -> memref<128x128xf32, #tpu.memory_space<hbm>>
        tpu.wait_dma2 semaphore(%arg15 : memref<!tpu.dma_semaphore, #tpu.memory_space<semaphore_mem>>) src(%arg9 : memref<128x128xf32, #tpu.memory_space<vmem>>) dst(%dma_wait3A_592 : memref<128x128xf32, #tpu.memory_space<hbm>>)
      } else {
      }
      %parallel_loop3A_269 = arith.constant 0 : i32
      %parallel_loop3A_270 = arith.constant 64 : i32
      %parallel_loop3A_271 = arith.constant 1 : i32
      %parallel_loop3A_272:8 = scf.for %parallel_loop3A_583 = %parallel_loop3A_269 to %parallel_loop3A_270 step %parallel_loop3A_271 iter_args(%parallel_loop3A_584 = %broadcast_in_dim3A_5, %parallel_loop3A_585 = %broadcast_in_dim3A_5, %parallel_loop3A_586 = %broadcast_in_dim3A_5, %parallel_loop3A_587 = %broadcast_in_dim3A_5, %parallel_loop3A_588 = %broadcast_in_dim3A_5, %parallel_loop3A_589 = %broadcast_in_dim3A_5, %parallel_loop3A_590 = %broadcast_in_dim3A_5, %parallel_loop3A_591 = %broadcast_in_dim3A_5) -> (vector<16xf32>, vector<16xf32>, vector<16xf32>, vector<16xf32>, vector<16xf32>, vector<16xf32>, vector<16xf32>, vector<16xf32>)  : i32 {
        %parallel_loop3A_592 = arith.constant 128 : i32
        %parallel_loop3A_593 = arith.muli %parallel_loop3A_583, %parallel_loop3A_592 : i32
        %parallel_loop3A_594 = arith.constant 0 : i32
        %parallel_loop3A_595 = arith.addi %parallel_loop3A_593, %parallel_loop3A_594 : i32
        %parallel_loop3A_596 = arith.index_cast %parallel_loop3A_595 : i32 to index
        %parallel_loop3A_597 = tpu.vector_load %arg5[%parallel_loop3A_596] {strides = array<i32>} : memref<8192xf32, #tpu.memory_space<vmem>>, vector<16xf32>,
        %parallel_loop3A_598 = arith.constant -1.000000e+00 : f32
        %parallel_loop3A_599 = vector.broadcast %parallel_loop3A_598 : f32 to vector<16xf32>
        %parallel_loop3A_600 = arith.cmpf oeq, %parallel_loop3A_597, %parallel_loop3A_599 : vector<16xf32>
        %parallel_loop3A_601 = arith.select %parallel_loop3A_600, %select_n3A_234, %parallel_loop3A_597 : vector<16xi1>, vector<16xf32>
        %parallel_loop3A_602 = arith.subf %broadcast_in_dim3A_3, %parallel_loop3A_601 : vector<16xf32>
        %parallel_loop3A_603 = arith.constant 2 : i32
        %parallel_loop3A_604 = arith.muli %parallel_loop3A_603, %parallel_loop3A_583 : i32
        %parallel_loop3A_605 = arith.index_cast %parallel_loop3A_604 : i32 to index
        %parallel_loop3A_606 = arith.constant 0 : index
        %parallel_loop3A_607 = tpu.vector_load %arg9[%parallel_loop3A_605, %parallel_loop3A_606] {strides = array<i32>} : memref<128x128xf32, #tpu.memory_space<vmem>>, vector<16xf32>,
        tpu.vector_store %arg9[%parallel_loop3A_605, %parallel_loop3A_606], %parallel_loop3A_602 {strides = array<i32>} : memref<128x128xf32, #tpu.memory_space<vmem>>, vector<16xf32>,
        %parallel_loop3A_608 = arith.constant 2 : i32
        %parallel_loop3A_609 = arith.muli %parallel_loop3A_608, %parallel_loop3A_583 : i32
        %parallel_loop3A_610 = arith.constant 1 : i32
        %parallel_loop3A_611 = arith.addi %parallel_loop3A_609, %parallel_loop3A_610 : i32
        %parallel_loop3A_612 = arith.index_cast %parallel_loop3A_611 : i32 to index
        %parallel_loop3A_613 = arith.constant 0 : index
        %parallel_loop3A_614 = tpu.vector_load %arg9[%parallel_loop3A_612, %parallel_loop3A_613] {strides = array<i32>} : memref<128x128xf32, #tpu.memory_space<vmem>>, vector<16xf32>,
        tpu.vector_store %arg9[%parallel_loop3A_612, %parallel_loop3A_613], %parallel_loop3A_601 {strides = array<i32>} : memref<128x128xf32, #tpu.memory_space<vmem>>, vector<16xf32>,
        %parallel_loop3A_615 = arith.constant 128 : i32
        %parallel_loop3A_616 = arith.muli %parallel_loop3A_583, %parallel_loop3A_615 : i32
        %parallel_loop3A_617 = arith.constant 0 : i32
        %parallel_loop3A_618 = arith.addi %parallel_loop3A_616, %parallel_loop3A_617 : i32
        %parallel_loop3A_619 = arith.index_cast %parallel_loop3A_618 : i32 to index
        %parallel_loop3A_620 = tpu.vector_load %arg6[%parallel_loop3A_619] {strides = array<i32>} : memref<8192xf32, #tpu.memory_space<vmem>>, vector<16xf32>,
        %parallel_loop3A_621 = arith.addf %parallel_loop3A_584, %parallel_loop3A_620 : vector<16xf32>
        %parallel_loop3A_622 = math.absf %parallel_loop3A_620 : vector<16xf32>
        %parallel_loop3A_623 = arith.addf %parallel_loop3A_585, %parallel_loop3A_622 : vector<16xf32>
        %parallel_loop3A_624 = arith.constant 128 : i32
        %parallel_loop3A_625 = arith.muli %parallel_loop3A_583, %parallel_loop3A_624 : i32
        %parallel_loop3A_626 = arith.constant 16 : i32
        %parallel_loop3A_627 = arith.addi %parallel_loop3A_625, %parallel_loop3A_626 : i32
        %parallel_loop3A_628 = arith.index_cast %parallel_loop3A_627 : i32 to index
        %parallel_loop3A_629 = tpu.vector_load %arg5[%parallel_loop3A_628] {strides = array<i32>} : memref<8192xf32, #tpu.memory_space<vmem>>, vector<16xf32>,
        %parallel_loop3A_630 = arith.constant -1.000000e+00 : f32
        %parallel_loop3A_631 = vector.broadcast %parallel_loop3A_630 : f32 to vector<16xf32>
        %parallel_loop3A_632 = arith.cmpf oeq, %parallel_loop3A_629, %parallel_loop3A_631 : vector<16xf32>
        %parallel_loop3A_633 = arith.select %parallel_loop3A_632, %select_n3A_234, %parallel_loop3A_629 : vector<16xi1>, vector<16xf32>
        %parallel_loop3A_634 = arith.subf %broadcast_in_dim3A_3, %parallel_loop3A_633 : vector<16xf32>
        %parallel_loop3A_635 = arith.constant 2 : i32
        %parallel_loop3A_636 = arith.muli %parallel_loop3A_635, %parallel_loop3A_583 : i32
        %parallel_loop3A_637 = arith.index_cast %parallel_loop3A_636 : i32 to index
        %parallel_loop3A_638 = arith.constant 16 : index
        %parallel_loop3A_639 = tpu.vector_load %arg9[%parallel_loop3A_637, %parallel_loop3A_638] {strides = array<i32>} : memref<128x128xf32, #tpu.memory_space<vmem>>, vector<16xf32>,
        tpu.vector_store %arg9[%parallel_loop3A_637, %parallel_loop3A_638], %parallel_loop3A_634 {strides = array<i32>} : memref<128x128xf32, #tpu.memory_space<vmem>>, vector<16xf32>,
        %parallel_loop3A_640 = arith.constant 2 : i32
        %parallel_loop3A_641 = arith.muli %parallel_loop3A_640, %parallel_loop3A_583 : i32
        %parallel_loop3A_642 = arith.constant 1 : i32
        %parallel_loop3A_643 = arith.addi %parallel_loop3A_641, %parallel_loop3A_642 : i32
        %parallel_loop3A_644 = arith.index_cast %parallel_loop3A_643 : i32 to index
        %parallel_loop3A_645 = arith.constant 16 : index
        %parallel_loop3A_646 = tpu.vector_load %arg9[%parallel_loop3A_644, %parallel_loop3A_645] {strides = array<i32>} : memref<128x128xf32, #tpu.memory_space<vmem>>, vector<16xf32>,
        tpu.vector_store %arg9[%parallel_loop3A_644, %parallel_loop3A_645], %parallel_loop3A_633 {strides = array<i32>} : memref<128x128xf32, #tpu.memory_space<vmem>>, vector<16xf32>,
        %parallel_loop3A_647 = arith.constant 128 : i32
        %parallel_loop3A_648 = arith.muli %parallel_loop3A_583, %parallel_loop3A_647 : i32
        %parallel_loop3A_649 = arith.constant 16 : i32
        %parallel_loop3A_650 = arith.addi %parallel_loop3A_648, %parallel_loop3A_649 : i32
        %parallel_loop3A_651 = arith.index_cast %parallel_loop3A_650 : i32 to index
        %parallel_loop3A_652 = tpu.vector_load %arg6[%parallel_loop3A_651] {strides = array<i32>} : memref<8192xf32, #tpu.memory_space<vmem>>, vector<16xf32>,
        %parallel_loop3A_653 = arith.addf %parallel_loop3A_586, %parallel_loop3A_652 : vector<16xf32>
        %parallel_loop3A_654 = math.absf %parallel_loop3A_652 : vector<16xf32>
        %parallel_loop3A_655 = arith.addf %parallel_loop3A_587, %parallel_loop3A_654 : vector<16xf32>
        %parallel_loop3A_656 = arith.constant 128 : i32
        %parallel_loop3A_657 = arith.muli %parallel_loop3A_583, %parallel_loop3A_656 : i32
        %parallel_loop3A_658 = arith.constant 32 : i32
        %parallel_loop3A_659 = arith.addi %parallel_loop3A_657, %parallel_loop3A_658 : i32
        %parallel_loop3A_660 = arith.index_cast %parallel_loop3A_659 : i32 to index
        %parallel_loop3A_661 = tpu.vector_load %arg5[%parallel_loop3A_660] {strides = array<i32>} : memref<8192xf32, #tpu.memory_space<vmem>>, vector<16xf32>,
        %parallel_loop3A_662 = arith.constant -1.000000e+00 : f32
        %parallel_loop3A_663 = vector.broadcast %parallel_loop3A_662 : f32 to vector<16xf32>
        %parallel_loop3A_664 = arith.cmpf oeq, %parallel_loop3A_661, %parallel_loop3A_663 : vector<16xf32>
        %parallel_loop3A_665 = arith.select %parallel_loop3A_664, %select_n3A_234, %parallel_loop3A_661 : vector<16xi1>, vector<16xf32>
        %parallel_loop3A_666 = arith.subf %broadcast_in_dim3A_3, %parallel_loop3A_665 : vector<16xf32>
        %parallel_loop3A_667 = arith.constant 2 : i32
        %parallel_loop3A_668 = arith.muli %parallel_loop3A_667, %parallel_loop3A_583 : i32
        %parallel_loop3A_669 = arith.index_cast %parallel_loop3A_668 : i32 to index
        %parallel_loop3A_670 = arith.constant 32 : index
        %parallel_loop3A_671 = tpu.vector_load %arg9[%parallel_loop3A_669, %parallel_loop3A_670] {strides = array<i32>} : memref<128x128xf32, #tpu.memory_space<vmem>>, vector<16xf32>,
        tpu.vector_store %arg9[%parallel_loop3A_669, %parallel_loop3A_670], %parallel_loop3A_666 {strides = array<i32>} : memref<128x128xf32, #tpu.memory_space<vmem>>, vector<16xf32>,
        %parallel_loop3A_672 = arith.constant 2 : i32
        %parallel_loop3A_673 = arith.muli %parallel_loop3A_672, %parallel_loop3A_583 : i32
        %parallel_loop3A_674 = arith.constant 1 : i32
        %parallel_loop3A_675 = arith.addi %parallel_loop3A_673, %parallel_loop3A_674 : i32
        %parallel_loop3A_676 = arith.index_cast %parallel_loop3A_675 : i32 to index
        %parallel_loop3A_677 = arith.constant 32 : index
        %parallel_loop3A_678 = tpu.vector_load %arg9[%parallel_loop3A_676, %parallel_loop3A_677] {strides = array<i32>} : memref<128x128xf32, #tpu.memory_space<vmem>>, vector<16xf32>,
        tpu.vector_store %arg9[%parallel_loop3A_676, %parallel_loop3A_677], %parallel_loop3A_665 {strides = array<i32>} : memref<128x128xf32, #tpu.memory_space<vmem>>, vector<16xf32>,
        %parallel_loop3A_679 = arith.constant 128 : i32
        %parallel_loop3A_680 = arith.muli %parallel_loop3A_583, %parallel_loop3A_679 : i32
        %parallel_loop3A_681 = arith.constant 32 : i32
        %parallel_loop3A_682 = arith.addi %parallel_loop3A_680, %parallel_loop3A_681 : i32
        %parallel_loop3A_683 = arith.index_cast %parallel_loop3A_682 : i32 to index
        %parallel_loop3A_684 = tpu.vector_load %arg6[%parallel_loop3A_683] {strides = array<i32>} : memref<8192xf32, #tpu.memory_space<vmem>>, vector<16xf32>,
        %parallel_loop3A_685 = arith.addf %parallel_loop3A_588, %parallel_loop3A_684 : vector<16xf32>
        %parallel_loop3A_686 = math.absf %parallel_loop3A_684 : vector<16xf32>
        %parallel_loop3A_687 = arith.addf %parallel_loop3A_589, %parallel_loop3A_686 : vector<16xf32>
        %parallel_loop3A_688 = arith.constant 128 : i32
        %parallel_loop3A_689 = arith.muli %parallel_loop3A_583, %parallel_loop3A_688 : i32
        %parallel_loop3A_690 = arith.constant 48 : i32
        %parallel_loop3A_691 = arith.addi %parallel_loop3A_689, %parallel_loop3A_690 : i32
        %parallel_loop3A_692 = arith.index_cast %parallel_loop3A_691 : i32 to index
        %parallel_loop3A_693 = tpu.vector_load %arg5[%parallel_loop3A_692] {strides = array<i32>} : memref<8192xf32, #tpu.memory_space<vmem>>, vector<16xf32>,
        %parallel_loop3A_694 = arith.constant -1.000000e+00 : f32
        %parallel_loop3A_695 = vector.broadcast %parallel_loop3A_694 : f32 to vector<16xf32>
        %parallel_loop3A_696 = arith.cmpf oeq, %parallel_loop3A_693, %parallel_loop3A_695 : vector<16xf32>
        %parallel_loop3A_697 = arith.select %parallel_loop3A_696, %select_n3A_234, %parallel_loop3A_693 : vector<16xi1>, vector<16xf32>
        %parallel_loop3A_698 = arith.subf %broadcast_in_dim3A_3, %parallel_loop3A_697 : vector<16xf32>
        %parallel_loop3A_699 = arith.constant 2 : i32
        %parallel_loop3A_700 = arith.muli %parallel_loop3A_699, %parallel_loop3A_583 : i32
        %parallel_loop3A_701 = arith.index_cast %parallel_loop3A_700 : i32 to index
        %parallel_loop3A_702 = arith.constant 48 : index
        %parallel_loop3A_703 = tpu.vector_load %arg9[%parallel_loop3A_701, %parallel_loop3A_702] {strides = array<i32>} : memref<128x128xf32, #tpu.memory_space<vmem>>, vector<16xf32>,
        tpu.vector_store %arg9[%parallel_loop3A_701, %parallel_loop3A_702], %parallel_loop3A_698 {strides = array<i32>} : memref<128x128xf32, #tpu.memory_space<vmem>>, vector<16xf32>,
        %parallel_loop3A_704 = arith.constant 2 : i32
        %parallel_loop3A_705 = arith.muli %parallel_loop3A_704, %parallel_loop3A_583 : i32
        %parallel_loop3A_706 = arith.constant 1 : i32
        %parallel_loop3A_707 = arith.addi %parallel_loop3A_705, %parallel_loop3A_706 : i32
        %parallel_loop3A_708 = arith.index_cast %parallel_loop3A_707 : i32 to index
        %parallel_loop3A_709 = arith.constant 48 : index
        %parallel_loop3A_710 = tpu.vector_load %arg9[%parallel_loop3A_708, %parallel_loop3A_709] {strides = array<i32>} : memref<128x128xf32, #tpu.memory_space<vmem>>, vector<16xf32>,
        tpu.vector_store %arg9[%parallel_loop3A_708, %parallel_loop3A_709], %parallel_loop3A_697 {strides = array<i32>} : memref<128x128xf32, #tpu.memory_space<vmem>>, vector<16xf32>,
        %parallel_loop3A_711 = arith.constant 128 : i32
        %parallel_loop3A_712 = arith.muli %parallel_loop3A_583, %parallel_loop3A_711 : i32
        %parallel_loop3A_713 = arith.constant 48 : i32
        %parallel_loop3A_714 = arith.addi %parallel_loop3A_712, %parallel_loop3A_713 : i32
        %parallel_loop3A_715 = arith.index_cast %parallel_loop3A_714 : i32 to index
        %parallel_loop3A_716 = tpu.vector_load %arg6[%parallel_loop3A_715] {strides = array<i32>} : memref<8192xf32, #tpu.memory_space<vmem>>, vector<16xf32>,
        %parallel_loop3A_717 = arith.addf %parallel_loop3A_590, %parallel_loop3A_716 : vector<16xf32>
        %parallel_loop3A_718 = math.absf %parallel_loop3A_716 : vector<16xf32>
        %parallel_loop3A_719 = arith.addf %parallel_loop3A_591, %parallel_loop3A_718 : vector<16xf32>
        %parallel_loop3A_720 = arith.constant 128 : i32
        %parallel_loop3A_721 = arith.muli %parallel_loop3A_583, %parallel_loop3A_720 : i32
        %parallel_loop3A_722 = arith.constant 64 : i32
        %parallel_loop3A_723 = arith.addi %parallel_loop3A_721, %parallel_loop3A_722 : i32
        %parallel_loop3A_724 = arith.index_cast %parallel_loop3A_723 : i32 to index
        %parallel_loop3A_725 = tpu.vector_load %arg5[%parallel_loop3A_724] {strides = array<i32>} : memref<8192xf32, #tpu.memory_space<vmem>>, vector<16xf32>,
        %parallel_loop3A_726 = arith.constant -1.000000e+00 : f32
        %parallel_loop3A_727 = vector.broadcast %parallel_loop3A_726 : f32 to vector<16xf32>
        %parallel_loop3A_728 = arith.cmpf oeq, %parallel_loop3A_725, %parallel_loop3A_727 : vector<16xf32>
        %parallel_loop3A_729 = arith.select %parallel_loop3A_728, %select_n3A_234, %parallel_loop3A_725 : vector<16xi1>, vector<16xf32>
        %parallel_loop3A_730 = arith.subf %broadcast_in_dim3A_3, %parallel_loop3A_729 : vector<16xf32>
        %parallel_loop3A_731 = arith.constant 2 : i32
        %parallel_loop3A_732 = arith.muli %parallel_loop3A_731, %parallel_loop3A_583 : i32
        %parallel_loop3A_733 = arith.index_cast %parallel_loop3A_732 : i32 to index
        %parallel_loop3A_734 = arith.constant 64 : index
        %parallel_loop3A_735 = tpu.vector_load %arg9[%parallel_loop3A_733, %parallel_loop3A_734] {strides = array<i32>} : memref<128x128xf32, #tpu.memory_space<vmem>>, vector<16xf32>,
        tpu.vector_store %arg9[%parallel_loop3A_733, %parallel_loop3A_734], %parallel_loop3A_730 {strides = array<i32>} : memref<128x128xf32, #tpu.memory_space<vmem>>, vector<16xf32>,
        %parallel_loop3A_736 = arith.constant 2 : i32
        %parallel_loop3A_737 = arith.muli %parallel_loop3A_736, %parallel_loop3A_583 : i32
        %parallel_loop3A_738 = arith.constant 1 : i32
        %parallel_loop3A_739 = arith.addi %parallel_loop3A_737, %parallel_loop3A_738 : i32
        %parallel_loop3A_740 = arith.index_cast %parallel_loop3A_739 : i32 to index
        %parallel_loop3A_741 = arith.constant 64 : index
        %parallel_loop3A_742 = tpu.vector_load %arg9[%parallel_loop3A_740, %parallel_loop3A_741] {strides = array<i32>} : memref<128x128xf32, #tpu.memory_space<vmem>>, vector<16xf32>,
        tpu.vector_store %arg9[%parallel_loop3A_740, %parallel_loop3A_741], %parallel_loop3A_729 {strides = array<i32>} : memref<128x128xf32, #tpu.memory_space<vmem>>, vector<16xf32>,
        %parallel_loop3A_743 = arith.constant 128 : i32
        %parallel_loop3A_744 = arith.muli %parallel_loop3A_583, %parallel_loop3A_743 : i32
        %parallel_loop3A_745 = arith.constant 64 : i32
        %parallel_loop3A_746 = arith.addi %parallel_loop3A_744, %parallel_loop3A_745 : i32
        %parallel_loop3A_747 = arith.index_cast %parallel_loop3A_746 : i32 to index
        %parallel_loop3A_748 = tpu.vector_load %arg6[%parallel_loop3A_747] {strides = array<i32>} : memref<8192xf32, #tpu.memory_space<vmem>>, vector<16xf32>,
        %parallel_loop3A_749 = arith.addf %parallel_loop3A_621, %parallel_loop3A_748 : vector<16xf32>
        %parallel_loop3A_750 = math.absf %parallel_loop3A_748 : vector<16xf32>
        %parallel_loop3A_751 = arith.addf %parallel_loop3A_623, %parallel_loop3A_750 : vector<16xf32>
        %parallel_loop3A_752 = arith.constant 128 : i32
        %parallel_loop3A_753 = arith.muli %parallel_loop3A_583, %parallel_loop3A_752 : i32
        %parallel_loop3A_754 = arith.constant 80 : i32
        %parallel_loop3A_755 = arith.addi %parallel_loop3A_753, %parallel_loop3A_754 : i32
        %parallel_loop3A_756 = arith.index_cast %parallel_loop3A_755 : i32 to index
        %parallel_loop3A_757 = tpu.vector_load %arg5[%parallel_loop3A_756] {strides = array<i32>} : memref<8192xf32, #tpu.memory_space<vmem>>, vector<16xf32>,
        %parallel_loop3A_758 = arith.constant -1.000000e+00 : f32
        %parallel_loop3A_759 = vector.broadcast %parallel_loop3A_758 : f32 to vector<16xf32>
        %parallel_loop3A_760 = arith.cmpf oeq, %parallel_loop3A_757, %parallel_loop3A_759 : vector<16xf32>
        %parallel_loop3A_761 = arith.select %parallel_loop3A_760, %select_n3A_234, %parallel_loop3A_757 : vector<16xi1>, vector<16xf32>
        %parallel_loop3A_762 = arith.subf %broadcast_in_dim3A_3, %parallel_loop3A_761 : vector<16xf32>
        %parallel_loop3A_763 = arith.constant 2 : i32
        %parallel_loop3A_764 = arith.muli %parallel_loop3A_763, %parallel_loop3A_583 : i32
        %parallel_loop3A_765 = arith.index_cast %parallel_loop3A_764 : i32 to index
        %parallel_loop3A_766 = arith.constant 80 : index
        %parallel_loop3A_767 = tpu.vector_load %arg9[%parallel_loop3A_765, %parallel_loop3A_766] {strides = array<i32>} : memref<128x128xf32, #tpu.memory_space<vmem>>, vector<16xf32>,
        tpu.vector_store %arg9[%parallel_loop3A_765, %parallel_loop3A_766], %parallel_loop3A_762 {strides = array<i32>} : memref<128x128xf32, #tpu.memory_space<vmem>>, vector<16xf32>,
        %parallel_loop3A_768 = arith.constant 2 : i32
        %parallel_loop3A_769 = arith.muli %parallel_loop3A_768, %parallel_loop3A_583 : i32
        %parallel_loop3A_770 = arith.constant 1 : i32
        %parallel_loop3A_771 = arith.addi %parallel_loop3A_769, %parallel_loop3A_770 : i32
        %parallel_loop3A_772 = arith.index_cast %parallel_loop3A_771 : i32 to index
        %parallel_loop3A_773 = arith.constant 80 : index
        %parallel_loop3A_774 = tpu.vector_load %arg9[%parallel_loop3A_772, %parallel_loop3A_773] {strides = array<i32>} : memref<128x128xf32, #tpu.memory_space<vmem>>, vector<16xf32>,
        tpu.vector_store %arg9[%parallel_loop3A_772, %parallel_loop3A_773], %parallel_loop3A_761 {strides = array<i32>} : memref<128x128xf32, #tpu.memory_space<vmem>>, vector<16xf32>,
        %parallel_loop3A_775 = arith.constant 128 : i32
        %parallel_loop3A_776 = arith.muli %parallel_loop3A_583, %parallel_loop3A_775 : i32
        %parallel_loop3A_777 = arith.constant 80 : i32
        %parallel_loop3A_778 = arith.addi %parallel_loop3A_776, %parallel_loop3A_777 : i32
        %parallel_loop3A_779 = arith.index_cast %parallel_loop3A_778 : i32 to index
        %parallel_loop3A_780 = tpu.vector_load %arg6[%parallel_loop3A_779] {strides = array<i32>} : memref<8192xf32, #tpu.memory_space<vmem>>, vector<16xf32>,
        %parallel_loop3A_781 = arith.addf %parallel_loop3A_653, %parallel_loop3A_780 : vector<16xf32>
        %parallel_loop3A_782 = math.absf %parallel_loop3A_780 : vector<16xf32>
        %parallel_loop3A_783 = arith.addf %parallel_loop3A_655, %parallel_loop3A_782 : vector<16xf32>
        %parallel_loop3A_784 = arith.constant 128 : i32
        %parallel_loop3A_785 = arith.muli %parallel_loop3A_583, %parallel_loop3A_784 : i32
        %parallel_loop3A_786 = arith.constant 96 : i32
        %parallel_loop3A_787 = arith.addi %parallel_loop3A_785, %parallel_loop3A_786 : i32
        %parallel_loop3A_788 = arith.index_cast %parallel_loop3A_787 : i32 to index
        %parallel_loop3A_789 = tpu.vector_load %arg5[%parallel_loop3A_788] {strides = array<i32>} : memref<8192xf32, #tpu.memory_space<vmem>>, vector<16xf32>,
        %parallel_loop3A_790 = arith.constant -1.000000e+00 : f32
        %parallel_loop3A_791 = vector.broadcast %parallel_loop3A_790 : f32 to vector<16xf32>
        %parallel_loop3A_792 = arith.cmpf oeq, %parallel_loop3A_789, %parallel_loop3A_791 : vector<16xf32>
        %parallel_loop3A_793 = arith.select %parallel_loop3A_792, %select_n3A_234, %parallel_loop3A_789 : vector<16xi1>, vector<16xf32>
        %parallel_loop3A_794 = arith.subf %broadcast_in_dim3A_3, %parallel_loop3A_793 : vector<16xf32>
        %parallel_loop3A_795 = arith.constant 2 : i32
        %parallel_loop3A_796 = arith.muli %parallel_loop3A_795, %parallel_loop3A_583 : i32
        %parallel_loop3A_797 = arith.index_cast %parallel_loop3A_796 : i32 to index
        %parallel_loop3A_798 = arith.constant 96 : index
        %parallel_loop3A_799 = tpu.vector_load %arg9[%parallel_loop3A_797, %parallel_loop3A_798] {strides = array<i32>} : memref<128x128xf32, #tpu.memory_space<vmem>>, vector<16xf32>,
        tpu.vector_store %arg9[%parallel_loop3A_797, %parallel_loop3A_798], %parallel_loop3A_794 {strides = array<i32>} : memref<128x128xf32, #tpu.memory_space<vmem>>, vector<16xf32>,
        %parallel_loop3A_800 = arith.constant 2 : i32
        %parallel_loop3A_801 = arith.muli %parallel_loop3A_800, %parallel_loop3A_583 : i32
        %parallel_loop3A_802 = arith.constant 1 : i32
        %parallel_loop3A_803 = arith.addi %parallel_loop3A_801, %parallel_loop3A_802 : i32
        %parallel_loop3A_804 = arith.index_cast %parallel_loop3A_803 : i32 to index
        %parallel_loop3A_805 = arith.constant 96 : index
        %parallel_loop3A_806 = tpu.vector_load %arg9[%parallel_loop3A_804, %parallel_loop3A_805] {strides = array<i32>} : memref<128x128xf32, #tpu.memory_space<vmem>>, vector<16xf32>,
        tpu.vector_store %arg9[%parallel_loop3A_804, %parallel_loop3A_805], %parallel_loop3A_793 {strides = array<i32>} : memref<128x128xf32, #tpu.memory_space<vmem>>, vector<16xf32>,
        %parallel_loop3A_807 = arith.constant 128 : i32
        %parallel_loop3A_808 = arith.muli %parallel_loop3A_583, %parallel_loop3A_807 : i32
        %parallel_loop3A_809 = arith.constant 96 : i32
        %parallel_loop3A_810 = arith.addi %parallel_loop3A_808, %parallel_loop3A_809 : i32
        %parallel_loop3A_811 = arith.index_cast %parallel_loop3A_810 : i32 to index
        %parallel_loop3A_812 = tpu.vector_load %arg6[%parallel_loop3A_811] {strides = array<i32>} : memref<8192xf32, #tpu.memory_space<vmem>>, vector<16xf32>,
        %parallel_loop3A_813 = arith.addf %parallel_loop3A_685, %parallel_loop3A_812 : vector<16xf32>
        %parallel_loop3A_814 = math.absf %parallel_loop3A_812 : vector<16xf32>
        %parallel_loop3A_815 = arith.addf %parallel_loop3A_687, %parallel_loop3A_814 : vector<16xf32>
        %parallel_loop3A_816 = arith.constant 128 : i32
        %parallel_loop3A_817 = arith.muli %parallel_loop3A_583, %parallel_loop3A_816 : i32
        %parallel_loop3A_818 = arith.constant 112 : i32
        %parallel_loop3A_819 = arith.addi %parallel_loop3A_817, %parallel_loop3A_818 : i32
        %parallel_loop3A_820 = arith.index_cast %parallel_loop3A_819 : i32 to index
        %parallel_loop3A_821 = tpu.vector_load %arg5[%parallel_loop3A_820] {strides = array<i32>} : memref<8192xf32, #tpu.memory_space<vmem>>, vector<16xf32>,
        %parallel_loop3A_822 = arith.constant -1.000000e+00 : f32
        %parallel_loop3A_823 = vector.broadcast %parallel_loop3A_822 : f32 to vector<16xf32>
        %parallel_loop3A_824 = arith.cmpf oeq, %parallel_loop3A_821, %parallel_loop3A_823 : vector<16xf32>
        %parallel_loop3A_825 = arith.select %parallel_loop3A_824, %select_n3A_234, %parallel_loop3A_821 : vector<16xi1>, vector<16xf32>
        %parallel_loop3A_826 = arith.subf %broadcast_in_dim3A_3, %parallel_loop3A_825 : vector<16xf32>
        %parallel_loop3A_827 = arith.constant 2 : i32
        %parallel_loop3A_828 = arith.muli %parallel_loop3A_827, %parallel_loop3A_583 : i32
        %parallel_loop3A_829 = arith.index_cast %parallel_loop3A_828 : i32 to index
        %parallel_loop3A_830 = arith.constant 112 : index
        %parallel_loop3A_831 = tpu.vector_load %arg9[%parallel_loop3A_829, %parallel_loop3A_830] {strides = array<i32>} : memref<128x128xf32, #tpu.memory_space<vmem>>, vector<16xf32>,
        tpu.vector_store %arg9[%parallel_loop3A_829, %parallel_loop3A_830], %parallel_loop3A_826 {strides = array<i32>} : memref<128x128xf32, #tpu.memory_space<vmem>>, vector<16xf32>,
        %parallel_loop3A_832 = arith.constant 2 : i32
        %parallel_loop3A_833 = arith.muli %parallel_loop3A_832, %parallel_loop3A_583 : i32
        %parallel_loop3A_834 = arith.constant 1 : i32
        %parallel_loop3A_835 = arith.addi %parallel_loop3A_833, %parallel_loop3A_834 : i32
        %parallel_loop3A_836 = arith.index_cast %parallel_loop3A_835 : i32 to index
        %parallel_loop3A_837 = arith.constant 112 : index
        %parallel_loop3A_838 = tpu.vector_load %arg9[%parallel_loop3A_836, %parallel_loop3A_837] {strides = array<i32>} : memref<128x128xf32, #tpu.memory_space<vmem>>, vector<16xf32>,
        tpu.vector_store %arg9[%parallel_loop3A_836, %parallel_loop3A_837], %parallel_loop3A_825 {strides = array<i32>} : memref<128x128xf32, #tpu.memory_space<vmem>>, vector<16xf32>,
        %parallel_loop3A_839 = arith.constant 128 : i32
        %parallel_loop3A_840 = arith.muli %parallel_loop3A_583, %parallel_loop3A_839 : i32
        %parallel_loop3A_841 = arith.constant 112 : i32
        %parallel_loop3A_842 = arith.addi %parallel_loop3A_840, %parallel_loop3A_841 : i32
        %parallel_loop3A_843 = arith.index_cast %parallel_loop3A_842 : i32 to index
        %parallel_loop3A_844 = tpu.vector_load %arg6[%parallel_loop3A_843] {strides = array<i32>} : memref<8192xf32, #tpu.memory_space<vmem>>, vector<16xf32>,
        %parallel_loop3A_845 = arith.addf %parallel_loop3A_717, %parallel_loop3A_844 : vector<16xf32>
        %parallel_loop3A_846 = math.absf %parallel_loop3A_844 : vector<16xf32>
        %parallel_loop3A_847 = arith.addf %parallel_loop3A_719, %parallel_loop3A_846 : vector<16xf32>
        scf.yield %parallel_loop3A_749, %parallel_loop3A_751, %parallel_loop3A_781, %parallel_loop3A_783, %parallel_loop3A_813, %parallel_loop3A_815, %parallel_loop3A_845, %parallel_loop3A_847 : vector<16xf32>, vector<16xf32>, vector<16xf32>, vector<16xf32>, vector<16xf32>, vector<16xf32>, vector<16xf32>, vector<16xf32>
      } {sc.loop_unroll_factor = 1 : i64, sc.parallel_access}
      %add3A_273 = arith.addf %parallel_loop3A_272#0, %parallel_loop3A_272#2 : vector<16xf32>
      %add3A_274 = arith.addf %add3A_273, %parallel_loop3A_272#4 : vector<16xf32>
      %add3A_275 = arith.addf %add3A_274, %parallel_loop3A_272#6 : vector<16xf32>
      %iota3A_276 = tpu.iota {dimensions = array<i32: 0>} : vector<16xi32>
      %swap3A_277 = arith.constant 0 : index
      %swap3A_278 = tpu.vector_load %arg16[%swap3A_277] {strides = array<i32>} : memref<16xf32, #tpu.memory_space<vmem>>, vector<16xf32>,
      tpu.vector_store %arg16[%swap3A_277], %add3A_275 {strides = array<i32>} : memref<16xf32, #tpu.memory_space<vmem>>, vector<16xf32>,
      %xor3A_279 = arith.constant 1 : i32
      %xor3A_280 = vector.broadcast %xor3A_279 : i32 to vector<16xi32>
      %xor3A_281 = arith.xori %iota3A_276, %xor3A_280 : vector<16xi32>
      %gather3A_282 = tpu.vector_load_idx %arg16[%xor3A_281] : memref<16xf32, #tpu.memory_space<vmem>>[vector<16xi32>], vector<16xf32>,
      %add3A_283 = arith.addf %add3A_275, %gather3A_282 : vector<16xf32>
      %swap3A_284 = arith.constant 0 : index
      %swap3A_285 = tpu.vector_load %arg16[%swap3A_284] {strides = array<i32>} : memref<16xf32, #tpu.memory_space<vmem>>, vector<16xf32>,
      tpu.vector_store %arg16[%swap3A_284], %add3A_283 {strides = array<i32>} : memref<16xf32, #tpu.memory_space<vmem>>, vector<16xf32>,
      %xor3A_286 = arith.constant 2 : i32
      %xor3A_287 = vector.broadcast %xor3A_286 : i32 to vector<16xi32>
      %xor3A_288 = arith.xori %iota3A_276, %xor3A_287 : vector<16xi32>
      %gather3A_289 = tpu.vector_load_idx %arg16[%xor3A_288] : memref<16xf32, #tpu.memory_space<vmem>>[vector<16xi32>], vector<16xf32>,
      %add3A_290 = arith.addf %add3A_283, %gather3A_289 : vector<16xf32>
      %swap3A_291 = arith.constant 0 : index
      %swap3A_292 = tpu.vector_load %arg16[%swap3A_291] {strides = array<i32>} : memref<16xf32, #tpu.memory_space<vmem>>, vector<16xf32>,
      tpu.vector_store %arg16[%swap3A_291], %add3A_290 {strides = array<i32>} : memref<16xf32, #tpu.memory_space<vmem>>, vector<16xf32>,
      %xor3A_293 = arith.constant 4 : i32
      %xor3A_294 = vector.broadcast %xor3A_293 : i32 to vector<16xi32>
      %xor3A_295 = arith.xori %iota3A_276, %xor3A_294 : vector<16xi32>
      %gather3A_296 = tpu.vector_load_idx %arg16[%xor3A_295] : memref<16xf32, #tpu.memory_space<vmem>>[vector<16xi32>], vector<16xf32>,
      %add3A_297 = arith.addf %add3A_290, %gather3A_296 : vector<16xf32>
      %swap3A_298 = arith.constant 0 : index
      %swap3A_299 = tpu.vector_load %arg16[%swap3A_298] {strides = array<i32>} : memref<16xf32, #tpu.memory_space<vmem>>, vector<16xf32>,
      tpu.vector_store %arg16[%swap3A_298], %add3A_297 {strides = array<i32>} : memref<16xf32, #tpu.memory_space<vmem>>, vector<16xf32>,
      %xor3A_300 = arith.constant 8 : i32
      %xor3A_301 = vector.broadcast %xor3A_300 : i32 to vector<16xi32>
      %xor3A_302 = arith.xori %iota3A_276, %xor3A_301 : vector<16xi32>
      %gather3A_303 = tpu.vector_load_idx %arg16[%xor3A_302] : memref<16xf32, #tpu.memory_space<vmem>>[vector<16xi32>], vector<16xf32>,
      %add3A_304 = arith.addf %add3A_297, %gather3A_303 : vector<16xf32>
      %add3A_305 = arith.addf %parallel_loop3A_272#1, %parallel_loop3A_272#3 : vector<16xf32>
      %add3A_306 = arith.addf %add3A_305, %parallel_loop3A_272#5 : vector<16xf32>
      %add3A_307 = arith.addf %add3A_306, %parallel_loop3A_272#7 : vector<16xf32>
      %iota3A_308 = tpu.iota {dimensions = array<i32: 0>} : vector<16xi32>
      %swap3A_309 = arith.constant 0 : index
      %swap3A_310 = tpu.vector_load %arg16[%swap3A_309] {strides = array<i32>} : memref<16xf32, #tpu.memory_space<vmem>>, vector<16xf32>,
      tpu.vector_store %arg16[%swap3A_309], %add3A_307 {strides = array<i32>} : memref<16xf32, #tpu.memory_space<vmem>>, vector<16xf32>,
      %xor3A_311 = arith.constant 1 : i32
      %xor3A_312 = vector.broadcast %xor3A_311 : i32 to vector<16xi32>
      %xor3A_313 = arith.xori %iota3A_308, %xor3A_312 : vector<16xi32>
      %gather3A_314 = tpu.vector_load_idx %arg16[%xor3A_313] : memref<16xf32, #tpu.memory_space<vmem>>[vector<16xi32>], vector<16xf32>,
      %add3A_315 = arith.addf %add3A_307, %gather3A_314 : vector<16xf32>
      %swap3A_316 = arith.constant 0 : index
      %swap3A_317 = tpu.vector_load %arg16[%swap3A_316] {strides = array<i32>} : memref<16xf32, #tpu.memory_space<vmem>>, vector<16xf32>,
      tpu.vector_store %arg16[%swap3A_316], %add3A_315 {strides = array<i32>} : memref<16xf32, #tpu.memory_space<vmem>>, vector<16xf32>,
      %xor3A_318 = arith.constant 2 : i32
      %xor3A_319 = vector.broadcast %xor3A_318 : i32 to vector<16xi32>
      %xor3A_320 = arith.xori %iota3A_308, %xor3A_319 : vector<16xi32>
      %gather3A_321 = tpu.vector_load_idx %arg16[%xor3A_320] : memref<16xf32, #tpu.memory_space<vmem>>[vector<16xi32>], vector<16xf32>,
      %add3A_322 = arith.addf %add3A_315, %gather3A_321 : vector<16xf32>
      %swap3A_323 = arith.constant 0 : index
      %swap3A_324 = tpu.vector_load %arg16[%swap3A_323] {strides = array<i32>} : memref<16xf32, #tpu.memory_space<vmem>>, vector<16xf32>,
      tpu.vector_store %arg16[%swap3A_323], %add3A_322 {strides = array<i32>} : memref<16xf32, #tpu.memory_space<vmem>>, vector<16xf32>,
      %xor3A_325 = arith.constant 4 : i32
      %xor3A_326 = vector.broadcast %xor3A_325 : i32 to vector<16xi32>
      %xor3A_327 = arith.xori %iota3A_308, %xor3A_326 : vector<16xi32>
      %gather3A_328 = tpu.vector_load_idx %arg16[%xor3A_327] : memref<16xf32, #tpu.memory_space<vmem>>[vector<16xi32>], vector<16xf32>,
      %add3A_329 = arith.addf %add3A_322, %gather3A_328 : vector<16xf32>
      %swap3A_330 = arith.constant 0 : index
      %swap3A_331 = tpu.vector_load %arg16[%swap3A_330] {strides = array<i32>} : memref<16xf32, #tpu.memory_space<vmem>>, vector<16xf32>,
      tpu.vector_store %arg16[%swap3A_330], %add3A_329 {strides = array<i32>} : memref<16xf32, #tpu.memory_space<vmem>>, vector<16xf32>,
      %xor3A_332 = arith.constant 8 : i32
      %xor3A_333 = vector.broadcast %xor3A_332 : i32 to vector<16xi32>
      %xor3A_334 = arith.xori %iota3A_308, %xor3A_333 : vector<16xi32>
      %gather3A_335 = tpu.vector_load_idx %arg16[%xor3A_334] : memref<16xf32, #tpu.memory_space<vmem>>[vector<16xi32>], vector<16xf32>,
      %add3A_336 = arith.addf %add3A_329, %gather3A_335 : vector<16xf32>
      %sub3A_337 = arith.subf %add3A_336, %add3A_304 : vector<16xf32>
      %lt3A_338 = vector.broadcast %scan3A : f32 to vector<16xf32>
      %lt3A_339 = arith.cmpf olt, %sub3A_337, %lt3A_338 : vector<16xf32>
      %mul3A_340 = arith.constant 3.000000e+00 : f32
      %mul3A_341 = vector.broadcast %mul3A_340 : f32 to vector<16xf32>
      %mul3A_342 = arith.mulf %mul3A_341, %add3A_336 : vector<16xf32>
      %add3A_343 = arith.addf %add3A_304, %mul3A_342 : vector<16xf32>
      %gt3A_344 = vector.broadcast %scan3A : f32 to vector<16xf32>
      %gt3A_345 = arith.cmpf ogt, %add3A_343, %gt3A_344 : vector<16xf32>
      %select_n3A_346 = arith.select %gt3A_345, %broadcast_in_dim3A_3, %broadcast_in_dim3A_5 : vector<16xi1>, vector<16xf32>
      %select_n3A_347 = arith.select %lt3A_339, %select_n3A_346, %broadcast_in_dim3A_3 : vector<16xi1>, vector<16xf32>
      %dma_start3A_348 = arith.constant 0 : i32
      %dma_start3A_349 = arith.constant 0 : i32
      %dma_start3A_350 = tpu.memref_slice %arg3[%add3A_247, %dma_start3A_348, %dma_start3A_349] : memref<1024x128x128xf32, #tpu.memory_space<hbm>> -> memref<1x128x128xf32, #tpu.memory_space<hbm>>
      %dma_start3A_351 = tpu.memref_squeeze %dma_start3A_350 : memref<1x128x128xf32, #tpu.memory_space<hbm>> -> memref<128x128xf32, #tpu.memory_space<hbm>>
      %dma_start3A_352 = arith.constant 0 : i32
      %dma_start3A_353 = arith.constant 0 : i32
      %dma_start3A_354 = tpu.memref_slice %arg3[%add3A_247, %dma_start3A_352, %dma_start3A_353] : memref<1024x128x128xf32, #tpu.memory_space<hbm>> -> memref<1x128x128xf32, #tpu.memory_space<hbm>>
      %dma_start3A_355 = tpu.memref_squeeze %dma_start3A_354 : memref<1x128x128xf32, #tpu.memory_space<hbm>> -> memref<128x128xf32, #tpu.memory_space<hbm>>
      tpu.enqueue_dma source(%arg9 : memref<128x128xf32, #tpu.memory_space<vmem>>) target(%dma_start3A_355 : memref<128x128xf32, #tpu.memory_space<hbm>>) target_semaphore(%arg15 : memref<!tpu.dma_semaphore, #tpu.memory_space<semaphore_mem>>)
      %mul3A_356 = arith.constant 4 : i32
      %mul3A_357 = arith.muli %mul3A_356, %add3A_131 : i32
      %add3A_358 = arith.addi %mul3A_2, %mul3A_357 : i32
      %add3A_359 = arith.constant 2 : i32
      %add3A_360 = arith.addi %add3A_358, %add3A_359 : i32
      %lt3A_361 = arith.constant 7 : i32
      %lt3A_362 = arith.cmpi slt, %add3A_131, %lt3A_361 : i32
      %convert_element_type3A_363 = arith.extui %lt3A_362 : i1 to i32
      %cond3A_364 = arith.constant 0 : i32
      %cond3A_365 = arith.cmpi ne, %convert_element_type3A_363, %cond3A_364 : i32
      scf.if %cond3A_365 {
        %add3A_583 = arith.constant 2 : i32
        %add3A_584 = arith.addi %add3A_360, %add3A_583 : i32
        %dma_start3A_585 = arith.constant 0 : i32
        %dma_start3A_586 = tpu.memref_slice %arg2[%add3A_584, %dma_start3A_585] : memref<1024x8192xf32, #tpu.memory_space<hbm>> -> memref<1x8192xf32, #tpu.memory_space<hbm>>
        %dma_start3A_587 = tpu.memref_squeeze %dma_start3A_586 : memref<1x8192xf32, #tpu.memory_space<hbm>> -> memref<8192xf32, #tpu.memory_space<hbm>>
        %dma_start3A_588 = arith.constant 0 : i32
        %dma_start3A_589 = tpu.memref_slice %arg2[%add3A_584, %dma_start3A_588] : memref<1024x8192xf32, #tpu.memory_space<hbm>> -> memref<1x8192xf32, #tpu.memory_space<hbm>>
        %dma_start3A_590 = tpu.memref_squeeze %dma_start3A_589 : memref<1x8192xf32, #tpu.memory_space<hbm>> -> memref<8192xf32, #tpu.memory_space<hbm>>
        tpu.enqueue_dma source(%dma_start3A_590 : memref<8192xf32, #tpu.memory_space<hbm>>) target(%arg4 : memref<8192xf32, #tpu.memory_space<vmem>>) target_semaphore(%arg10 : memref<!tpu.dma_semaphore, #tpu.memory_space<semaphore_mem>>)
      } else {
      }
      %add3A_366 = arith.constant 1 : i32
      %add3A_367 = arith.addi %add3A_360, %add3A_366 : i32
      %dma_wait3A_368 = arith.constant 0 : i32
      %dma_wait3A_369 = tpu.memref_slice %arg2[%add3A_367, %dma_wait3A_368] : memref<1024x8192xf32, #tpu.memory_space<hbm>> -> memref<1x8192xf32, #tpu.memory_space<hbm>>
      %dma_wait3A_370 = tpu.memref_squeeze %dma_wait3A_369 : memref<1x8192xf32, #tpu.memory_space<hbm>> -> memref<8192xf32, #tpu.memory_space<hbm>>
      %dma_wait3A_371 = arith.constant 0 : i32
      %dma_wait3A_372 = tpu.memref_slice %arg2[%add3A_367, %dma_wait3A_371] : memref<1024x8192xf32, #tpu.memory_space<hbm>> -> memref<1x8192xf32, #tpu.memory_space<hbm>>
      %dma_wait3A_373 = tpu.memref_squeeze %dma_wait3A_372 : memref<1x8192xf32, #tpu.memory_space<hbm>> -> memref<8192xf32, #tpu.memory_space<hbm>>
      tpu.wait_dma2 semaphore(%arg13 : memref<!tpu.dma_semaphore, #tpu.memory_space<semaphore_mem>>) src(%dma_wait3A_373 : memref<8192xf32, #tpu.memory_space<hbm>>) dst(%arg7 : memref<8192xf32, #tpu.memory_space<vmem>>)
      %sub3A_374 = arith.constant 2 : i32
      %sub3A_375 = arith.subi %add3A_360, %sub3A_374 : i32
      %dma_wait3A_376 = arith.constant 0 : i32
      %dma_wait3A_377 = arith.constant 0 : i32
      %dma_wait3A_378 = tpu.memref_slice %arg3[%sub3A_375, %dma_wait3A_376, %dma_wait3A_377] : memref<1024x128x128xf32, #tpu.memory_space<hbm>> -> memref<1x128x128xf32, #tpu.memory_space<hbm>>
      %dma_wait3A_379 = tpu.memref_squeeze %dma_wait3A_378 : memref<1x128x128xf32, #tpu.memory_space<hbm>> -> memref<128x128xf32, #tpu.memory_space<hbm>>
      %dma_wait3A_380 = arith.constant 0 : i32
      %dma_wait3A_381 = arith.constant 0 : i32
      %dma_wait3A_382 = tpu.memref_slice %arg3[%sub3A_375, %dma_wait3A_380, %dma_wait3A_381] : memref<1024x128x128xf32, #tpu.memory_space<hbm>> -> memref<1x128x128xf32, #tpu.memory_space<hbm>>
      %dma_wait3A_383 = tpu.memref_squeeze %dma_wait3A_382 : memref<1x128x128xf32, #tpu.memory_space<hbm>> -> memref<128x128xf32, #tpu.memory_space<hbm>>
      tpu.wait_dma2 semaphore(%arg14 : memref<!tpu.dma_semaphore, #tpu.memory_space<semaphore_mem>>) src(%arg8 : memref<128x128xf32, #tpu.memory_space<vmem>>) dst(%dma_wait3A_383 : memref<128x128xf32, #tpu.memory_space<hbm>>)
      %parallel_loop3A_384 = arith.constant 0 : i32
      %parallel_loop3A_385 = arith.constant 64 : i32
      %parallel_loop3A_386 = arith.constant 1 : i32
      %parallel_loop3A_387:8 = scf.for %parallel_loop3A_583 = %parallel_loop3A_384 to %parallel_loop3A_385 step %parallel_loop3A_386 iter_args(%parallel_loop3A_584 = %broadcast_in_dim3A_5, %parallel_loop3A_585 = %broadcast_in_dim3A_5, %parallel_loop3A_586 = %broadcast_in_dim3A_5, %parallel_loop3A_587 = %broadcast_in_dim3A_5, %parallel_loop3A_588 = %broadcast_in_dim3A_5, %parallel_loop3A_589 = %broadcast_in_dim3A_5, %parallel_loop3A_590 = %broadcast_in_dim3A_5, %parallel_loop3A_591 = %broadcast_in_dim3A_5) -> (vector<16xf32>, vector<16xf32>, vector<16xf32>, vector<16xf32>, vector<16xf32>, vector<16xf32>, vector<16xf32>, vector<16xf32>)  : i32 {
        %parallel_loop3A_592 = arith.constant 128 : i32
        %parallel_loop3A_593 = arith.muli %parallel_loop3A_583, %parallel_loop3A_592 : i32
        %parallel_loop3A_594 = arith.constant 0 : i32
        %parallel_loop3A_595 = arith.addi %parallel_loop3A_593, %parallel_loop3A_594 : i32
        %parallel_loop3A_596 = arith.index_cast %parallel_loop3A_595 : i32 to index
        %parallel_loop3A_597 = tpu.vector_load %arg6[%parallel_loop3A_596] {strides = array<i32>} : memref<8192xf32, #tpu.memory_space<vmem>>, vector<16xf32>,
        %parallel_loop3A_598 = arith.constant -1.000000e+00 : f32
        %parallel_loop3A_599 = vector.broadcast %parallel_loop3A_598 : f32 to vector<16xf32>
        %parallel_loop3A_600 = arith.cmpf oeq, %parallel_loop3A_597, %parallel_loop3A_599 : vector<16xf32>
        %parallel_loop3A_601 = arith.select %parallel_loop3A_600, %select_n3A_347, %parallel_loop3A_597 : vector<16xi1>, vector<16xf32>
        %parallel_loop3A_602 = arith.subf %broadcast_in_dim3A_3, %parallel_loop3A_601 : vector<16xf32>
        %parallel_loop3A_603 = arith.constant 2 : i32
        %parallel_loop3A_604 = arith.muli %parallel_loop3A_603, %parallel_loop3A_583 : i32
        %parallel_loop3A_605 = arith.index_cast %parallel_loop3A_604 : i32 to index
        %parallel_loop3A_606 = arith.constant 0 : index
        %parallel_loop3A_607 = tpu.vector_load %arg8[%parallel_loop3A_605, %parallel_loop3A_606] {strides = array<i32>} : memref<128x128xf32, #tpu.memory_space<vmem>>, vector<16xf32>,
        tpu.vector_store %arg8[%parallel_loop3A_605, %parallel_loop3A_606], %parallel_loop3A_602 {strides = array<i32>} : memref<128x128xf32, #tpu.memory_space<vmem>>, vector<16xf32>,
        %parallel_loop3A_608 = arith.constant 2 : i32
        %parallel_loop3A_609 = arith.muli %parallel_loop3A_608, %parallel_loop3A_583 : i32
        %parallel_loop3A_610 = arith.constant 1 : i32
        %parallel_loop3A_611 = arith.addi %parallel_loop3A_609, %parallel_loop3A_610 : i32
        %parallel_loop3A_612 = arith.index_cast %parallel_loop3A_611 : i32 to index
        %parallel_loop3A_613 = arith.constant 0 : index
        %parallel_loop3A_614 = tpu.vector_load %arg8[%parallel_loop3A_612, %parallel_loop3A_613] {strides = array<i32>} : memref<128x128xf32, #tpu.memory_space<vmem>>, vector<16xf32>,
        tpu.vector_store %arg8[%parallel_loop3A_612, %parallel_loop3A_613], %parallel_loop3A_601 {strides = array<i32>} : memref<128x128xf32, #tpu.memory_space<vmem>>, vector<16xf32>,
        %parallel_loop3A_615 = arith.constant 128 : i32
        %parallel_loop3A_616 = arith.muli %parallel_loop3A_583, %parallel_loop3A_615 : i32
        %parallel_loop3A_617 = arith.constant 0 : i32
        %parallel_loop3A_618 = arith.addi %parallel_loop3A_616, %parallel_loop3A_617 : i32
        %parallel_loop3A_619 = arith.index_cast %parallel_loop3A_618 : i32 to index
        %parallel_loop3A_620 = tpu.vector_load %arg7[%parallel_loop3A_619] {strides = array<i32>} : memref<8192xf32, #tpu.memory_space<vmem>>, vector<16xf32>,
        %parallel_loop3A_621 = arith.addf %parallel_loop3A_584, %parallel_loop3A_620 : vector<16xf32>
        %parallel_loop3A_622 = math.absf %parallel_loop3A_620 : vector<16xf32>
        %parallel_loop3A_623 = arith.addf %parallel_loop3A_585, %parallel_loop3A_622 : vector<16xf32>
        %parallel_loop3A_624 = arith.constant 128 : i32
        %parallel_loop3A_625 = arith.muli %parallel_loop3A_583, %parallel_loop3A_624 : i32
        %parallel_loop3A_626 = arith.constant 16 : i32
        %parallel_loop3A_627 = arith.addi %parallel_loop3A_625, %parallel_loop3A_626 : i32
        %parallel_loop3A_628 = arith.index_cast %parallel_loop3A_627 : i32 to index
        %parallel_loop3A_629 = tpu.vector_load %arg6[%parallel_loop3A_628] {strides = array<i32>} : memref<8192xf32, #tpu.memory_space<vmem>>, vector<16xf32>,
        %parallel_loop3A_630 = arith.constant -1.000000e+00 : f32
        %parallel_loop3A_631 = vector.broadcast %parallel_loop3A_630 : f32 to vector<16xf32>
        %parallel_loop3A_632 = arith.cmpf oeq, %parallel_loop3A_629, %parallel_loop3A_631 : vector<16xf32>
        %parallel_loop3A_633 = arith.select %parallel_loop3A_632, %select_n3A_347, %parallel_loop3A_629 : vector<16xi1>, vector<16xf32>
        %parallel_loop3A_634 = arith.subf %broadcast_in_dim3A_3, %parallel_loop3A_633 : vector<16xf32>
        %parallel_loop3A_635 = arith.constant 2 : i32
        %parallel_loop3A_636 = arith.muli %parallel_loop3A_635, %parallel_loop3A_583 : i32
        %parallel_loop3A_637 = arith.index_cast %parallel_loop3A_636 : i32 to index
        %parallel_loop3A_638 = arith.constant 16 : index
        %parallel_loop3A_639 = tpu.vector_load %arg8[%parallel_loop3A_637, %parallel_loop3A_638] {strides = array<i32>} : memref<128x128xf32, #tpu.memory_space<vmem>>, vector<16xf32>,
        tpu.vector_store %arg8[%parallel_loop3A_637, %parallel_loop3A_638], %parallel_loop3A_634 {strides = array<i32>} : memref<128x128xf32, #tpu.memory_space<vmem>>, vector<16xf32>,
        %parallel_loop3A_640 = arith.constant 2 : i32
        %parallel_loop3A_641 = arith.muli %parallel_loop3A_640, %parallel_loop3A_583 : i32
        %parallel_loop3A_642 = arith.constant 1 : i32
        %parallel_loop3A_643 = arith.addi %parallel_loop3A_641, %parallel_loop3A_642 : i32
        %parallel_loop3A_644 = arith.index_cast %parallel_loop3A_643 : i32 to index
        %parallel_loop3A_645 = arith.constant 16 : index
        %parallel_loop3A_646 = tpu.vector_load %arg8[%parallel_loop3A_644, %parallel_loop3A_645] {strides = array<i32>} : memref<128x128xf32, #tpu.memory_space<vmem>>, vector<16xf32>,
        tpu.vector_store %arg8[%parallel_loop3A_644, %parallel_loop3A_645], %parallel_loop3A_633 {strides = array<i32>} : memref<128x128xf32, #tpu.memory_space<vmem>>, vector<16xf32>,
        %parallel_loop3A_647 = arith.constant 128 : i32
        %parallel_loop3A_648 = arith.muli %parallel_loop3A_583, %parallel_loop3A_647 : i32
        %parallel_loop3A_649 = arith.constant 16 : i32
        %parallel_loop3A_650 = arith.addi %parallel_loop3A_648, %parallel_loop3A_649 : i32
        %parallel_loop3A_651 = arith.index_cast %parallel_loop3A_650 : i32 to index
        %parallel_loop3A_652 = tpu.vector_load %arg7[%parallel_loop3A_651] {strides = array<i32>} : memref<8192xf32, #tpu.memory_space<vmem>>, vector<16xf32>,
        %parallel_loop3A_653 = arith.addf %parallel_loop3A_586, %parallel_loop3A_652 : vector<16xf32>
        %parallel_loop3A_654 = math.absf %parallel_loop3A_652 : vector<16xf32>
        %parallel_loop3A_655 = arith.addf %parallel_loop3A_587, %parallel_loop3A_654 : vector<16xf32>
        %parallel_loop3A_656 = arith.constant 128 : i32
        %parallel_loop3A_657 = arith.muli %parallel_loop3A_583, %parallel_loop3A_656 : i32
        %parallel_loop3A_658 = arith.constant 32 : i32
        %parallel_loop3A_659 = arith.addi %parallel_loop3A_657, %parallel_loop3A_658 : i32
        %parallel_loop3A_660 = arith.index_cast %parallel_loop3A_659 : i32 to index
        %parallel_loop3A_661 = tpu.vector_load %arg6[%parallel_loop3A_660] {strides = array<i32>} : memref<8192xf32, #tpu.memory_space<vmem>>, vector<16xf32>,
        %parallel_loop3A_662 = arith.constant -1.000000e+00 : f32
        %parallel_loop3A_663 = vector.broadcast %parallel_loop3A_662 : f32 to vector<16xf32>
        %parallel_loop3A_664 = arith.cmpf oeq, %parallel_loop3A_661, %parallel_loop3A_663 : vector<16xf32>
        %parallel_loop3A_665 = arith.select %parallel_loop3A_664, %select_n3A_347, %parallel_loop3A_661 : vector<16xi1>, vector<16xf32>
        %parallel_loop3A_666 = arith.subf %broadcast_in_dim3A_3, %parallel_loop3A_665 : vector<16xf32>
        %parallel_loop3A_667 = arith.constant 2 : i32
        %parallel_loop3A_668 = arith.muli %parallel_loop3A_667, %parallel_loop3A_583 : i32
        %parallel_loop3A_669 = arith.index_cast %parallel_loop3A_668 : i32 to index
        %parallel_loop3A_670 = arith.constant 32 : index
        %parallel_loop3A_671 = tpu.vector_load %arg8[%parallel_loop3A_669, %parallel_loop3A_670] {strides = array<i32>} : memref<128x128xf32, #tpu.memory_space<vmem>>, vector<16xf32>,
        tpu.vector_store %arg8[%parallel_loop3A_669, %parallel_loop3A_670], %parallel_loop3A_666 {strides = array<i32>} : memref<128x128xf32, #tpu.memory_space<vmem>>, vector<16xf32>,
        %parallel_loop3A_672 = arith.constant 2 : i32
        %parallel_loop3A_673 = arith.muli %parallel_loop3A_672, %parallel_loop3A_583 : i32
        %parallel_loop3A_674 = arith.constant 1 : i32
        %parallel_loop3A_675 = arith.addi %parallel_loop3A_673, %parallel_loop3A_674 : i32
        %parallel_loop3A_676 = arith.index_cast %parallel_loop3A_675 : i32 to index
        %parallel_loop3A_677 = arith.constant 32 : index
        %parallel_loop3A_678 = tpu.vector_load %arg8[%parallel_loop3A_676, %parallel_loop3A_677] {strides = array<i32>} : memref<128x128xf32, #tpu.memory_space<vmem>>, vector<16xf32>,
        tpu.vector_store %arg8[%parallel_loop3A_676, %parallel_loop3A_677], %parallel_loop3A_665 {strides = array<i32>} : memref<128x128xf32, #tpu.memory_space<vmem>>, vector<16xf32>,
        %parallel_loop3A_679 = arith.constant 128 : i32
        %parallel_loop3A_680 = arith.muli %parallel_loop3A_583, %parallel_loop3A_679 : i32
        %parallel_loop3A_681 = arith.constant 32 : i32
        %parallel_loop3A_682 = arith.addi %parallel_loop3A_680, %parallel_loop3A_681 : i32
        %parallel_loop3A_683 = arith.index_cast %parallel_loop3A_682 : i32 to index
        %parallel_loop3A_684 = tpu.vector_load %arg7[%parallel_loop3A_683] {strides = array<i32>} : memref<8192xf32, #tpu.memory_space<vmem>>, vector<16xf32>,
        %parallel_loop3A_685 = arith.addf %parallel_loop3A_588, %parallel_loop3A_684 : vector<16xf32>
        %parallel_loop3A_686 = math.absf %parallel_loop3A_684 : vector<16xf32>
        %parallel_loop3A_687 = arith.addf %parallel_loop3A_589, %parallel_loop3A_686 : vector<16xf32>
        %parallel_loop3A_688 = arith.constant 128 : i32
        %parallel_loop3A_689 = arith.muli %parallel_loop3A_583, %parallel_loop3A_688 : i32
        %parallel_loop3A_690 = arith.constant 48 : i32
        %parallel_loop3A_691 = arith.addi %parallel_loop3A_689, %parallel_loop3A_690 : i32
        %parallel_loop3A_692 = arith.index_cast %parallel_loop3A_691 : i32 to index
        %parallel_loop3A_693 = tpu.vector_load %arg6[%parallel_loop3A_692] {strides = array<i32>} : memref<8192xf32, #tpu.memory_space<vmem>>, vector<16xf32>,
        %parallel_loop3A_694 = arith.constant -1.000000e+00 : f32
        %parallel_loop3A_695 = vector.broadcast %parallel_loop3A_694 : f32 to vector<16xf32>
        %parallel_loop3A_696 = arith.cmpf oeq, %parallel_loop3A_693, %parallel_loop3A_695 : vector<16xf32>
        %parallel_loop3A_697 = arith.select %parallel_loop3A_696, %select_n3A_347, %parallel_loop3A_693 : vector<16xi1>, vector<16xf32>
        %parallel_loop3A_698 = arith.subf %broadcast_in_dim3A_3, %parallel_loop3A_697 : vector<16xf32>
        %parallel_loop3A_699 = arith.constant 2 : i32
        %parallel_loop3A_700 = arith.muli %parallel_loop3A_699, %parallel_loop3A_583 : i32
        %parallel_loop3A_701 = arith.index_cast %parallel_loop3A_700 : i32 to index
        %parallel_loop3A_702 = arith.constant 48 : index
        %parallel_loop3A_703 = tpu.vector_load %arg8[%parallel_loop3A_701, %parallel_loop3A_702] {strides = array<i32>} : memref<128x128xf32, #tpu.memory_space<vmem>>, vector<16xf32>,
        tpu.vector_store %arg8[%parallel_loop3A_701, %parallel_loop3A_702], %parallel_loop3A_698 {strides = array<i32>} : memref<128x128xf32, #tpu.memory_space<vmem>>, vector<16xf32>,
        %parallel_loop3A_704 = arith.constant 2 : i32
        %parallel_loop3A_705 = arith.muli %parallel_loop3A_704, %parallel_loop3A_583 : i32
        %parallel_loop3A_706 = arith.constant 1 : i32
        %parallel_loop3A_707 = arith.addi %parallel_loop3A_705, %parallel_loop3A_706 : i32
        %parallel_loop3A_708 = arith.index_cast %parallel_loop3A_707 : i32 to index
        %parallel_loop3A_709 = arith.constant 48 : index
        %parallel_loop3A_710 = tpu.vector_load %arg8[%parallel_loop3A_708, %parallel_loop3A_709] {strides = array<i32>} : memref<128x128xf32, #tpu.memory_space<vmem>>, vector<16xf32>,
        tpu.vector_store %arg8[%parallel_loop3A_708, %parallel_loop3A_709], %parallel_loop3A_697 {strides = array<i32>} : memref<128x128xf32, #tpu.memory_space<vmem>>, vector<16xf32>,
        %parallel_loop3A_711 = arith.constant 128 : i32
        %parallel_loop3A_712 = arith.muli %parallel_loop3A_583, %parallel_loop3A_711 : i32
        %parallel_loop3A_713 = arith.constant 48 : i32
        %parallel_loop3A_714 = arith.addi %parallel_loop3A_712, %parallel_loop3A_713 : i32
        %parallel_loop3A_715 = arith.index_cast %parallel_loop3A_714 : i32 to index
        %parallel_loop3A_716 = tpu.vector_load %arg7[%parallel_loop3A_715] {strides = array<i32>} : memref<8192xf32, #tpu.memory_space<vmem>>, vector<16xf32>,
        %parallel_loop3A_717 = arith.addf %parallel_loop3A_590, %parallel_loop3A_716 : vector<16xf32>
        %parallel_loop3A_718 = math.absf %parallel_loop3A_716 : vector<16xf32>
        %parallel_loop3A_719 = arith.addf %parallel_loop3A_591, %parallel_loop3A_718 : vector<16xf32>
        %parallel_loop3A_720 = arith.constant 128 : i32
        %parallel_loop3A_721 = arith.muli %parallel_loop3A_583, %parallel_loop3A_720 : i32
        %parallel_loop3A_722 = arith.constant 64 : i32
        %parallel_loop3A_723 = arith.addi %parallel_loop3A_721, %parallel_loop3A_722 : i32
        %parallel_loop3A_724 = arith.index_cast %parallel_loop3A_723 : i32 to index
        %parallel_loop3A_725 = tpu.vector_load %arg6[%parallel_loop3A_724] {strides = array<i32>} : memref<8192xf32, #tpu.memory_space<vmem>>, vector<16xf32>,
        %parallel_loop3A_726 = arith.constant -1.000000e+00 : f32
        %parallel_loop3A_727 = vector.broadcast %parallel_loop3A_726 : f32 to vector<16xf32>
        %parallel_loop3A_728 = arith.cmpf oeq, %parallel_loop3A_725, %parallel_loop3A_727 : vector<16xf32>
        %parallel_loop3A_729 = arith.select %parallel_loop3A_728, %select_n3A_347, %parallel_loop3A_725 : vector<16xi1>, vector<16xf32>
        %parallel_loop3A_730 = arith.subf %broadcast_in_dim3A_3, %parallel_loop3A_729 : vector<16xf32>
        %parallel_loop3A_731 = arith.constant 2 : i32
        %parallel_loop3A_732 = arith.muli %parallel_loop3A_731, %parallel_loop3A_583 : i32
        %parallel_loop3A_733 = arith.index_cast %parallel_loop3A_732 : i32 to index
        %parallel_loop3A_734 = arith.constant 64 : index
        %parallel_loop3A_735 = tpu.vector_load %arg8[%parallel_loop3A_733, %parallel_loop3A_734] {strides = array<i32>} : memref<128x128xf32, #tpu.memory_space<vmem>>, vector<16xf32>,
        tpu.vector_store %arg8[%parallel_loop3A_733, %parallel_loop3A_734], %parallel_loop3A_730 {strides = array<i32>} : memref<128x128xf32, #tpu.memory_space<vmem>>, vector<16xf32>,
        %parallel_loop3A_736 = arith.constant 2 : i32
        %parallel_loop3A_737 = arith.muli %parallel_loop3A_736, %parallel_loop3A_583 : i32
        %parallel_loop3A_738 = arith.constant 1 : i32
        %parallel_loop3A_739 = arith.addi %parallel_loop3A_737, %parallel_loop3A_738 : i32
        %parallel_loop3A_740 = arith.index_cast %parallel_loop3A_739 : i32 to index
        %parallel_loop3A_741 = arith.constant 64 : index
        %parallel_loop3A_742 = tpu.vector_load %arg8[%parallel_loop3A_740, %parallel_loop3A_741] {strides = array<i32>} : memref<128x128xf32, #tpu.memory_space<vmem>>, vector<16xf32>,
        tpu.vector_store %arg8[%parallel_loop3A_740, %parallel_loop3A_741], %parallel_loop3A_729 {strides = array<i32>} : memref<128x128xf32, #tpu.memory_space<vmem>>, vector<16xf32>,
        %parallel_loop3A_743 = arith.constant 128 : i32
        %parallel_loop3A_744 = arith.muli %parallel_loop3A_583, %parallel_loop3A_743 : i32
        %parallel_loop3A_745 = arith.constant 64 : i32
        %parallel_loop3A_746 = arith.addi %parallel_loop3A_744, %parallel_loop3A_745 : i32
        %parallel_loop3A_747 = arith.index_cast %parallel_loop3A_746 : i32 to index
        %parallel_loop3A_748 = tpu.vector_load %arg7[%parallel_loop3A_747] {strides = array<i32>} : memref<8192xf32, #tpu.memory_space<vmem>>, vector<16xf32>,
        %parallel_loop3A_749 = arith.addf %parallel_loop3A_621, %parallel_loop3A_748 : vector<16xf32>
        %parallel_loop3A_750 = math.absf %parallel_loop3A_748 : vector<16xf32>
        %parallel_loop3A_751 = arith.addf %parallel_loop3A_623, %parallel_loop3A_750 : vector<16xf32>
        %parallel_loop3A_752 = arith.constant 128 : i32
        %parallel_loop3A_753 = arith.muli %parallel_loop3A_583, %parallel_loop3A_752 : i32
        %parallel_loop3A_754 = arith.constant 80 : i32
        %parallel_loop3A_755 = arith.addi %parallel_loop3A_753, %parallel_loop3A_754 : i32
        %parallel_loop3A_756 = arith.index_cast %parallel_loop3A_755 : i32 to index
        %parallel_loop3A_757 = tpu.vector_load %arg6[%parallel_loop3A_756] {strides = array<i32>} : memref<8192xf32, #tpu.memory_space<vmem>>, vector<16xf32>,
        %parallel_loop3A_758 = arith.constant -1.000000e+00 : f32
        %parallel_loop3A_759 = vector.broadcast %parallel_loop3A_758 : f32 to vector<16xf32>
        %parallel_loop3A_760 = arith.cmpf oeq, %parallel_loop3A_757, %parallel_loop3A_759 : vector<16xf32>
        %parallel_loop3A_761 = arith.select %parallel_loop3A_760, %select_n3A_347, %parallel_loop3A_757 : vector<16xi1>, vector<16xf32>
        %parallel_loop3A_762 = arith.subf %broadcast_in_dim3A_3, %parallel_loop3A_761 : vector<16xf32>
        %parallel_loop3A_763 = arith.constant 2 : i32
        %parallel_loop3A_764 = arith.muli %parallel_loop3A_763, %parallel_loop3A_583 : i32
        %parallel_loop3A_765 = arith.index_cast %parallel_loop3A_764 : i32 to index
        %parallel_loop3A_766 = arith.constant 80 : index
        %parallel_loop3A_767 = tpu.vector_load %arg8[%parallel_loop3A_765, %parallel_loop3A_766] {strides = array<i32>} : memref<128x128xf32, #tpu.memory_space<vmem>>, vector<16xf32>,
        tpu.vector_store %arg8[%parallel_loop3A_765, %parallel_loop3A_766], %parallel_loop3A_762 {strides = array<i32>} : memref<128x128xf32, #tpu.memory_space<vmem>>, vector<16xf32>,
        %parallel_loop3A_768 = arith.constant 2 : i32
        %parallel_loop3A_769 = arith.muli %parallel_loop3A_768, %parallel_loop3A_583 : i32
        %parallel_loop3A_770 = arith.constant 1 : i32
        %parallel_loop3A_771 = arith.addi %parallel_loop3A_769, %parallel_loop3A_770 : i32
        %parallel_loop3A_772 = arith.index_cast %parallel_loop3A_771 : i32 to index
        %parallel_loop3A_773 = arith.constant 80 : index
        %parallel_loop3A_774 = tpu.vector_load %arg8[%parallel_loop3A_772, %parallel_loop3A_773] {strides = array<i32>} : memref<128x128xf32, #tpu.memory_space<vmem>>, vector<16xf32>,
        tpu.vector_store %arg8[%parallel_loop3A_772, %parallel_loop3A_773], %parallel_loop3A_761 {strides = array<i32>} : memref<128x128xf32, #tpu.memory_space<vmem>>, vector<16xf32>,
        %parallel_loop3A_775 = arith.constant 128 : i32
        %parallel_loop3A_776 = arith.muli %parallel_loop3A_583, %parallel_loop3A_775 : i32
        %parallel_loop3A_777 = arith.constant 80 : i32
        %parallel_loop3A_778 = arith.addi %parallel_loop3A_776, %parallel_loop3A_777 : i32
        %parallel_loop3A_779 = arith.index_cast %parallel_loop3A_778 : i32 to index
        %parallel_loop3A_780 = tpu.vector_load %arg7[%parallel_loop3A_779] {strides = array<i32>} : memref<8192xf32, #tpu.memory_space<vmem>>, vector<16xf32>,
        %parallel_loop3A_781 = arith.addf %parallel_loop3A_653, %parallel_loop3A_780 : vector<16xf32>
        %parallel_loop3A_782 = math.absf %parallel_loop3A_780 : vector<16xf32>
        %parallel_loop3A_783 = arith.addf %parallel_loop3A_655, %parallel_loop3A_782 : vector<16xf32>
        %parallel_loop3A_784 = arith.constant 128 : i32
        %parallel_loop3A_785 = arith.muli %parallel_loop3A_583, %parallel_loop3A_784 : i32
        %parallel_loop3A_786 = arith.constant 96 : i32
        %parallel_loop3A_787 = arith.addi %parallel_loop3A_785, %parallel_loop3A_786 : i32
        %parallel_loop3A_788 = arith.index_cast %parallel_loop3A_787 : i32 to index
        %parallel_loop3A_789 = tpu.vector_load %arg6[%parallel_loop3A_788] {strides = array<i32>} : memref<8192xf32, #tpu.memory_space<vmem>>, vector<16xf32>,
        %parallel_loop3A_790 = arith.constant -1.000000e+00 : f32
        %parallel_loop3A_791 = vector.broadcast %parallel_loop3A_790 : f32 to vector<16xf32>
        %parallel_loop3A_792 = arith.cmpf oeq, %parallel_loop3A_789, %parallel_loop3A_791 : vector<16xf32>
        %parallel_loop3A_793 = arith.select %parallel_loop3A_792, %select_n3A_347, %parallel_loop3A_789 : vector<16xi1>, vector<16xf32>
        %parallel_loop3A_794 = arith.subf %broadcast_in_dim3A_3, %parallel_loop3A_793 : vector<16xf32>
        %parallel_loop3A_795 = arith.constant 2 : i32
        %parallel_loop3A_796 = arith.muli %parallel_loop3A_795, %parallel_loop3A_583 : i32
        %parallel_loop3A_797 = arith.index_cast %parallel_loop3A_796 : i32 to index
        %parallel_loop3A_798 = arith.constant 96 : index
        %parallel_loop3A_799 = tpu.vector_load %arg8[%parallel_loop3A_797, %parallel_loop3A_798] {strides = array<i32>} : memref<128x128xf32, #tpu.memory_space<vmem>>, vector<16xf32>,
        tpu.vector_store %arg8[%parallel_loop3A_797, %parallel_loop3A_798], %parallel_loop3A_794 {strides = array<i32>} : memref<128x128xf32, #tpu.memory_space<vmem>>, vector<16xf32>,
        %parallel_loop3A_800 = arith.constant 2 : i32
        %parallel_loop3A_801 = arith.muli %parallel_loop3A_800, %parallel_loop3A_583 : i32
        %parallel_loop3A_802 = arith.constant 1 : i32
        %parallel_loop3A_803 = arith.addi %parallel_loop3A_801, %parallel_loop3A_802 : i32
        %parallel_loop3A_804 = arith.index_cast %parallel_loop3A_803 : i32 to index
        %parallel_loop3A_805 = arith.constant 96 : index
        %parallel_loop3A_806 = tpu.vector_load %arg8[%parallel_loop3A_804, %parallel_loop3A_805] {strides = array<i32>} : memref<128x128xf32, #tpu.memory_space<vmem>>, vector<16xf32>,
        tpu.vector_store %arg8[%parallel_loop3A_804, %parallel_loop3A_805], %parallel_loop3A_793 {strides = array<i32>} : memref<128x128xf32, #tpu.memory_space<vmem>>, vector<16xf32>,
        %parallel_loop3A_807 = arith.constant 128 : i32
        %parallel_loop3A_808 = arith.muli %parallel_loop3A_583, %parallel_loop3A_807 : i32
        %parallel_loop3A_809 = arith.constant 96 : i32
        %parallel_loop3A_810 = arith.addi %parallel_loop3A_808, %parallel_loop3A_809 : i32
        %parallel_loop3A_811 = arith.index_cast %parallel_loop3A_810 : i32 to index
        %parallel_loop3A_812 = tpu.vector_load %arg7[%parallel_loop3A_811] {strides = array<i32>} : memref<8192xf32, #tpu.memory_space<vmem>>, vector<16xf32>,
        %parallel_loop3A_813 = arith.addf %parallel_loop3A_685, %parallel_loop3A_812 : vector<16xf32>
        %parallel_loop3A_814 = math.absf %parallel_loop3A_812 : vector<16xf32>
        %parallel_loop3A_815 = arith.addf %parallel_loop3A_687, %parallel_loop3A_814 : vector<16xf32>
        %parallel_loop3A_816 = arith.constant 128 : i32
        %parallel_loop3A_817 = arith.muli %parallel_loop3A_583, %parallel_loop3A_816 : i32
        %parallel_loop3A_818 = arith.constant 112 : i32
        %parallel_loop3A_819 = arith.addi %parallel_loop3A_817, %parallel_loop3A_818 : i32
        %parallel_loop3A_820 = arith.index_cast %parallel_loop3A_819 : i32 to index
        %parallel_loop3A_821 = tpu.vector_load %arg6[%parallel_loop3A_820] {strides = array<i32>} : memref<8192xf32, #tpu.memory_space<vmem>>, vector<16xf32>,
        %parallel_loop3A_822 = arith.constant -1.000000e+00 : f32
        %parallel_loop3A_823 = vector.broadcast %parallel_loop3A_822 : f32 to vector<16xf32>
        %parallel_loop3A_824 = arith.cmpf oeq, %parallel_loop3A_821, %parallel_loop3A_823 : vector<16xf32>
        %parallel_loop3A_825 = arith.select %parallel_loop3A_824, %select_n3A_347, %parallel_loop3A_821 : vector<16xi1>, vector<16xf32>
        %parallel_loop3A_826 = arith.subf %broadcast_in_dim3A_3, %parallel_loop3A_825 : vector<16xf32>
        %parallel_loop3A_827 = arith.constant 2 : i32
        %parallel_loop3A_828 = arith.muli %parallel_loop3A_827, %parallel_loop3A_583 : i32
        %parallel_loop3A_829 = arith.index_cast %parallel_loop3A_828 : i32 to index
        %parallel_loop3A_830 = arith.constant 112 : index
        %parallel_loop3A_831 = tpu.vector_load %arg8[%parallel_loop3A_829, %parallel_loop3A_830] {strides = array<i32>} : memref<128x128xf32, #tpu.memory_space<vmem>>, vector<16xf32>,
        tpu.vector_store %arg8[%parallel_loop3A_829, %parallel_loop3A_830], %parallel_loop3A_826 {strides = array<i32>} : memref<128x128xf32, #tpu.memory_space<vmem>>, vector<16xf32>,
        %parallel_loop3A_832 = arith.constant 2 : i32
        %parallel_loop3A_833 = arith.muli %parallel_loop3A_832, %parallel_loop3A_583 : i32
        %parallel_loop3A_834 = arith.constant 1 : i32
        %parallel_loop3A_835 = arith.addi %parallel_loop3A_833, %parallel_loop3A_834 : i32
        %parallel_loop3A_836 = arith.index_cast %parallel_loop3A_835 : i32 to index
        %parallel_loop3A_837 = arith.constant 112 : index
        %parallel_loop3A_838 = tpu.vector_load %arg8[%parallel_loop3A_836, %parallel_loop3A_837] {strides = array<i32>} : memref<128x128xf32, #tpu.memory_space<vmem>>, vector<16xf32>,
        tpu.vector_store %arg8[%parallel_loop3A_836, %parallel_loop3A_837], %parallel_loop3A_825 {strides = array<i32>} : memref<128x128xf32, #tpu.memory_space<vmem>>, vector<16xf32>,
        %parallel_loop3A_839 = arith.constant 128 : i32
        %parallel_loop3A_840 = arith.muli %parallel_loop3A_583, %parallel_loop3A_839 : i32
        %parallel_loop3A_841 = arith.constant 112 : i32
        %parallel_loop3A_842 = arith.addi %parallel_loop3A_840, %parallel_loop3A_841 : i32
        %parallel_loop3A_843 = arith.index_cast %parallel_loop3A_842 : i32 to index
        %parallel_loop3A_844 = tpu.vector_load %arg7[%parallel_loop3A_843] {strides = array<i32>} : memref<8192xf32, #tpu.memory_space<vmem>>, vector<16xf32>,
        %parallel_loop3A_845 = arith.addf %parallel_loop3A_717, %parallel_loop3A_844 : vector<16xf32>
        %parallel_loop3A_846 = math.absf %parallel_loop3A_844 : vector<16xf32>
        %parallel_loop3A_847 = arith.addf %parallel_loop3A_719, %parallel_loop3A_846 : vector<16xf32>
        scf.yield %parallel_loop3A_749, %parallel_loop3A_751, %parallel_loop3A_781, %parallel_loop3A_783, %parallel_loop3A_813, %parallel_loop3A_815, %parallel_loop3A_845, %parallel_loop3A_847 : vector<16xf32>, vector<16xf32>, vector<16xf32>, vector<16xf32>, vector<16xf32>, vector<16xf32>, vector<16xf32>, vector<16xf32>
      } {sc.loop_unroll_factor = 1 : i64, sc.parallel_access}
      %add3A_388 = arith.addf %parallel_loop3A_387#0, %parallel_loop3A_387#2 : vector<16xf32>
      %add3A_389 = arith.addf %add3A_388, %parallel_loop3A_387#4 : vector<16xf32>
      %add3A_390 = arith.addf %add3A_389, %parallel_loop3A_387#6 : vector<16xf32>
      %iota3A_391 = tpu.iota {dimensions = array<i32: 0>} : vector<16xi32>
      %swap3A_392 = arith.constant 0 : index
      %swap3A_393 = tpu.vector_load %arg16[%swap3A_392] {strides = array<i32>} : memref<16xf32, #tpu.memory_space<vmem>>, vector<16xf32>,
      tpu.vector_store %arg16[%swap3A_392], %add3A_390 {strides = array<i32>} : memref<16xf32, #tpu.memory_space<vmem>>, vector<16xf32>,
      %xor3A_394 = arith.constant 1 : i32
      %xor3A_395 = vector.broadcast %xor3A_394 : i32 to vector<16xi32>
      %xor3A_396 = arith.xori %iota3A_391, %xor3A_395 : vector<16xi32>
      %gather3A_397 = tpu.vector_load_idx %arg16[%xor3A_396] : memref<16xf32, #tpu.memory_space<vmem>>[vector<16xi32>], vector<16xf32>,
      %add3A_398 = arith.addf %add3A_390, %gather3A_397 : vector<16xf32>
      %swap3A_399 = arith.constant 0 : index
      %swap3A_400 = tpu.vector_load %arg16[%swap3A_399] {strides = array<i32>} : memref<16xf32, #tpu.memory_space<vmem>>, vector<16xf32>,
      tpu.vector_store %arg16[%swap3A_399], %add3A_398 {strides = array<i32>} : memref<16xf32, #tpu.memory_space<vmem>>, vector<16xf32>,
      %xor3A_401 = arith.constant 2 : i32
      %xor3A_402 = vector.broadcast %xor3A_401 : i32 to vector<16xi32>
      %xor3A_403 = arith.xori %iota3A_391, %xor3A_402 : vector<16xi32>
      %gather3A_404 = tpu.vector_load_idx %arg16[%xor3A_403] : memref<16xf32, #tpu.memory_space<vmem>>[vector<16xi32>], vector<16xf32>,
      %add3A_405 = arith.addf %add3A_398, %gather3A_404 : vector<16xf32>
      %swap3A_406 = arith.constant 0 : index
      %swap3A_407 = tpu.vector_load %arg16[%swap3A_406] {strides = array<i32>} : memref<16xf32, #tpu.memory_space<vmem>>, vector<16xf32>,
      tpu.vector_store %arg16[%swap3A_406], %add3A_405 {strides = array<i32>} : memref<16xf32, #tpu.memory_space<vmem>>, vector<16xf32>,
      %xor3A_408 = arith.constant 4 : i32
      %xor3A_409 = vector.broadcast %xor3A_408 : i32 to vector<16xi32>
      %xor3A_410 = arith.xori %iota3A_391, %xor3A_409 : vector<16xi32>
      %gather3A_411 = tpu.vector_load_idx %arg16[%xor3A_410] : memref<16xf32, #tpu.memory_space<vmem>>[vector<16xi32>], vector<16xf32>,
      %add3A_412 = arith.addf %add3A_405, %gather3A_411 : vector<16xf32>
      %swap3A_413 = arith.constant 0 : index
      %swap3A_414 = tpu.vector_load %arg16[%swap3A_413] {strides = array<i32>} : memref<16xf32, #tpu.memory_space<vmem>>, vector<16xf32>,
      tpu.vector_store %arg16[%swap3A_413], %add3A_412 {strides = array<i32>} : memref<16xf32, #tpu.memory_space<vmem>>, vector<16xf32>,
      %xor3A_415 = arith.constant 8 : i32
      %xor3A_416 = vector.broadcast %xor3A_415 : i32 to vector<16xi32>
      %xor3A_417 = arith.xori %iota3A_391, %xor3A_416 : vector<16xi32>
      %gather3A_418 = tpu.vector_load_idx %arg16[%xor3A_417] : memref<16xf32, #tpu.memory_space<vmem>>[vector<16xi32>], vector<16xf32>,
      %add3A_419 = arith.addf %add3A_412, %gather3A_418 : vector<16xf32>
      %add3A_420 = arith.addf %parallel_loop3A_387#1, %parallel_loop3A_387#3 : vector<16xf32>
      %add3A_421 = arith.addf %add3A_420, %parallel_loop3A_387#5 : vector<16xf32>
      %add3A_422 = arith.addf %add3A_421, %parallel_loop3A_387#7 : vector<16xf32>
      %iota3A_423 = tpu.iota {dimensions = array<i32: 0>} : vector<16xi32>
      %swap3A_424 = arith.constant 0 : index
      %swap3A_425 = tpu.vector_load %arg16[%swap3A_424] {strides = array<i32>} : memref<16xf32, #tpu.memory_space<vmem>>, vector<16xf32>,
      tpu.vector_store %arg16[%swap3A_424], %add3A_422 {strides = array<i32>} : memref<16xf32, #tpu.memory_space<vmem>>, vector<16xf32>,
      %xor3A_426 = arith.constant 1 : i32
      %xor3A_427 = vector.broadcast %xor3A_426 : i32 to vector<16xi32>
      %xor3A_428 = arith.xori %iota3A_423, %xor3A_427 : vector<16xi32>
      %gather3A_429 = tpu.vector_load_idx %arg16[%xor3A_428] : memref<16xf32, #tpu.memory_space<vmem>>[vector<16xi32>], vector<16xf32>,
      %add3A_430 = arith.addf %add3A_422, %gather3A_429 : vector<16xf32>
      %swap3A_431 = arith.constant 0 : index
      %swap3A_432 = tpu.vector_load %arg16[%swap3A_431] {strides = array<i32>} : memref<16xf32, #tpu.memory_space<vmem>>, vector<16xf32>,
      tpu.vector_store %arg16[%swap3A_431], %add3A_430 {strides = array<i32>} : memref<16xf32, #tpu.memory_space<vmem>>, vector<16xf32>,
      %xor3A_433 = arith.constant 2 : i32
      %xor3A_434 = vector.broadcast %xor3A_433 : i32 to vector<16xi32>
      %xor3A_435 = arith.xori %iota3A_423, %xor3A_434 : vector<16xi32>
      %gather3A_436 = tpu.vector_load_idx %arg16[%xor3A_435] : memref<16xf32, #tpu.memory_space<vmem>>[vector<16xi32>], vector<16xf32>,
      %add3A_437 = arith.addf %add3A_430, %gather3A_436 : vector<16xf32>
      %swap3A_438 = arith.constant 0 : index
      %swap3A_439 = tpu.vector_load %arg16[%swap3A_438] {strides = array<i32>} : memref<16xf32, #tpu.memory_space<vmem>>, vector<16xf32>,
      tpu.vector_store %arg16[%swap3A_438], %add3A_437 {strides = array<i32>} : memref<16xf32, #tpu.memory_space<vmem>>, vector<16xf32>,
      %xor3A_440 = arith.constant 4 : i32
      %xor3A_441 = vector.broadcast %xor3A_440 : i32 to vector<16xi32>
      %xor3A_442 = arith.xori %iota3A_423, %xor3A_441 : vector<16xi32>
      %gather3A_443 = tpu.vector_load_idx %arg16[%xor3A_442] : memref<16xf32, #tpu.memory_space<vmem>>[vector<16xi32>], vector<16xf32>,
      %add3A_444 = arith.addf %add3A_437, %gather3A_443 : vector<16xf32>
      %swap3A_445 = arith.constant 0 : index
      %swap3A_446 = tpu.vector_load %arg16[%swap3A_445] {strides = array<i32>} : memref<16xf32, #tpu.memory_space<vmem>>, vector<16xf32>,
      tpu.vector_store %arg16[%swap3A_445], %add3A_444 {strides = array<i32>} : memref<16xf32, #tpu.memory_space<vmem>>, vector<16xf32>,
      %xor3A_447 = arith.constant 8 : i32
      %xor3A_448 = vector.broadcast %xor3A_447 : i32 to vector<16xi32>
      %xor3A_449 = arith.xori %iota3A_423, %xor3A_448 : vector<16xi32>
      %gather3A_450 = tpu.vector_load_idx %arg16[%xor3A_449] : memref<16xf32, #tpu.memory_space<vmem>>[vector<16xi32>], vector<16xf32>,
      %add3A_451 = arith.addf %add3A_444, %gather3A_450 : vector<16xf32>
      %sub3A_452 = arith.subf %add3A_451, %add3A_419 : vector<16xf32>
      %lt3A_453 = vector.broadcast %scan3A : f32 to vector<16xf32>
      %lt3A_454 = arith.cmpf olt, %sub3A_452, %lt3A_453 : vector<16xf32>
      %mul3A_455 = arith.constant 3.000000e+00 : f32
      %mul3A_456 = vector.broadcast %mul3A_455 : f32 to vector<16xf32>
      %mul3A_457 = arith.mulf %mul3A_456, %add3A_451 : vector<16xf32>
      %add3A_458 = arith.addf %add3A_419, %mul3A_457 : vector<16xf32>
      %gt3A_459 = vector.broadcast %scan3A : f32 to vector<16xf32>
      %gt3A_460 = arith.cmpf ogt, %add3A_458, %gt3A_459 : vector<16xf32>
      %select_n3A_461 = arith.select %gt3A_460, %broadcast_in_dim3A_3, %broadcast_in_dim3A_5 : vector<16xi1>, vector<16xf32>
      %select_n3A_462 = arith.select %lt3A_454, %select_n3A_461, %broadcast_in_dim3A_3 : vector<16xi1>, vector<16xf32>
      %dma_start3A_463 = arith.constant 0 : i32
      %dma_start3A_464 = arith.constant 0 : i32
      %dma_start3A_465 = tpu.memref_slice %arg3[%add3A_360, %dma_start3A_463, %dma_start3A_464] : memref<1024x128x128xf32, #tpu.memory_space<hbm>> -> memref<1x128x128xf32, #tpu.memory_space<hbm>>
      %dma_start3A_466 = tpu.memref_squeeze %dma_start3A_465 : memref<1x128x128xf32, #tpu.memory_space<hbm>> -> memref<128x128xf32, #tpu.memory_space<hbm>>
      %dma_start3A_467 = arith.constant 0 : i32
      %dma_start3A_468 = arith.constant 0 : i32
      %dma_start3A_469 = tpu.memref_slice %arg3[%add3A_360, %dma_start3A_467, %dma_start3A_468] : memref<1024x128x128xf32, #tpu.memory_space<hbm>> -> memref<1x128x128xf32, #tpu.memory_space<hbm>>
      %dma_start3A_470 = tpu.memref_squeeze %dma_start3A_469 : memref<1x128x128xf32, #tpu.memory_space<hbm>> -> memref<128x128xf32, #tpu.memory_space<hbm>>
      tpu.enqueue_dma source(%arg8 : memref<128x128xf32, #tpu.memory_space<vmem>>) target(%dma_start3A_470 : memref<128x128xf32, #tpu.memory_space<hbm>>) target_semaphore(%arg14 : memref<!tpu.dma_semaphore, #tpu.memory_space<semaphore_mem>>)
      %mul3A_471 = arith.constant 4 : i32
      %mul3A_472 = arith.muli %mul3A_471, %add3A_131 : i32
      %add3A_473 = arith.addi %mul3A_2, %mul3A_472 : i32
      %add3A_474 = arith.constant 3 : i32
      %add3A_475 = arith.addi %add3A_473, %add3A_474 : i32
      %lt3A_476 = arith.constant 7 : i32
      %lt3A_477 = arith.cmpi slt, %add3A_131, %lt3A_476 : i32
      %convert_element_type3A_478 = arith.extui %lt3A_477 : i1 to i32
      %cond3A_479 = arith.constant 0 : i32
      %cond3A_480 = arith.cmpi ne, %convert_element_type3A_478, %cond3A_479 : i32
      scf.if %cond3A_480 {
        %add3A_583 = arith.constant 2 : i32
        %add3A_584 = arith.addi %add3A_475, %add3A_583 : i32
        %dma_start3A_585 = arith.constant 0 : i32
        %dma_start3A_586 = tpu.memref_slice %arg2[%add3A_584, %dma_start3A_585] : memref<1024x8192xf32, #tpu.memory_space<hbm>> -> memref<1x8192xf32, #tpu.memory_space<hbm>>
        %dma_start3A_587 = tpu.memref_squeeze %dma_start3A_586 : memref<1x8192xf32, #tpu.memory_space<hbm>> -> memref<8192xf32, #tpu.memory_space<hbm>>
        %dma_start3A_588 = arith.constant 0 : i32
        %dma_start3A_589 = tpu.memref_slice %arg2[%add3A_584, %dma_start3A_588] : memref<1024x8192xf32, #tpu.memory_space<hbm>> -> memref<1x8192xf32, #tpu.memory_space<hbm>>
        %dma_start3A_590 = tpu.memref_squeeze %dma_start3A_589 : memref<1x8192xf32, #tpu.memory_space<hbm>> -> memref<8192xf32, #tpu.memory_space<hbm>>
        tpu.enqueue_dma source(%dma_start3A_590 : memref<8192xf32, #tpu.memory_space<hbm>>) target(%arg5 : memref<8192xf32, #tpu.memory_space<vmem>>) target_semaphore(%arg11 : memref<!tpu.dma_semaphore, #tpu.memory_space<semaphore_mem>>)
      } else {
      }
      %lt3A_481 = arith.constant 7 : i32
      %lt3A_482 = arith.cmpi slt, %add3A_131, %lt3A_481 : i32
      %convert_element_type3A_483 = arith.extui %lt3A_482 : i1 to i32
      %cond3A_484 = arith.constant 0 : i32
      %cond3A_485 = arith.cmpi ne, %convert_element_type3A_483, %cond3A_484 : i32
      scf.if %cond3A_485 {
        %add3A_583 = arith.constant 1 : i32
        %add3A_584 = arith.addi %add3A_475, %add3A_583 : i32
        %dma_wait3A_585 = arith.constant 0 : i32
        %dma_wait3A_586 = tpu.memref_slice %arg2[%add3A_584, %dma_wait3A_585] : memref<1024x8192xf32, #tpu.memory_space<hbm>> -> memref<1x8192xf32, #tpu.memory_space<hbm>>
        %dma_wait3A_587 = tpu.memref_squeeze %dma_wait3A_586 : memref<1x8192xf32, #tpu.memory_space<hbm>> -> memref<8192xf32, #tpu.memory_space<hbm>>
        %dma_wait3A_588 = arith.constant 0 : i32
        %dma_wait3A_589 = tpu.memref_slice %arg2[%add3A_584, %dma_wait3A_588] : memref<1024x8192xf32, #tpu.memory_space<hbm>> -> memref<1x8192xf32, #tpu.memory_space<hbm>>
        %dma_wait3A_590 = tpu.memref_squeeze %dma_wait3A_589 : memref<1x8192xf32, #tpu.memory_space<hbm>> -> memref<8192xf32, #tpu.memory_space<hbm>>
        tpu.wait_dma2 semaphore(%arg10 : memref<!tpu.dma_semaphore, #tpu.memory_space<semaphore_mem>>) src(%dma_wait3A_590 : memref<8192xf32, #tpu.memory_space<hbm>>) dst(%arg4 : memref<8192xf32, #tpu.memory_space<vmem>>)
      } else {
      }
      %sub3A_486 = arith.constant 2 : i32
      %sub3A_487 = arith.subi %add3A_475, %sub3A_486 : i32
      %dma_wait3A_488 = arith.constant 0 : i32
      %dma_wait3A_489 = arith.constant 0 : i32
      %dma_wait3A_490 = tpu.memref_slice %arg3[%sub3A_487, %dma_wait3A_488, %dma_wait3A_489] : memref<1024x128x128xf32, #tpu.memory_space<hbm>> -> memref<1x128x128xf32, #tpu.memory_space<hbm>>
      %dma_wait3A_491 = tpu.memref_squeeze %dma_wait3A_490 : memref<1x128x128xf32, #tpu.memory_space<hbm>> -> memref<128x128xf32, #tpu.memory_space<hbm>>
      %dma_wait3A_492 = arith.constant 0 : i32
      %dma_wait3A_493 = arith.constant 0 : i32
      %dma_wait3A_494 = tpu.memref_slice %arg3[%sub3A_487, %dma_wait3A_492, %dma_wait3A_493] : memref<1024x128x128xf32, #tpu.memory_space<hbm>> -> memref<1x128x128xf32, #tpu.memory_space<hbm>>
      %dma_wait3A_495 = tpu.memref_squeeze %dma_wait3A_494 : memref<1x128x128xf32, #tpu.memory_space<hbm>> -> memref<128x128xf32, #tpu.memory_space<hbm>>
      tpu.wait_dma2 semaphore(%arg15 : memref<!tpu.dma_semaphore, #tpu.memory_space<semaphore_mem>>) src(%arg9 : memref<128x128xf32, #tpu.memory_space<vmem>>) dst(%dma_wait3A_495 : memref<128x128xf32, #tpu.memory_space<hbm>>)
      %parallel_loop3A_496 = arith.constant 0 : i32
      %parallel_loop3A_497 = arith.constant 64 : i32
      %parallel_loop3A_498 = arith.constant 1 : i32
      %parallel_loop3A_499:8 = scf.for %parallel_loop3A_583 = %parallel_loop3A_496 to %parallel_loop3A_497 step %parallel_loop3A_498 iter_args(%parallel_loop3A_584 = %broadcast_in_dim3A_5, %parallel_loop3A_585 = %broadcast_in_dim3A_5, %parallel_loop3A_586 = %broadcast_in_dim3A_5, %parallel_loop3A_587 = %broadcast_in_dim3A_5, %parallel_loop3A_588 = %broadcast_in_dim3A_5, %parallel_loop3A_589 = %broadcast_in_dim3A_5, %parallel_loop3A_590 = %broadcast_in_dim3A_5, %parallel_loop3A_591 = %broadcast_in_dim3A_5) -> (vector<16xf32>, vector<16xf32>, vector<16xf32>, vector<16xf32>, vector<16xf32>, vector<16xf32>, vector<16xf32>, vector<16xf32>)  : i32 {
        %parallel_loop3A_592 = arith.constant 128 : i32
        %parallel_loop3A_593 = arith.muli %parallel_loop3A_583, %parallel_loop3A_592 : i32
        %parallel_loop3A_594 = arith.constant 0 : i32
        %parallel_loop3A_595 = arith.addi %parallel_loop3A_593, %parallel_loop3A_594 : i32
        %parallel_loop3A_596 = arith.index_cast %parallel_loop3A_595 : i32 to index
        %parallel_loop3A_597 = tpu.vector_load %arg7[%parallel_loop3A_596] {strides = array<i32>} : memref<8192xf32, #tpu.memory_space<vmem>>, vector<16xf32>,
        %parallel_loop3A_598 = arith.constant -1.000000e+00 : f32
        %parallel_loop3A_599 = vector.broadcast %parallel_loop3A_598 : f32 to vector<16xf32>
        %parallel_loop3A_600 = arith.cmpf oeq, %parallel_loop3A_597, %parallel_loop3A_599 : vector<16xf32>
        %parallel_loop3A_601 = arith.select %parallel_loop3A_600, %select_n3A_462, %parallel_loop3A_597 : vector<16xi1>, vector<16xf32>
        %parallel_loop3A_602 = arith.subf %broadcast_in_dim3A_3, %parallel_loop3A_601 : vector<16xf32>
        %parallel_loop3A_603 = arith.constant 2 : i32
        %parallel_loop3A_604 = arith.muli %parallel_loop3A_603, %parallel_loop3A_583 : i32
        %parallel_loop3A_605 = arith.index_cast %parallel_loop3A_604 : i32 to index
        %parallel_loop3A_606 = arith.constant 0 : index
        %parallel_loop3A_607 = tpu.vector_load %arg9[%parallel_loop3A_605, %parallel_loop3A_606] {strides = array<i32>} : memref<128x128xf32, #tpu.memory_space<vmem>>, vector<16xf32>,
        tpu.vector_store %arg9[%parallel_loop3A_605, %parallel_loop3A_606], %parallel_loop3A_602 {strides = array<i32>} : memref<128x128xf32, #tpu.memory_space<vmem>>, vector<16xf32>,
        %parallel_loop3A_608 = arith.constant 2 : i32
        %parallel_loop3A_609 = arith.muli %parallel_loop3A_608, %parallel_loop3A_583 : i32
        %parallel_loop3A_610 = arith.constant 1 : i32
        %parallel_loop3A_611 = arith.addi %parallel_loop3A_609, %parallel_loop3A_610 : i32
        %parallel_loop3A_612 = arith.index_cast %parallel_loop3A_611 : i32 to index
        %parallel_loop3A_613 = arith.constant 0 : index
        %parallel_loop3A_614 = tpu.vector_load %arg9[%parallel_loop3A_612, %parallel_loop3A_613] {strides = array<i32>} : memref<128x128xf32, #tpu.memory_space<vmem>>, vector<16xf32>,
        tpu.vector_store %arg9[%parallel_loop3A_612, %parallel_loop3A_613], %parallel_loop3A_601 {strides = array<i32>} : memref<128x128xf32, #tpu.memory_space<vmem>>, vector<16xf32>,
        %parallel_loop3A_615 = arith.constant 128 : i32
        %parallel_loop3A_616 = arith.muli %parallel_loop3A_583, %parallel_loop3A_615 : i32
        %parallel_loop3A_617 = arith.constant 0 : i32
        %parallel_loop3A_618 = arith.addi %parallel_loop3A_616, %parallel_loop3A_617 : i32
        %parallel_loop3A_619 = arith.index_cast %parallel_loop3A_618 : i32 to index
        %parallel_loop3A_620 = tpu.vector_load %arg4[%parallel_loop3A_619] {strides = array<i32>} : memref<8192xf32, #tpu.memory_space<vmem>>, vector<16xf32>,
        %parallel_loop3A_621 = arith.addf %parallel_loop3A_584, %parallel_loop3A_620 : vector<16xf32>
        %parallel_loop3A_622 = math.absf %parallel_loop3A_620 : vector<16xf32>
        %parallel_loop3A_623 = arith.addf %parallel_loop3A_585, %parallel_loop3A_622 : vector<16xf32>
        %parallel_loop3A_624 = arith.constant 128 : i32
        %parallel_loop3A_625 = arith.muli %parallel_loop3A_583, %parallel_loop3A_624 : i32
        %parallel_loop3A_626 = arith.constant 16 : i32
        %parallel_loop3A_627 = arith.addi %parallel_loop3A_625, %parallel_loop3A_626 : i32
        %parallel_loop3A_628 = arith.index_cast %parallel_loop3A_627 : i32 to index
        %parallel_loop3A_629 = tpu.vector_load %arg7[%parallel_loop3A_628] {strides = array<i32>} : memref<8192xf32, #tpu.memory_space<vmem>>, vector<16xf32>,
        %parallel_loop3A_630 = arith.constant -1.000000e+00 : f32
        %parallel_loop3A_631 = vector.broadcast %parallel_loop3A_630 : f32 to vector<16xf32>
        %parallel_loop3A_632 = arith.cmpf oeq, %parallel_loop3A_629, %parallel_loop3A_631 : vector<16xf32>
        %parallel_loop3A_633 = arith.select %parallel_loop3A_632, %select_n3A_462, %parallel_loop3A_629 : vector<16xi1>, vector<16xf32>
        %parallel_loop3A_634 = arith.subf %broadcast_in_dim3A_3, %parallel_loop3A_633 : vector<16xf32>
        %parallel_loop3A_635 = arith.constant 2 : i32
        %parallel_loop3A_636 = arith.muli %parallel_loop3A_635, %parallel_loop3A_583 : i32
        %parallel_loop3A_637 = arith.index_cast %parallel_loop3A_636 : i32 to index
        %parallel_loop3A_638 = arith.constant 16 : index
        %parallel_loop3A_639 = tpu.vector_load %arg9[%parallel_loop3A_637, %parallel_loop3A_638] {strides = array<i32>} : memref<128x128xf32, #tpu.memory_space<vmem>>, vector<16xf32>,
        tpu.vector_store %arg9[%parallel_loop3A_637, %parallel_loop3A_638], %parallel_loop3A_634 {strides = array<i32>} : memref<128x128xf32, #tpu.memory_space<vmem>>, vector<16xf32>,
        %parallel_loop3A_640 = arith.constant 2 : i32
        %parallel_loop3A_641 = arith.muli %parallel_loop3A_640, %parallel_loop3A_583 : i32
        %parallel_loop3A_642 = arith.constant 1 : i32
        %parallel_loop3A_643 = arith.addi %parallel_loop3A_641, %parallel_loop3A_642 : i32
        %parallel_loop3A_644 = arith.index_cast %parallel_loop3A_643 : i32 to index
        %parallel_loop3A_645 = arith.constant 16 : index
        %parallel_loop3A_646 = tpu.vector_load %arg9[%parallel_loop3A_644, %parallel_loop3A_645] {strides = array<i32>} : memref<128x128xf32, #tpu.memory_space<vmem>>, vector<16xf32>,
        tpu.vector_store %arg9[%parallel_loop3A_644, %parallel_loop3A_645], %parallel_loop3A_633 {strides = array<i32>} : memref<128x128xf32, #tpu.memory_space<vmem>>, vector<16xf32>,
        %parallel_loop3A_647 = arith.constant 128 : i32
        %parallel_loop3A_648 = arith.muli %parallel_loop3A_583, %parallel_loop3A_647 : i32
        %parallel_loop3A_649 = arith.constant 16 : i32
        %parallel_loop3A_650 = arith.addi %parallel_loop3A_648, %parallel_loop3A_649 : i32
        %parallel_loop3A_651 = arith.index_cast %parallel_loop3A_650 : i32 to index
        %parallel_loop3A_652 = tpu.vector_load %arg4[%parallel_loop3A_651] {strides = array<i32>} : memref<8192xf32, #tpu.memory_space<vmem>>, vector<16xf32>,
        %parallel_loop3A_653 = arith.addf %parallel_loop3A_586, %parallel_loop3A_652 : vector<16xf32>
        %parallel_loop3A_654 = math.absf %parallel_loop3A_652 : vector<16xf32>
        %parallel_loop3A_655 = arith.addf %parallel_loop3A_587, %parallel_loop3A_654 : vector<16xf32>
        %parallel_loop3A_656 = arith.constant 128 : i32
        %parallel_loop3A_657 = arith.muli %parallel_loop3A_583, %parallel_loop3A_656 : i32
        %parallel_loop3A_658 = arith.constant 32 : i32
        %parallel_loop3A_659 = arith.addi %parallel_loop3A_657, %parallel_loop3A_658 : i32
        %parallel_loop3A_660 = arith.index_cast %parallel_loop3A_659 : i32 to index
        %parallel_loop3A_661 = tpu.vector_load %arg7[%parallel_loop3A_660] {strides = array<i32>} : memref<8192xf32, #tpu.memory_space<vmem>>, vector<16xf32>,
        %parallel_loop3A_662 = arith.constant -1.000000e+00 : f32
        %parallel_loop3A_663 = vector.broadcast %parallel_loop3A_662 : f32 to vector<16xf32>
        %parallel_loop3A_664 = arith.cmpf oeq, %parallel_loop3A_661, %parallel_loop3A_663 : vector<16xf32>
        %parallel_loop3A_665 = arith.select %parallel_loop3A_664, %select_n3A_462, %parallel_loop3A_661 : vector<16xi1>, vector<16xf32>
        %parallel_loop3A_666 = arith.subf %broadcast_in_dim3A_3, %parallel_loop3A_665 : vector<16xf32>
        %parallel_loop3A_667 = arith.constant 2 : i32
        %parallel_loop3A_668 = arith.muli %parallel_loop3A_667, %parallel_loop3A_583 : i32
        %parallel_loop3A_669 = arith.index_cast %parallel_loop3A_668 : i32 to index
        %parallel_loop3A_670 = arith.constant 32 : index
        %parallel_loop3A_671 = tpu.vector_load %arg9[%parallel_loop3A_669, %parallel_loop3A_670] {strides = array<i32>} : memref<128x128xf32, #tpu.memory_space<vmem>>, vector<16xf32>,
        tpu.vector_store %arg9[%parallel_loop3A_669, %parallel_loop3A_670], %parallel_loop3A_666 {strides = array<i32>} : memref<128x128xf32, #tpu.memory_space<vmem>>, vector<16xf32>,
        %parallel_loop3A_672 = arith.constant 2 : i32
        %parallel_loop3A_673 = arith.muli %parallel_loop3A_672, %parallel_loop3A_583 : i32
        %parallel_loop3A_674 = arith.constant 1 : i32
        %parallel_loop3A_675 = arith.addi %parallel_loop3A_673, %parallel_loop3A_674 : i32
        %parallel_loop3A_676 = arith.index_cast %parallel_loop3A_675 : i32 to index
        %parallel_loop3A_677 = arith.constant 32 : index
        %parallel_loop3A_678 = tpu.vector_load %arg9[%parallel_loop3A_676, %parallel_loop3A_677] {strides = array<i32>} : memref<128x128xf32, #tpu.memory_space<vmem>>, vector<16xf32>,
        tpu.vector_store %arg9[%parallel_loop3A_676, %parallel_loop3A_677], %parallel_loop3A_665 {strides = array<i32>} : memref<128x128xf32, #tpu.memory_space<vmem>>, vector<16xf32>,
        %parallel_loop3A_679 = arith.constant 128 : i32
        %parallel_loop3A_680 = arith.muli %parallel_loop3A_583, %parallel_loop3A_679 : i32
        %parallel_loop3A_681 = arith.constant 32 : i32
        %parallel_loop3A_682 = arith.addi %parallel_loop3A_680, %parallel_loop3A_681 : i32
        %parallel_loop3A_683 = arith.index_cast %parallel_loop3A_682 : i32 to index
        %parallel_loop3A_684 = tpu.vector_load %arg4[%parallel_loop3A_683] {strides = array<i32>} : memref<8192xf32, #tpu.memory_space<vmem>>, vector<16xf32>,
        %parallel_loop3A_685 = arith.addf %parallel_loop3A_588, %parallel_loop3A_684 : vector<16xf32>
        %parallel_loop3A_686 = math.absf %parallel_loop3A_684 : vector<16xf32>
        %parallel_loop3A_687 = arith.addf %parallel_loop3A_589, %parallel_loop3A_686 : vector<16xf32>
        %parallel_loop3A_688 = arith.constant 128 : i32
        %parallel_loop3A_689 = arith.muli %parallel_loop3A_583, %parallel_loop3A_688 : i32
        %parallel_loop3A_690 = arith.constant 48 : i32
        %parallel_loop3A_691 = arith.addi %parallel_loop3A_689, %parallel_loop3A_690 : i32
        %parallel_loop3A_692 = arith.index_cast %parallel_loop3A_691 : i32 to index
        %parallel_loop3A_693 = tpu.vector_load %arg7[%parallel_loop3A_692] {strides = array<i32>} : memref<8192xf32, #tpu.memory_space<vmem>>, vector<16xf32>,
        %parallel_loop3A_694 = arith.constant -1.000000e+00 : f32
        %parallel_loop3A_695 = vector.broadcast %parallel_loop3A_694 : f32 to vector<16xf32>
        %parallel_loop3A_696 = arith.cmpf oeq, %parallel_loop3A_693, %parallel_loop3A_695 : vector<16xf32>
        %parallel_loop3A_697 = arith.select %parallel_loop3A_696, %select_n3A_462, %parallel_loop3A_693 : vector<16xi1>, vector<16xf32>
        %parallel_loop3A_698 = arith.subf %broadcast_in_dim3A_3, %parallel_loop3A_697 : vector<16xf32>
        %parallel_loop3A_699 = arith.constant 2 : i32
        %parallel_loop3A_700 = arith.muli %parallel_loop3A_699, %parallel_loop3A_583 : i32
        %parallel_loop3A_701 = arith.index_cast %parallel_loop3A_700 : i32 to index
        %parallel_loop3A_702 = arith.constant 48 : index
        %parallel_loop3A_703 = tpu.vector_load %arg9[%parallel_loop3A_701, %parallel_loop3A_702] {strides = array<i32>} : memref<128x128xf32, #tpu.memory_space<vmem>>, vector<16xf32>,
        tpu.vector_store %arg9[%parallel_loop3A_701, %parallel_loop3A_702], %parallel_loop3A_698 {strides = array<i32>} : memref<128x128xf32, #tpu.memory_space<vmem>>, vector<16xf32>,
        %parallel_loop3A_704 = arith.constant 2 : i32
        %parallel_loop3A_705 = arith.muli %parallel_loop3A_704, %parallel_loop3A_583 : i32
        %parallel_loop3A_706 = arith.constant 1 : i32
        %parallel_loop3A_707 = arith.addi %parallel_loop3A_705, %parallel_loop3A_706 : i32
        %parallel_loop3A_708 = arith.index_cast %parallel_loop3A_707 : i32 to index
        %parallel_loop3A_709 = arith.constant 48 : index
        %parallel_loop3A_710 = tpu.vector_load %arg9[%parallel_loop3A_708, %parallel_loop3A_709] {strides = array<i32>} : memref<128x128xf32, #tpu.memory_space<vmem>>, vector<16xf32>,
        tpu.vector_store %arg9[%parallel_loop3A_708, %parallel_loop3A_709], %parallel_loop3A_697 {strides = array<i32>} : memref<128x128xf32, #tpu.memory_space<vmem>>, vector<16xf32>,
        %parallel_loop3A_711 = arith.constant 128 : i32
        %parallel_loop3A_712 = arith.muli %parallel_loop3A_583, %parallel_loop3A_711 : i32
        %parallel_loop3A_713 = arith.constant 48 : i32
        %parallel_loop3A_714 = arith.addi %parallel_loop3A_712, %parallel_loop3A_713 : i32
        %parallel_loop3A_715 = arith.index_cast %parallel_loop3A_714 : i32 to index
        %parallel_loop3A_716 = tpu.vector_load %arg4[%parallel_loop3A_715] {strides = array<i32>} : memref<8192xf32, #tpu.memory_space<vmem>>, vector<16xf32>,
        %parallel_loop3A_717 = arith.addf %parallel_loop3A_590, %parallel_loop3A_716 : vector<16xf32>
        %parallel_loop3A_718 = math.absf %parallel_loop3A_716 : vector<16xf32>
        %parallel_loop3A_719 = arith.addf %parallel_loop3A_591, %parallel_loop3A_718 : vector<16xf32>
        %parallel_loop3A_720 = arith.constant 128 : i32
        %parallel_loop3A_721 = arith.muli %parallel_loop3A_583, %parallel_loop3A_720 : i32
        %parallel_loop3A_722 = arith.constant 64 : i32
        %parallel_loop3A_723 = arith.addi %parallel_loop3A_721, %parallel_loop3A_722 : i32
        %parallel_loop3A_724 = arith.index_cast %parallel_loop3A_723 : i32 to index
        %parallel_loop3A_725 = tpu.vector_load %arg7[%parallel_loop3A_724] {strides = array<i32>} : memref<8192xf32, #tpu.memory_space<vmem>>, vector<16xf32>,
        %parallel_loop3A_726 = arith.constant -1.000000e+00 : f32
        %parallel_loop3A_727 = vector.broadcast %parallel_loop3A_726 : f32 to vector<16xf32>
        %parallel_loop3A_728 = arith.cmpf oeq, %parallel_loop3A_725, %parallel_loop3A_727 : vector<16xf32>
        %parallel_loop3A_729 = arith.select %parallel_loop3A_728, %select_n3A_462, %parallel_loop3A_725 : vector<16xi1>, vector<16xf32>
        %parallel_loop3A_730 = arith.subf %broadcast_in_dim3A_3, %parallel_loop3A_729 : vector<16xf32>
        %parallel_loop3A_731 = arith.constant 2 : i32
        %parallel_loop3A_732 = arith.muli %parallel_loop3A_731, %parallel_loop3A_583 : i32
        %parallel_loop3A_733 = arith.index_cast %parallel_loop3A_732 : i32 to index
        %parallel_loop3A_734 = arith.constant 64 : index
        %parallel_loop3A_735 = tpu.vector_load %arg9[%parallel_loop3A_733, %parallel_loop3A_734] {strides = array<i32>} : memref<128x128xf32, #tpu.memory_space<vmem>>, vector<16xf32>,
        tpu.vector_store %arg9[%parallel_loop3A_733, %parallel_loop3A_734], %parallel_loop3A_730 {strides = array<i32>} : memref<128x128xf32, #tpu.memory_space<vmem>>, vector<16xf32>,
        %parallel_loop3A_736 = arith.constant 2 : i32
        %parallel_loop3A_737 = arith.muli %parallel_loop3A_736, %parallel_loop3A_583 : i32
        %parallel_loop3A_738 = arith.constant 1 : i32
        %parallel_loop3A_739 = arith.addi %parallel_loop3A_737, %parallel_loop3A_738 : i32
        %parallel_loop3A_740 = arith.index_cast %parallel_loop3A_739 : i32 to index
        %parallel_loop3A_741 = arith.constant 64 : index
        %parallel_loop3A_742 = tpu.vector_load %arg9[%parallel_loop3A_740, %parallel_loop3A_741] {strides = array<i32>} : memref<128x128xf32, #tpu.memory_space<vmem>>, vector<16xf32>,
        tpu.vector_store %arg9[%parallel_loop3A_740, %parallel_loop3A_741], %parallel_loop3A_729 {strides = array<i32>} : memref<128x128xf32, #tpu.memory_space<vmem>>, vector<16xf32>,
        %parallel_loop3A_743 = arith.constant 128 : i32
        %parallel_loop3A_744 = arith.muli %parallel_loop3A_583, %parallel_loop3A_743 : i32
        %parallel_loop3A_745 = arith.constant 64 : i32
        %parallel_loop3A_746 = arith.addi %parallel_loop3A_744, %parallel_loop3A_745 : i32
        %parallel_loop3A_747 = arith.index_cast %parallel_loop3A_746 : i32 to index
        %parallel_loop3A_748 = tpu.vector_load %arg4[%parallel_loop3A_747] {strides = array<i32>} : memref<8192xf32, #tpu.memory_space<vmem>>, vector<16xf32>,
        %parallel_loop3A_749 = arith.addf %parallel_loop3A_621, %parallel_loop3A_748 : vector<16xf32>
        %parallel_loop3A_750 = math.absf %parallel_loop3A_748 : vector<16xf32>
        %parallel_loop3A_751 = arith.addf %parallel_loop3A_623, %parallel_loop3A_750 : vector<16xf32>
        %parallel_loop3A_752 = arith.constant 128 : i32
        %parallel_loop3A_753 = arith.muli %parallel_loop3A_583, %parallel_loop3A_752 : i32
        %parallel_loop3A_754 = arith.constant 80 : i32
        %parallel_loop3A_755 = arith.addi %parallel_loop3A_753, %parallel_loop3A_754 : i32
        %parallel_loop3A_756 = arith.index_cast %parallel_loop3A_755 : i32 to index
        %parallel_loop3A_757 = tpu.vector_load %arg7[%parallel_loop3A_756] {strides = array<i32>} : memref<8192xf32, #tpu.memory_space<vmem>>, vector<16xf32>,
        %parallel_loop3A_758 = arith.constant -1.000000e+00 : f32
        %parallel_loop3A_759 = vector.broadcast %parallel_loop3A_758 : f32 to vector<16xf32>
        %parallel_loop3A_760 = arith.cmpf oeq, %parallel_loop3A_757, %parallel_loop3A_759 : vector<16xf32>
        %parallel_loop3A_761 = arith.select %parallel_loop3A_760, %select_n3A_462, %parallel_loop3A_757 : vector<16xi1>, vector<16xf32>
        %parallel_loop3A_762 = arith.subf %broadcast_in_dim3A_3, %parallel_loop3A_761 : vector<16xf32>
        %parallel_loop3A_763 = arith.constant 2 : i32
        %parallel_loop3A_764 = arith.muli %parallel_loop3A_763, %parallel_loop3A_583 : i32
        %parallel_loop3A_765 = arith.index_cast %parallel_loop3A_764 : i32 to index
        %parallel_loop3A_766 = arith.constant 80 : index
        %parallel_loop3A_767 = tpu.vector_load %arg9[%parallel_loop3A_765, %parallel_loop3A_766] {strides = array<i32>} : memref<128x128xf32, #tpu.memory_space<vmem>>, vector<16xf32>,
        tpu.vector_store %arg9[%parallel_loop3A_765, %parallel_loop3A_766], %parallel_loop3A_762 {strides = array<i32>} : memref<128x128xf32, #tpu.memory_space<vmem>>, vector<16xf32>,
        %parallel_loop3A_768 = arith.constant 2 : i32
        %parallel_loop3A_769 = arith.muli %parallel_loop3A_768, %parallel_loop3A_583 : i32
        %parallel_loop3A_770 = arith.constant 1 : i32
        %parallel_loop3A_771 = arith.addi %parallel_loop3A_769, %parallel_loop3A_770 : i32
        %parallel_loop3A_772 = arith.index_cast %parallel_loop3A_771 : i32 to index
        %parallel_loop3A_773 = arith.constant 80 : index
        %parallel_loop3A_774 = tpu.vector_load %arg9[%parallel_loop3A_772, %parallel_loop3A_773] {strides = array<i32>} : memref<128x128xf32, #tpu.memory_space<vmem>>, vector<16xf32>,
        tpu.vector_store %arg9[%parallel_loop3A_772, %parallel_loop3A_773], %parallel_loop3A_761 {strides = array<i32>} : memref<128x128xf32, #tpu.memory_space<vmem>>, vector<16xf32>,
        %parallel_loop3A_775 = arith.constant 128 : i32
        %parallel_loop3A_776 = arith.muli %parallel_loop3A_583, %parallel_loop3A_775 : i32
        %parallel_loop3A_777 = arith.constant 80 : i32
        %parallel_loop3A_778 = arith.addi %parallel_loop3A_776, %parallel_loop3A_777 : i32
        %parallel_loop3A_779 = arith.index_cast %parallel_loop3A_778 : i32 to index
        %parallel_loop3A_780 = tpu.vector_load %arg4[%parallel_loop3A_779] {strides = array<i32>} : memref<8192xf32, #tpu.memory_space<vmem>>, vector<16xf32>,
        %parallel_loop3A_781 = arith.addf %parallel_loop3A_653, %parallel_loop3A_780 : vector<16xf32>
        %parallel_loop3A_782 = math.absf %parallel_loop3A_780 : vector<16xf32>
        %parallel_loop3A_783 = arith.addf %parallel_loop3A_655, %parallel_loop3A_782 : vector<16xf32>
        %parallel_loop3A_784 = arith.constant 128 : i32
        %parallel_loop3A_785 = arith.muli %parallel_loop3A_583, %parallel_loop3A_784 : i32
        %parallel_loop3A_786 = arith.constant 96 : i32
        %parallel_loop3A_787 = arith.addi %parallel_loop3A_785, %parallel_loop3A_786 : i32
        %parallel_loop3A_788 = arith.index_cast %parallel_loop3A_787 : i32 to index
        %parallel_loop3A_789 = tpu.vector_load %arg7[%parallel_loop3A_788] {strides = array<i32>} : memref<8192xf32, #tpu.memory_space<vmem>>, vector<16xf32>,
        %parallel_loop3A_790 = arith.constant -1.000000e+00 : f32
        %parallel_loop3A_791 = vector.broadcast %parallel_loop3A_790 : f32 to vector<16xf32>
        %parallel_loop3A_792 = arith.cmpf oeq, %parallel_loop3A_789, %parallel_loop3A_791 : vector<16xf32>
        %parallel_loop3A_793 = arith.select %parallel_loop3A_792, %select_n3A_462, %parallel_loop3A_789 : vector<16xi1>, vector<16xf32>
        %parallel_loop3A_794 = arith.subf %broadcast_in_dim3A_3, %parallel_loop3A_793 : vector<16xf32>
        %parallel_loop3A_795 = arith.constant 2 : i32
        %parallel_loop3A_796 = arith.muli %parallel_loop3A_795, %parallel_loop3A_583 : i32
        %parallel_loop3A_797 = arith.index_cast %parallel_loop3A_796 : i32 to index
        %parallel_loop3A_798 = arith.constant 96 : index
        %parallel_loop3A_799 = tpu.vector_load %arg9[%parallel_loop3A_797, %parallel_loop3A_798] {strides = array<i32>} : memref<128x128xf32, #tpu.memory_space<vmem>>, vector<16xf32>,
        tpu.vector_store %arg9[%parallel_loop3A_797, %parallel_loop3A_798], %parallel_loop3A_794 {strides = array<i32>} : memref<128x128xf32, #tpu.memory_space<vmem>>, vector<16xf32>,
        %parallel_loop3A_800 = arith.constant 2 : i32
        %parallel_loop3A_801 = arith.muli %parallel_loop3A_800, %parallel_loop3A_583 : i32
        %parallel_loop3A_802 = arith.constant 1 : i32
        %parallel_loop3A_803 = arith.addi %parallel_loop3A_801, %parallel_loop3A_802 : i32
        %parallel_loop3A_804 = arith.index_cast %parallel_loop3A_803 : i32 to index
        %parallel_loop3A_805 = arith.constant 96 : index
        %parallel_loop3A_806 = tpu.vector_load %arg9[%parallel_loop3A_804, %parallel_loop3A_805] {strides = array<i32>} : memref<128x128xf32, #tpu.memory_space<vmem>>, vector<16xf32>,
        tpu.vector_store %arg9[%parallel_loop3A_804, %parallel_loop3A_805], %parallel_loop3A_793 {strides = array<i32>} : memref<128x128xf32, #tpu.memory_space<vmem>>, vector<16xf32>,
        %parallel_loop3A_807 = arith.constant 128 : i32
        %parallel_loop3A_808 = arith.muli %parallel_loop3A_583, %parallel_loop3A_807 : i32
        %parallel_loop3A_809 = arith.constant 96 : i32
        %parallel_loop3A_810 = arith.addi %parallel_loop3A_808, %parallel_loop3A_809 : i32
        %parallel_loop3A_811 = arith.index_cast %parallel_loop3A_810 : i32 to index
        %parallel_loop3A_812 = tpu.vector_load %arg4[%parallel_loop3A_811] {strides = array<i32>} : memref<8192xf32, #tpu.memory_space<vmem>>, vector<16xf32>,
        %parallel_loop3A_813 = arith.addf %parallel_loop3A_685, %parallel_loop3A_812 : vector<16xf32>
        %parallel_loop3A_814 = math.absf %parallel_loop3A_812 : vector<16xf32>
        %parallel_loop3A_815 = arith.addf %parallel_loop3A_687, %parallel_loop3A_814 : vector<16xf32>
        %parallel_loop3A_816 = arith.constant 128 : i32
        %parallel_loop3A_817 = arith.muli %parallel_loop3A_583, %parallel_loop3A_816 : i32
        %parallel_loop3A_818 = arith.constant 112 : i32
        %parallel_loop3A_819 = arith.addi %parallel_loop3A_817, %parallel_loop3A_818 : i32
        %parallel_loop3A_820 = arith.index_cast %parallel_loop3A_819 : i32 to index
        %parallel_loop3A_821 = tpu.vector_load %arg7[%parallel_loop3A_820] {strides = array<i32>} : memref<8192xf32, #tpu.memory_space<vmem>>, vector<16xf32>,
        %parallel_loop3A_822 = arith.constant -1.000000e+00 : f32
        %parallel_loop3A_823 = vector.broadcast %parallel_loop3A_822 : f32 to vector<16xf32>
        %parallel_loop3A_824 = arith.cmpf oeq, %parallel_loop3A_821, %parallel_loop3A_823 : vector<16xf32>
        %parallel_loop3A_825 = arith.select %parallel_loop3A_824, %select_n3A_462, %parallel_loop3A_821 : vector<16xi1>, vector<16xf32>
        %parallel_loop3A_826 = arith.subf %broadcast_in_dim3A_3, %parallel_loop3A_825 : vector<16xf32>
        %parallel_loop3A_827 = arith.constant 2 : i32
        %parallel_loop3A_828 = arith.muli %parallel_loop3A_827, %parallel_loop3A_583 : i32
        %parallel_loop3A_829 = arith.index_cast %parallel_loop3A_828 : i32 to index
        %parallel_loop3A_830 = arith.constant 112 : index
        %parallel_loop3A_831 = tpu.vector_load %arg9[%parallel_loop3A_829, %parallel_loop3A_830] {strides = array<i32>} : memref<128x128xf32, #tpu.memory_space<vmem>>, vector<16xf32>,
        tpu.vector_store %arg9[%parallel_loop3A_829, %parallel_loop3A_830], %parallel_loop3A_826 {strides = array<i32>} : memref<128x128xf32, #tpu.memory_space<vmem>>, vector<16xf32>,
        %parallel_loop3A_832 = arith.constant 2 : i32
        %parallel_loop3A_833 = arith.muli %parallel_loop3A_832, %parallel_loop3A_583 : i32
        %parallel_loop3A_834 = arith.constant 1 : i32
        %parallel_loop3A_835 = arith.addi %parallel_loop3A_833, %parallel_loop3A_834 : i32
        %parallel_loop3A_836 = arith.index_cast %parallel_loop3A_835 : i32 to index
        %parallel_loop3A_837 = arith.constant 112 : index
        %parallel_loop3A_838 = tpu.vector_load %arg9[%parallel_loop3A_836, %parallel_loop3A_837] {strides = array<i32>} : memref<128x128xf32, #tpu.memory_space<vmem>>, vector<16xf32>,
        tpu.vector_store %arg9[%parallel_loop3A_836, %parallel_loop3A_837], %parallel_loop3A_825 {strides = array<i32>} : memref<128x128xf32, #tpu.memory_space<vmem>>, vector<16xf32>,
        %parallel_loop3A_839 = arith.constant 128 : i32
        %parallel_loop3A_840 = arith.muli %parallel_loop3A_583, %parallel_loop3A_839 : i32
        %parallel_loop3A_841 = arith.constant 112 : i32
        %parallel_loop3A_842 = arith.addi %parallel_loop3A_840, %parallel_loop3A_841 : i32
        %parallel_loop3A_843 = arith.index_cast %parallel_loop3A_842 : i32 to index
        %parallel_loop3A_844 = tpu.vector_load %arg4[%parallel_loop3A_843] {strides = array<i32>} : memref<8192xf32, #tpu.memory_space<vmem>>, vector<16xf32>,
        %parallel_loop3A_845 = arith.addf %parallel_loop3A_717, %parallel_loop3A_844 : vector<16xf32>
        %parallel_loop3A_846 = math.absf %parallel_loop3A_844 : vector<16xf32>
        %parallel_loop3A_847 = arith.addf %parallel_loop3A_719, %parallel_loop3A_846 : vector<16xf32>
        scf.yield %parallel_loop3A_749, %parallel_loop3A_751, %parallel_loop3A_781, %parallel_loop3A_783, %parallel_loop3A_813, %parallel_loop3A_815, %parallel_loop3A_845, %parallel_loop3A_847 : vector<16xf32>, vector<16xf32>, vector<16xf32>, vector<16xf32>, vector<16xf32>, vector<16xf32>, vector<16xf32>, vector<16xf32>
      } {sc.loop_unroll_factor = 1 : i64, sc.parallel_access}
      %add3A_500 = arith.addf %parallel_loop3A_499#0, %parallel_loop3A_499#2 : vector<16xf32>
      %add3A_501 = arith.addf %add3A_500, %parallel_loop3A_499#4 : vector<16xf32>
      %add3A_502 = arith.addf %add3A_501, %parallel_loop3A_499#6 : vector<16xf32>
      %iota3A_503 = tpu.iota {dimensions = array<i32: 0>} : vector<16xi32>
      %swap3A_504 = arith.constant 0 : index
      %swap3A_505 = tpu.vector_load %arg16[%swap3A_504] {strides = array<i32>} : memref<16xf32, #tpu.memory_space<vmem>>, vector<16xf32>,
      tpu.vector_store %arg16[%swap3A_504], %add3A_502 {strides = array<i32>} : memref<16xf32, #tpu.memory_space<vmem>>, vector<16xf32>,
      %xor3A_506 = arith.constant 1 : i32
      %xor3A_507 = vector.broadcast %xor3A_506 : i32 to vector<16xi32>
      %xor3A_508 = arith.xori %iota3A_503, %xor3A_507 : vector<16xi32>
      %gather3A_509 = tpu.vector_load_idx %arg16[%xor3A_508] : memref<16xf32, #tpu.memory_space<vmem>>[vector<16xi32>], vector<16xf32>,
      %add3A_510 = arith.addf %add3A_502, %gather3A_509 : vector<16xf32>
      %swap3A_511 = arith.constant 0 : index
      %swap3A_512 = tpu.vector_load %arg16[%swap3A_511] {strides = array<i32>} : memref<16xf32, #tpu.memory_space<vmem>>, vector<16xf32>,
      tpu.vector_store %arg16[%swap3A_511], %add3A_510 {strides = array<i32>} : memref<16xf32, #tpu.memory_space<vmem>>, vector<16xf32>,
      %xor3A_513 = arith.constant 2 : i32
      %xor3A_514 = vector.broadcast %xor3A_513 : i32 to vector<16xi32>
      %xor3A_515 = arith.xori %iota3A_503, %xor3A_514 : vector<16xi32>
      %gather3A_516 = tpu.vector_load_idx %arg16[%xor3A_515] : memref<16xf32, #tpu.memory_space<vmem>>[vector<16xi32>], vector<16xf32>,
      %add3A_517 = arith.addf %add3A_510, %gather3A_516 : vector<16xf32>
      %swap3A_518 = arith.constant 0 : index
      %swap3A_519 = tpu.vector_load %arg16[%swap3A_518] {strides = array<i32>} : memref<16xf32, #tpu.memory_space<vmem>>, vector<16xf32>,
      tpu.vector_store %arg16[%swap3A_518], %add3A_517 {strides = array<i32>} : memref<16xf32, #tpu.memory_space<vmem>>, vector<16xf32>,
      %xor3A_520 = arith.constant 4 : i32
      %xor3A_521 = vector.broadcast %xor3A_520 : i32 to vector<16xi32>
      %xor3A_522 = arith.xori %iota3A_503, %xor3A_521 : vector<16xi32>
      %gather3A_523 = tpu.vector_load_idx %arg16[%xor3A_522] : memref<16xf32, #tpu.memory_space<vmem>>[vector<16xi32>], vector<16xf32>,
      %add3A_524 = arith.addf %add3A_517, %gather3A_523 : vector<16xf32>
      %swap3A_525 = arith.constant 0 : index
      %swap3A_526 = tpu.vector_load %arg16[%swap3A_525] {strides = array<i32>} : memref<16xf32, #tpu.memory_space<vmem>>, vector<16xf32>,
      tpu.vector_store %arg16[%swap3A_525], %add3A_524 {strides = array<i32>} : memref<16xf32, #tpu.memory_space<vmem>>, vector<16xf32>,
      %xor3A_527 = arith.constant 8 : i32
      %xor3A_528 = vector.broadcast %xor3A_527 : i32 to vector<16xi32>
      %xor3A_529 = arith.xori %iota3A_503, %xor3A_528 : vector<16xi32>
      %gather3A_530 = tpu.vector_load_idx %arg16[%xor3A_529] : memref<16xf32, #tpu.memory_space<vmem>>[vector<16xi32>], vector<16xf32>,
      %add3A_531 = arith.addf %add3A_524, %gather3A_530 : vector<16xf32>
      %add3A_532 = arith.addf %parallel_loop3A_499#1, %parallel_loop3A_499#3 : vector<16xf32>
      %add3A_533 = arith.addf %add3A_532, %parallel_loop3A_499#5 : vector<16xf32>
      %add3A_534 = arith.addf %add3A_533, %parallel_loop3A_499#7 : vector<16xf32>
      %iota3A_535 = tpu.iota {dimensions = array<i32: 0>} : vector<16xi32>
      %swap3A_536 = arith.constant 0 : index
      %swap3A_537 = tpu.vector_load %arg16[%swap3A_536] {strides = array<i32>} : memref<16xf32, #tpu.memory_space<vmem>>, vector<16xf32>,
      tpu.vector_store %arg16[%swap3A_536], %add3A_534 {strides = array<i32>} : memref<16xf32, #tpu.memory_space<vmem>>, vector<16xf32>,
      %xor3A_538 = arith.constant 1 : i32
      %xor3A_539 = vector.broadcast %xor3A_538 : i32 to vector<16xi32>
      %xor3A_540 = arith.xori %iota3A_535, %xor3A_539 : vector<16xi32>
      %gather3A_541 = tpu.vector_load_idx %arg16[%xor3A_540] : memref<16xf32, #tpu.memory_space<vmem>>[vector<16xi32>], vector<16xf32>,
      %add3A_542 = arith.addf %add3A_534, %gather3A_541 : vector<16xf32>
      %swap3A_543 = arith.constant 0 : index
      %swap3A_544 = tpu.vector_load %arg16[%swap3A_543] {strides = array<i32>} : memref<16xf32, #tpu.memory_space<vmem>>, vector<16xf32>,
      tpu.vector_store %arg16[%swap3A_543], %add3A_542 {strides = array<i32>} : memref<16xf32, #tpu.memory_space<vmem>>, vector<16xf32>,
      %xor3A_545 = arith.constant 2 : i32
      %xor3A_546 = vector.broadcast %xor3A_545 : i32 to vector<16xi32>
      %xor3A_547 = arith.xori %iota3A_535, %xor3A_546 : vector<16xi32>
      %gather3A_548 = tpu.vector_load_idx %arg16[%xor3A_547] : memref<16xf32, #tpu.memory_space<vmem>>[vector<16xi32>], vector<16xf32>,
      %add3A_549 = arith.addf %add3A_542, %gather3A_548 : vector<16xf32>
      %swap3A_550 = arith.constant 0 : index
      %swap3A_551 = tpu.vector_load %arg16[%swap3A_550] {strides = array<i32>} : memref<16xf32, #tpu.memory_space<vmem>>, vector<16xf32>,
      tpu.vector_store %arg16[%swap3A_550], %add3A_549 {strides = array<i32>} : memref<16xf32, #tpu.memory_space<vmem>>, vector<16xf32>,
      %xor3A_552 = arith.constant 4 : i32
      %xor3A_553 = vector.broadcast %xor3A_552 : i32 to vector<16xi32>
      %xor3A_554 = arith.xori %iota3A_535, %xor3A_553 : vector<16xi32>
      %gather3A_555 = tpu.vector_load_idx %arg16[%xor3A_554] : memref<16xf32, #tpu.memory_space<vmem>>[vector<16xi32>], vector<16xf32>,
      %add3A_556 = arith.addf %add3A_549, %gather3A_555 : vector<16xf32>
      %swap3A_557 = arith.constant 0 : index
      %swap3A_558 = tpu.vector_load %arg16[%swap3A_557] {strides = array<i32>} : memref<16xf32, #tpu.memory_space<vmem>>, vector<16xf32>,
      tpu.vector_store %arg16[%swap3A_557], %add3A_556 {strides = array<i32>} : memref<16xf32, #tpu.memory_space<vmem>>, vector<16xf32>,
      %xor3A_559 = arith.constant 8 : i32
      %xor3A_560 = vector.broadcast %xor3A_559 : i32 to vector<16xi32>
      %xor3A_561 = arith.xori %iota3A_535, %xor3A_560 : vector<16xi32>
      %gather3A_562 = tpu.vector_load_idx %arg16[%xor3A_561] : memref<16xf32, #tpu.memory_space<vmem>>[vector<16xi32>], vector<16xf32>,
      %add3A_563 = arith.addf %add3A_556, %gather3A_562 : vector<16xf32>
      %sub3A_564 = arith.subf %add3A_563, %add3A_531 : vector<16xf32>
      %lt3A_565 = vector.broadcast %scan3A : f32 to vector<16xf32>
      %lt3A_566 = arith.cmpf olt, %sub3A_564, %lt3A_565 : vector<16xf32>
      %mul3A_567 = arith.constant 3.000000e+00 : f32
      %mul3A_568 = vector.broadcast %mul3A_567 : f32 to vector<16xf32>
      %mul3A_569 = arith.mulf %mul3A_568, %add3A_563 : vector<16xf32>
      %add3A_570 = arith.addf %add3A_531, %mul3A_569 : vector<16xf32>
      %gt3A_571 = vector.broadcast %scan3A : f32 to vector<16xf32>
      %gt3A_572 = arith.cmpf ogt, %add3A_570, %gt3A_571 : vector<16xf32>
      %select_n3A_573 = arith.select %gt3A_572, %broadcast_in_dim3A_3, %broadcast_in_dim3A_5 : vector<16xi1>, vector<16xf32>
      %select_n3A_574 = arith.select %lt3A_566, %select_n3A_573, %broadcast_in_dim3A_3 : vector<16xi1>, vector<16xf32>
      %dma_start3A_575 = arith.constant 0 : i32
      %dma_start3A_576 = arith.constant 0 : i32
      %dma_start3A_577 = tpu.memref_slice %arg3[%add3A_475, %dma_start3A_575, %dma_start3A_576] : memref<1024x128x128xf32, #tpu.memory_space<hbm>> -> memref<1x128x128xf32, #tpu.memory_space<hbm>>
      %dma_start3A_578 = tpu.memref_squeeze %dma_start3A_577 : memref<1x128x128xf32, #tpu.memory_space<hbm>> -> memref<128x128xf32, #tpu.memory_space<hbm>>
      %dma_start3A_579 = arith.constant 0 : i32
      %dma_start3A_580 = arith.constant 0 : i32
      %dma_start3A_581 = tpu.memref_slice %arg3[%add3A_475, %dma_start3A_579, %dma_start3A_580] : memref<1024x128x128xf32, #tpu.memory_space<hbm>> -> memref<1x128x128xf32, #tpu.memory_space<hbm>>
      %dma_start3A_582 = tpu.memref_squeeze %dma_start3A_581 : memref<1x128x128xf32, #tpu.memory_space<hbm>> -> memref<128x128xf32, #tpu.memory_space<hbm>>
      tpu.enqueue_dma source(%arg9 : memref<128x128xf32, #tpu.memory_space<vmem>>) target(%dma_start3A_582 : memref<128x128xf32, #tpu.memory_space<hbm>>) target_semaphore(%arg15 : memref<!tpu.dma_semaphore, #tpu.memory_space<semaphore_mem>>)
      scf.yield %select_n3A_574 : vector<16xf32>
    }
    %scan3A_101 = arith.constant 8 : i32
    %add3A_102 = arith.constant 32 : i32
    %add3A_103 = arith.addi %mul3A_2, %add3A_102 : i32
    %sub3A_104 = arith.constant 2 : i32
    %sub3A_105 = arith.subi %add3A_103, %sub3A_104 : i32
    %dma_wait3A_106 = arith.constant 0 : i32
    %dma_wait3A_107 = arith.constant 0 : i32
    %dma_wait3A_108 = tpu.memref_slice %arg3[%sub3A_105, %dma_wait3A_106, %dma_wait3A_107] : memref<1024x128x128xf32, #tpu.memory_space<hbm>> -> memref<1x128x128xf32, #tpu.memory_space<hbm>>
    %dma_wait3A_109 = tpu.memref_squeeze %dma_wait3A_108 : memref<1x128x128xf32, #tpu.memory_space<hbm>> -> memref<128x128xf32, #tpu.memory_space<hbm>>
    %dma_wait3A_110 = arith.constant 0 : i32
    %dma_wait3A_111 = arith.constant 0 : i32
    %dma_wait3A_112 = tpu.memref_slice %arg3[%sub3A_105, %dma_wait3A_110, %dma_wait3A_111] : memref<1024x128x128xf32, #tpu.memory_space<hbm>> -> memref<1x128x128xf32, #tpu.memory_space<hbm>>
    %dma_wait3A_113 = tpu.memref_squeeze %dma_wait3A_112 : memref<1x128x128xf32, #tpu.memory_space<hbm>> -> memref<128x128xf32, #tpu.memory_space<hbm>>
    tpu.wait_dma2 semaphore(%arg14 : memref<!tpu.dma_semaphore, #tpu.memory_space<semaphore_mem>>) src(%arg8 : memref<128x128xf32, #tpu.memory_space<vmem>>) dst(%dma_wait3A_113 : memref<128x128xf32, #tpu.memory_space<hbm>>)
    %add3A_114 = arith.constant 32 : i32
    %add3A_115 = arith.addi %mul3A_2, %add3A_114 : i32
    %sub3A_116 = arith.constant 1 : i32
    %sub3A_117 = arith.subi %add3A_115, %sub3A_116 : i32
    %dma_wait3A_118 = arith.constant 0 : i32
    %dma_wait3A_119 = arith.constant 0 : i32
    %dma_wait3A_120 = tpu.memref_slice %arg3[%sub3A_117, %dma_wait3A_118, %dma_wait3A_119] : memref<1024x128x128xf32, #tpu.memory_space<hbm>> -> memref<1x128x128xf32, #tpu.memory_space<hbm>>
    %dma_wait3A_121 = tpu.memref_squeeze %dma_wait3A_120 : memref<1x128x128xf32, #tpu.memory_space<hbm>> -> memref<128x128xf32, #tpu.memory_space<hbm>>
    %dma_wait3A_122 = arith.constant 0 : i32
    %dma_wait3A_123 = arith.constant 0 : i32
    %dma_wait3A_124 = tpu.memref_slice %arg3[%sub3A_117, %dma_wait3A_122, %dma_wait3A_123] : memref<1024x128x128xf32, #tpu.memory_space<hbm>> -> memref<1x128x128xf32, #tpu.memory_space<hbm>>
    %dma_wait3A_125 = tpu.memref_squeeze %dma_wait3A_124 : memref<1x128x128xf32, #tpu.memory_space<hbm>> -> memref<128x128xf32, #tpu.memory_space<hbm>>
    tpu.wait_dma2 semaphore(%arg15 : memref<!tpu.dma_semaphore, #tpu.memory_space<semaphore_mem>>) src(%arg9 : memref<128x128xf32, #tpu.memory_space<vmem>>) dst(%dma_wait3A_125 : memref<128x128xf32, #tpu.memory_space<hbm>>)
    return
  }
}

</mosaic_0001>

<sc_bundles>
// kernel: kernel.3.cloned.1.call-start
scs
__scs_entry_jumppad:
0x0: {  	(pc) =	sbr.rel $0x88, $3  }
0x1: {  	(tag) =	ssettag $0x0;
	lr =	simm.s32 $0x1  }
0x2: {  	[smem:$0x3FA0] =	sst lr;
	_ =	strace $0xD0000000  }
0x3: {  	_ = 	snop  }
0x4: {  	_ = 	snop  }
0x5: {  	_ = 	snop  }
0x6: {  	_ = 	snop  }
0x7: {  	_ = 	snop  }
__scs_overlays_trampoline_lowered:
0x8: {  	[smem:$0x3FAF] =	sst s0  }
0x9: {  	[smem:$0x3FB0] =	sst s1  }
0xa: {  	[smem:$0x3FB1] =	sst s2  }
0xb: {  	[smem:$0x3FB2] =	sst s3  }
0xc: {  	[smem:$0x3FB3] =	sst s4  }
0xd: {  	[smem:$0x3FB4] =	sst s5  }
0xe: {  	[smem:$0x3FB5] =	sst s6  }
0xf: {  	[smem:$0x3FB6] =	sst s7  }
0x10: {  	[smem:$0x3FB7] =	sst s8  }
0x11: {  	[smem:$0x3FB8] =	sst s9;
	s0 =	simm.s32 @!p0 $0x0  }
0x12: {  	s1 =	sld [smem:$0x3F9E];
	s0 =	simm.s32 @p0 $0x1  }
0x13: {  	[smem:$0x3FB9] =	sst s0;
	s0 =	simm.s32 @!p1 $0x0  }
0x14: {  	s2 =	sld [smem:$0x3F9D];
	s0 =	simm.s32 @p1 $0x1  }
0x15: {  	[smem:$0x3FBA] =	sst s0;
	s0 =	simm.s32 @!p2 $0x0  }
0x16: {  	s3 =	sld [smem:$0x3FDB];
	s0 =	simm.s32 @p2 $0x1  }
0x17: {  	s4 =	simm.s32 $0x1BF5;
	[smem:$0x3FBC] =	sst s0  }
0x18: {  	s0 =	sld [smem:$0x3F9F];
	_ =	swait.ge [sflag:s4], $0x0  }
0x19: {  	s7 =	sld [smem:$0x3FA0]  }
0x1a: {  	s8 =	sadd.s32 $0xFFFFE003, lr  }
0x1b: {  	s9 =	sadd.s32 $0xFFFFFEF7, lr;
	s5 =	simm.s32 $0xFFFFFFFF;
	p2 =	slt.u32 s8, $0xFFFFF086  }
0x1c: {  	p1 =	slt.u32 s9, $0xF7A;
	s5 =	simm.s32 @!p2 $0x0  }
0x1d: {  	s5 =	simm.s32 @p1 $0x1;
	p0 =	seq.s32 s7, s2  }
0x1e: {  	s7 =	smul.u32 @!p0 $0xF7A, s2;
	p2 =	seq.s32 @!p0 s5, $0x0  }
0x1f: {  	s9 =	smul.u32 $0xF7A, s1;
	s8 =	simm.s32 @!p0 $0x1BF5;
	p2 =	por !p2, p0  }
0x20: {  	[sflag:s8] =	ssyncset.s32 @!p0 $0xFFFFF086;
	s6 =	sadd.s32 @!p0 s3, s7;
	s7 =	simm.s32 @!p0 $0x108  }
0x21: {  	s3 =	sadd.s32 s3, s9;
	s6 =	sadd.s32 @!p0 $0x88, s6;
	s7 =	simm.s32 @p2 $0x1082  }
0x22: {  	[simem:s7], [sflag:s8] =	dma.local @!p0 [hbm:s6], $0xF7A  }
0x23: {  	s9 =	sor.u32 $0xD0000000, s2;
	s6 =	simm.s32 $0x108;
	_ =	swait.ge @!p0 [sflag:s8], $0x0  }
0x24: {  	s3 =	sadd.s32 $0x88, s3;
	s6 =	simm.s32 @!p1 $0x1082;
	[sflag:s4] =	ssyncset.s32 $0xFFFFF086  }
0x25: {  	[simem:s6], [sflag:s4] =	dma.local [hbm:s3], $0xF7A  }
0x26: {  	[smem:$0x3FA0] =	sst s1;
	(tag) =	ssettag s2;
	_ =	strace s9  }
0x27: {  	s1 =	sld [smem:$0x3FB0]  }
0x28: {  	s2 =	sld [smem:$0x3FB1]  }
0x29: {  	s4 =	sld [smem:$0x3FB3]  }
0x2a: {  	p0 =	seq.s32 s5, $0x0;
	s5 =	sld [smem:$0x3FB4]  }
0x2b: {  	s6 =	sld [smem:$0x3FB5]  }
0x2c: {  	s7 =	sld [smem:$0x3FB6]  }
0x2d: {  	s3 =	simm.s32 $0x108;
	s8 =	sld [smem:$0x3FB7]  }
0x2e: {  	s3 =	simm.s32 @!p0 $0x1082;
	s9 =	sld [smem:$0x3FB8]  }
0x2f: {  	lr =	sadd.s32 s0, s3;
	s0 =	sld [smem:$0x3FAF]  }
0x30: {  	s3 =	sld [smem:$0x3FB2]  }
0x31: {  	[smem:$0x3FBB] =	sst s10  }
0x32: {  	s10 =	sld [smem:$0x3FB9];
	_ =	sdelay $0x3  }
0x33: {  	p0 =	seq.s32 s10, $0x1;
	s10 =	sld [smem:$0x3FBB];
	_ =	sdelay $0x3  }
0x34: {  	[smem:$0x3FBB] =	sst s10  }
0x35: {  	s10 =	sld [smem:$0x3FBA];
	_ =	sdelay $0x3  }
0x36: {  	p1 =	seq.s32 s10, $0x1;
	s10 =	sld [smem:$0x3FBB];
	_ =	sdelay $0x3  }
0x37: {  	[smem:$0x3FBB] =	sst s10  }
0x38: {  	s10 =	sld [smem:$0x3FBC]  }
0x39: {  	_ = 	snop;
	(pc) =	sbr.ind lr, $3  }
0x3a: {  	_ = 	snop  }
0x3b: {  	_ = 	snop  }
0x3c: {  	p2 =	seq.s32 s10, $0x1;
	s10 =	sld [smem:$0x3FBB]  }
0x3d: {  	_ =	shalt  }
0x3e: {  	_ =	shalt  }
0x3f: {  	_ =	shalt  }
0x40: {  	_ =	shalt  }
0x41: {  	_ =	shalt  }
0x42: {  	_ =	shalt  }
0x43: {  	_ =	shalt  }
0x44: {  	_ =	shalt  }
0x45: {  	_ =	shalt  }
0x46: {  	_ =	shalt  }
0x47: {  	_ =	shalt  }
0x48: {  	_ =	shalt  }
0x49: {  	_ =	shalt  }
0x4a: {  	_ =	shalt  }
0x4b: {  	_ =	shalt  }
0x4c: {  	_ =	shalt  }
0x4d: {  	_ =	shalt  }
0x4e: {  	_ =	shalt  }
0x4f: {  	_ =	shalt  }
0x50: {  	_ =	shalt  }
0x51: {  	_ =	shalt  }
0x52: {  	_ =	shalt  }
0x53: {  	_ =	shalt  }
0x54: {  	_ =	shalt  }
0x55: {  	_ =	shalt  }
0x56: {  	_ =	shalt  }
0x57: {  	_ =	shalt  }
0x58: {  	_ =	shalt  }
0x59: {  	_ =	shalt  }
0x5a: {  	_ =	shalt  }
0x5b: {  	_ =	shalt  }
0x5c: {  	_ =	shalt  }
0x5d: {  	_ =	shalt  }
0x5e: {  	_ =	shalt  }
0x5f: {  	_ =	shalt  }
0x60: {  	_ =	shalt  }
0x61: {  	_ =	shalt  }
0x62: {  	_ =	shalt  }
0x63: {  	_ =	shalt  }
0x64: {  	_ =	shalt  }
0x65: {  	_ =	shalt  }
0x66: {  	_ =	shalt  }
0x67: {  	_ =	shalt  }
0x68: {  	_ =	shalt  }
0x69: {  	_ =	shalt  }
0x6a: {  	_ =	shalt  }
0x6b: {  	_ =	shalt  }
0x6c: {  	_ =	shalt  }
0x6d: {  	_ =	shalt  }
0x6e: {  	_ =	shalt  }
0x6f: {  	_ =	shalt  }
0x70: {  	_ =	shalt  }
0x71: {  	_ =	shalt  }
0x72: {  	_ =	shalt  }
0x73: {  	_ =	shalt  }
0x74: {  	_ =	shalt  }
0x75: {  	_ =	shalt  }
0x76: {  	_ =	shalt  }
0x77: {  	_ =	shalt  }
0x78: {  	_ =	shalt  }
0x79: {  	_ =	shalt  }
0x7a: {  	_ =	shalt  }
0x7b: {  	_ =	shalt  }
0x7c: {  	_ =	shalt  }
0x7d: {  	_ =	shalt  }
0x7e: {  	_ =	shalt  }
0x7f: {  	_ =	shalt  }
0x80: {  	_ =	shalt  }
0x81: {  	_ =	shalt  }
0x82: {  	_ =	shalt  }
0x83: {  	_ =	shalt  }
0x84: {  	_ =	shalt  }
0x85: {  	_ =	shalt  }
0x86: {  	_ =	shalt  }
0x87: {  	_ =	shalt  }
.Lfunc_end0:
.L_simem_size_0:
called_computation_lowered:
.L_overlay_start_0:
0x88: {  	s2 =	sld [smem:$0x3FD9]  }
0x89: {  	s3 =	sld [smem:$0x3FFE];
	_ =	sdelay $0x1  }
0x8a: {  	s1 =	srdreg.scid  }
0x8b: {  	s0 =	sand.u32 $0x1, s1  }
0x8c: {  	s18 =	sshll.u32 s0, $0xA;
	s2 =	sadd.s32 s3, s2  }
0x8d: {  	s2 =	sadd.s32 s2, s18  }
0x8e: {  	[smem:$0x3FC7] =	sst s2  }
0x8f: {  	_ = 	snop  }
0x90: {  	s2 =	sld [smem:$0x3FC9]  }
0x91: {  	s19 =	sld [smem:$0x3FD0];
	(tm) =	ssettm $0x1  }
0x92: {  	s4 =	sld [smem:$0x3FFB];
	_ =	sdelay $0x3  }
0x93: {  	_ =	strace s4  }
0x94: {  	s4 =	sld [smem:$0x3FFC];
	_ =	sdelay $0x3  }
0x95: {  	_ =	strace s4  }
0x96: {  	s4 =	sld [smem:$0x3FFD];
	_ =	sdelay $0x3  }
0x97: {  	_ =	strace s4  }
0x98: {  	_ =	strace $0x8FFFFFFF  }
0x99: {  	s20 =	sld [smem:$0x3FDB];
	_ =	sdelay $0x1  }
0x9a: {  	s5 =	simm.s32 $_scs_section_size  }
0x9b: {  	s6 =	simm.s32 $_size__tile_overlayer_lowered;
	s7 =	simm.s32 $_tile_overlayer_lowered  }
0x9c: {  	s23 =	simm.s32 $0x1BFF;
	s22 =	sshll.u32 s7, $0x1;
	s4 =	sadd.s32 s5, s20  }
0x9d: {  	s8 =	simm.s32 $0x0;
	s21 =	sshll.u32 s6, $0x1;
	s6 =	sadd.s32 s22, s4  }
0x9e: {  	[timem:s8], [sflag:s23] =	dma.local [hbm:s6], s21  }
0x9f: {  	_ =	swait.ge [sflag:s23], s21  }
0xa0: {  	s5 =	ssub.s32 $0x0, s21;
	[sflag:s23] =	ssyncset.done $0x0  }
0xa1: {  	[sflag:s23] =	ssyncadd.s32 s5;
	_ =	sdelay $0x1  }
0xa2: {  	s24 =	simm.s32 $0x1B8B  }
0xa3: {  	_ =	swait.ge [sflag:s24], $0x1  }
0xa4: {  	[sflag:s24] =	ssyncset.done $0x0  }
0xa5: {  	s25 =	simm.s32 $0x1B8E;
	[sflag:s24] =	ssyncadd.s32 $0xFFFFFFFF  }
0xa6: {  	s26 =	simm.s32 $execute0_lowered;
	[smem:$0x3FD2] =	sst s25  }
0xa7: {  	s5 =	sshll.u32 s26, $0x1;
	_ =	strace $0x80000046;
	[dreg:$0x1] =	wrdreg $0xFFFFFFFF  }
0xa8: {  	s28 =	simm.s32 $_size_execute0_lowered;
	s4 =	sadd.s32 s4, s5;
	[dreg:$0x0] =	wrdreg $0x0  }
0xa9: {  	s5 =	sshll.u32 s28, $0x1;
	[dreg:$0x2] =	wrdreg s4  }
0xaa: {  	[dreg:$0x3] =	wrdreg s5  }
0xab: {  	[dreg:$0x4] =	wrdreg $0xC0  }
0xac: {  	_ =	task [dreg:s8], $0x5FFFF  }
0xad: {  	[dreg:$0x1] =	wrdreg $0xFFFFFFFF  }
0xae: {  	[dreg:$0x0] =	wrdreg $0x60  }
0xaf: {  	[dreg:$0x2] =	wrdreg s2  }
0xb0: {  	[dreg:$0x3] =	wrdreg s19  }
0xb1: {  	[dreg:$0x4] =	wrdreg $0x9  }
0xb2: {  	_ =	task.clear_ibuf [dreg:s8], $0x5FFFF;
	_ =	strace $0x90000046  }
0xb3: {  	s29 =	simm.s32 $0x9;
	_ =	strace $0x80000048  }
0xb4: {  	_ =	swait.ge [sflag:s29], $0x1  }
0xb5: {  	[sflag:s29] =	ssyncadd.s32 $0xFFFFFFFF  }
0xb6: {  	_ =	strace $0x90000048  }
0xb7: {  	_ =	sfence  }
0xb8: {  	s30 =	sld [smem:$0x0];
	_ =	sdelay $0x2  }
0xb9: {  	s31 =	sshll.u32 s1, $0xD;
	s1 =	sshrl.u32 s1, $0x2  }
0xba: {  	s3 =	sand.u32 $0x4000, s31;
	s1 =	sadd.s32 s1, s30  }
0xbb: {  	s0 =	sor.u32 s3, s0;
	s1 =	sshll.u32 s1, $0x11  }
0xbc: {  	s0 =	sor.u32 s1, s0  }
0xbd: {  	s0 =	sadd.s32 $0x8F2B, s0  }
0xbe: {  	[sflag:s0] =	ssyncadd.remote.s32 $0x1  }
0xbf: {  	_ =	sfence.sel $0xFFFF  }
0xc0: {  	[dreg:$0x0] =	wrdreg $0xFFFFFFFF;
	(pc) =	sbr.abs _section_cstart, $3  }
0xc1: {  	[dreg:$0x1] =	wrdreg $0xFFFFFFFF  }
0xc2: {  	_ =	task.clear_ibuf [dreg:s8], $0x2FFFF;
	_ =	strace $0x9FFFFFFF  }
0xc3: {  	(tm) =	ssettm $0x7FFFFFFF  }
tec
execute0_lowered:
.L_overlay_start_1:
0x0: {  	(tag) =	ssettag $0x1  }
0x1: {  	v0 =	vimm.s32 $0xEFCDAB89;
	s0 =	rddreg [dreg:$0x0];
	s1 =	srdreg.scid;
	v1 =	vimm.s32 $0x67452301  }
0x2: {  	v2 =	vimm.s32 $0xDCFE98BA;
	s3 =	rddreg [dreg:$0x1];
	s2 =	stileid.u32;
	v3 =	vimm.s32 $0x54761032;
	v4 =	vimm.s32 $0xBA98FEDC  }
0x3: {  	s4 =	simm.s32 $0x0;
	v5 =	vimm.s32 $0x32107654;
	v6 =	vimm.s32 $0xFEDCBA98;
	s10 =	simm.s32 $0x80;
	s11 =	simm.s32 $0x400  }
0x4: {  	v7 =	vimm.s32 $0x76543210;
	s14 =	simm.s32 $0x10000;
	s16 =	simm.s32 $0x2;
	s19 =	simm.s32 $0x3;
	v0 =	vunpack.c.l.s4.s8 v0;
	v1 =	vunpack.c.l.s4.s8 v1  }
0x5: {  	s20 =	simm.s32 $0xC000;
	s1 =	sand.u32 $0x1, s1;
	v2 =	vunpack.c.l.s4.s8 v2;
	s2 =	sshll.u32 s2, $0x6;
	v3 =	vunpack.c.l.s4.s8 v3;
	v4 =	vunpack.c.l.s4.s8 v4  }
0x6: {  	[smem:$0x7FF] =	sst s4;
	v5 =	vunpack.c.l.s4.s8 v5;
	v6 =	vunpack.c.l.s4.s8 v6;
	s5 =	sshll.u32 s1, $0x5;
	s1 =	ssub.s32 $0x2, s1;
	v0 =	vunpack.c.0.s8.s32 v0  }
0x7: {  	s31 =	sadd.s32 $0x800, s3;
	s5 =	sor.u32 s5, s2;
	v1 =	vunpack.c.0.s8.s32 v1;
	v2 =	vunpack.c.0.s8.s32 v2;
	s29 =	sshrl.u32 s1, $0x1;
	v3 =	vunpack.c.0.s8.s32 v3  }
0x8: {  	v7 =	vunpack.c.l.s4.s8 v7;
	v4 =	vunpack.c.0.s8.s32 v4;
	v5 =	vunpack.c.0.s8.s32 v5;
	[dreg:$0x3] =	wrdreg s5;
	s5 =	sshll.u32 s5, $0xA;
	s1 =	ssub.s32 s1, s29  }
0x9: {  	_ =	strace $0x80000047;
	s30 =	sadd.s32 s0, s5;
	[dreg:$0x6] =	wrdreg s31;
	v0 =	vcombine.low v1, v0;
	v1 =	vcombine.low v3, v2;
	v2 =	vunpack.c.0.s8.s32 v6  }
0xa: {  	s21 =	simm.s32 $0x4;
	s1 =	smax.u32 s1, $0x1;
	v3 =	vcombine.low v5, v4;
	v4 =	vunpack.c.0.s8.s32 v7;
	[dreg:$0x4] =	wrdreg s30  }
0xb: {  	s22 =	simm.s32 $0x5;
	s2 =	sadd.s32 $0x10, s30;
	[dreg:$0x7] =	wrdreg s1;
	v0 =	vand.u32 $0xF, v0;
	v1 =	vand.u32 $0xF, v1;
	v5 =	vand.u32 $0xF, v2  }
0xc: {  	s23 =	simm.s32 $0x6;
	[dreg:$0x5] =	wrdreg s2;
	v2 =	vand.u32 $0xF, v3;
	s2 =	simm.s32 $0x0;
	v3 =	vcombine.low v5, v4;
	v4 =	vimm.f32 $1.000000000e+00  }
.LBB2_1:
0xd: {  	[dreg:$0x8] =	wrdreg s2  }
0xe: {  	s1 =	rddreg [dreg:$0x4]  }
0xf: {  	[tilespmem:s4], [sflag:$0x1] =	stream.strided.gather [hbm4b:s1+s10], $0x2000, s11, s10, $0x38;
	[tilespmem:$0x10080] =	vst v63  }
0x10: {  	s28 =	rddreg [dreg:$0x5];
	s29 =	simm.s32 $0x2000;
	s30 =	simm.s32 $0x1  }
0x11: {  	[tilespmem:s29], [sflag:$0x2] =	stream.strided.gather [hbm4b:s28+s10], $0x2000, s11, s10, $0x38;
	[tilespmem:$0x10080] =	vst v63  }
0x12: {  	_ =	swait.ge [sflag:s30], $0x2000  }
0x13: {  	[sflag:s30] =	ssyncset.done $0x0  }
0x14: {  	s31 =	simm.s32 $0x40;
	[sflag:s30] =	ssyncadd.s32 $0xFFFFE000  }
0x15: {  	v8 =	vld [tilespmem:s31+$0xFFFFFFC0]  }
0x16: {  	v9 =	vld [tilespmem:s31+$0xFFFFFFD0]  }
0x17: {  	v12 =	vld [tilespmem:s31+$0x0]  }
0x18: {  	v5 =	vld [tilespmem:s31+$0x10]  }
0x19: {  	v13 =	vimm.f32 $0.0e+00;
	v16 =	vimm.f32 $0.0e+00;
	v7 =	vld [tilespmem:s31+$0xFFFFFFE0]  }
0x1a: {  	v11 =	vimm.f32 $0.0e+00;
	v6 =	vld [tilespmem:s31+$0xFFFFFFF0];
	v10 =	vand.u32 $0x7FFFFFFF, v8;
	v18 =	vadd.f32 v8, v13  }
0x1b: {  	v8 =	vld [tilespmem:s31+$0x20];
	v19 =	vadd.f32 v9, v13;
	v14 =	vadd.f32 v10, v13;
	v10 =	vand.u32 $0x7FFFFFFF, v9  }
0x1c: {  	s2 =	simm.s32 $0xC0;
	s1 =	simm.s32 $0x0;
	v17 =	vand.u32 $0x7FFFFFFF, v12;
	v9 =	vld [tilespmem:s31+$0x30];
	v15 =	vadd.f32 v10, v13;
	v10 =	vimm.f32 $0.0e+00  }
.LBB2_2:
0x1d: {  	v20 =	vld [tilespmem:s2+$0xFFFFFFC0];
	v18 =	vadd.f32 v12, v18;
	v14 =	vadd.f32 v17, v14;
	v12 =	vand.u32 $0x7FFFFFFF, v5  }
0x1e: {  	s1 =	sadd.s32 $0x8, s1;
	v17 =	vld [tilespmem:s2+$0xFFFFFFD0];
	v21 =	vand.u32 $0x7FFFFFFF, v7;
	v19 =	vadd.f32 v5, v19;
	v15 =	vadd.f32 v12, v15  }
0x1f: {  	v13 =	vadd.f32 v7, v13;
	p0 =	slt.u32 s1, $0x1F8;
	v12 =	vld [tilespmem:s2+$0x0];
	v10 =	vadd.f32 v21, v10;
	v7 =	vand.u32 $0x7FFFFFFF, v6  }
.Ltmp0:
0x20: {  	v16 =	vadd.f32 v6, v16;
	v5 =	vld [tilespmem:s2+$0x10];
	v11 =	vadd.f32 v7, v11;
	v6 =	vand.u32 $0x7FFFFFFF, v8;
	(pc) =	sbr.rel @p0 .LBB2_2-.Ltmp0, $4  }
0x21: {  	v13 =	vadd.f32 v8, v13;
	v7 =	vld [tilespmem:s2+$0xFFFFFFE0];
	v10 =	vadd.f32 v6, v10;
	v8 =	vand.u32 $0x7FFFFFFF, v9  }
0x22: {  	v16 =	vadd.f32 v9, v16;
	v21 =	vand.u32 $0x7FFFFFFF, v20;
	v6 =	vld [tilespmem:s2+$0xFFFFFFF0];
	v11 =	vadd.f32 v8, v11  }
0x23: {  	v18 =	vadd.f32 v20, v18;
	v14 =	vadd.f32 v21, v14;
	v9 =	vand.u32 $0x7FFFFFFF, v17;
	v8 =	vld [tilespmem:s2+$0x20]  }
0x24: {  	v19 =	vadd.f32 v17, v19;
	v15 =	vadd.f32 v9, v15;
	v17 =	vand.u32 $0x7FFFFFFF, v12;
	v9 =	vld [tilespmem:s2+$0x30];
	s2 =	sadd.s32 $0x80, s2  }
0x25: {  	v12 =	vadd.f32 v12, v18  }
0x26: {  	v56 =	vadd.f32 v5, v19;
	v13 =	vadd.f32 v7, v13  }
0x27: {  	v16 =	vadd.f32 v6, v16  }
0x28: {  	v13 =	vadd.f32 v8, v13;
	v12 =	vadd.f32 v56, v12;
	_ =	sdelay $0x1  }
0x29: {  	v16 =	vadd.f32 v9, v16;
	v12 =	vadd.f32 v13, v12;
	_ =	sdelay $0x1  }
0x2a: {  	v12 =	vadd.f32 v16, v12;
	_ =	sdelay $0x1  }
0x2b: {  	[tilespmem:$0x10000] =	vst v12  }
0x2c: {  	v57 =	vld.idx.msk [tilespmem:v0+s14+$0x0], $0xffff;
	_ =	sdelay $0x4  }
0x2d: {  	v12 =	vadd.f32 v57, v12;
	_ =	sdelay $0x1  }
0x2e: {  	[tilespmem:$0x10000] =	vst v12  }
0x2f: {  	v58 =	vld.idx.msk [tilespmem:v1+s14+$0x0], $0xffff;
	_ =	sdelay $0x4  }
0x30: {  	v12 =	vadd.f32 v58, v12;
	_ =	sdelay $0x1  }
0x31: {  	v59 =	vadd.f32 v17, v14;
	v5 =	vand.u32 $0x7FFFFFFF, v5;
	v7 =	vand.u32 $0x7FFFFFFF, v7;
	[tilespmem:$0x10000] =	vst v12  }
0x32: {  	v5 =	vadd.f32 v5, v15;
	v7 =	vadd.f32 v7, v10;
	v6 =	vand.u32 $0x7FFFFFFF, v6;
	v60 =	vld.idx.msk [tilespmem:v2+s14+$0x0], $0xffff  }
0x33: {  	v6 =	vadd.f32 v6, v11;
	v61 =	vand.u32 $0x7FFFFFFF, v8  }
0x34: {  	v7 =	vadd.f32 v61, v7;
	v5 =	vadd.f32 v5, v59  }
0x35: {  	v62 =	vand.u32 $0x7FFFFFFF, v9  }
0x36: {  	v6 =	vadd.f32 v62, v6;
	v5 =	vadd.f32 v7, v5  }
0x37: {  	v63 =	vadd.f32 v60, v12  }
0x38: {  	v5 =	vadd.f32 v6, v5  }
0x39: {  	[tilespmem:$0x10000] =	vst v63  }
0x3a: {  	v6 =	vld.idx.msk [tilespmem:v3+s14+$0x0], $0xffff;
	[tilespmem:$0x10000] =	vst v5  }
0x3b: {  	v7 =	vld.idx.msk [tilespmem:v0+s14+$0x0], $0xffff;
	_ =	sdelay $0x4  }
0x3c: {  	v5 =	vadd.f32 v7, v5;
	_ =	sdelay $0x1  }
0x3d: {  	[tilespmem:$0x10000] =	vst v5  }
0x3e: {  	v7 =	vld.idx.msk [tilespmem:v1+s14+$0x0], $0xffff;
	_ =	sdelay $0x4  }
0x3f: {  	v5 =	vadd.f32 v7, v5;
	_ =	sdelay $0x1  }
0x40: {  	[tilespmem:$0x10000] =	vst v5  }
0x41: {  	v7 =	vld.idx.msk [tilespmem:v2+s14+$0x0], $0xffff;
	_ =	sdelay $0x4  }
0x42: {  	v5 =	vadd.f32 v7, v5;
	_ =	sdelay $0x1  }
0x43: {  	[tilespmem:$0x10000] =	vst v5  }
0x44: {  	v7 =	vld.idx.msk [tilespmem:v3+s14+$0x0], $0xffff;
	_ =	sdelay $0x4  }
0x45: {  	v5 =	vadd.f32 v7, v5;
	_ =	sdelay $0x1  }
0x46: {  	v6 =	vadd.f32 v6, v63;
	v7 =	vmul.f32 $3.000000000e+00, v5;
	_ =	sdelay $0x1  }
0x47: {  	v7 =	vadd.f32 v7, v6  }
0x48: {  	v5 =	vsub.f32 v5, v6  }
0x49: {  	vm0 =	vgt.f32 v7, $1.638400000e+04  }
0x4a: {  	vm1 =	vlt.f32 v5, $1.638400000e+04;
	vm0 =	vmneg vm0  }
0x4b: {  	vm0 =	vmand vm1, vm0  }
0x4c: {  	s25 =	simm.s32 $0x0;
	v5 =	vsel vm0, $0x0, v4  }
.LBB2_4:
0x4d: {  	s1 =	sshll.u32 s25, $0x2;
	s2 =	rddreg [dreg:$0x3]  }
0x4e: {  	s28 =	sadd.s32 s2, s1  }
0x4f: {  	s29 =	sor.u32 $0x2, s28;
	s1 =	sshll.u32 s28, $0xA  }
0x50: {  	s1 =	sand.u32 $0xFE000, s1;
	s24 =	sshll.u32 s29, $0x4  }
0x51: {  	s2 =	sand.u32 $0x60, s24;
	s31 =	sadd.s32 s0, s1  }
0x52: {  	s26 =	simm.s32 $0x4000;
	s1 =	sadd.s32 s2, s31  }
0x53: {  	[tilespmem:s26], [sflag:$0x3] =	stream.strided.gather [hbm4b:s1+s10], $0x2000, s11, s10, $0x38;
	[tilespmem:$0x10080] =	vst v63  }
0x54: {  	_ =	swait.ge [sflag:s16], $0x2000  }
0x55: {  	p0 =	seq.s32 s25, $0x0;
	[sflag:s16] =	ssyncset.done $0x0  }
0x56: {  	s1 =	simm.s32 @!p0 $0x5;
	[sflag:s16] =	ssyncadd.s32 $0xFFFFE000  }
0x57: {  	_ =	swait.ge @!p0 [sflag:s1], $0x4000  }
0x58: {  	[sflag:s1] =	ssyncset.done @!p0 $0x0  }
0x59: {  	s9 =	simm.s32 $0x0;
	[sflag:s1] =	ssyncadd.s32 @!p0 $0xFFFFC000  }
0x5a: {  	v6 =	vld [tilespmem:s9+$0x0];
	_ =	sdelay $0x4  }
0x5b: {  	vm0 =	veq.f32 v6, $-1.000000000e+00  }
0x5c: {  	v6 =	vsel vm0, v5, v6  }
0x5d: {  	s18 =	simm.s32 $0x8080;
	v7 =	vsub.f32 $1.000000000e+00, v6  }
0x5e: {  	[tilespmem:s18+$0x0] =	vst v6  }
0x5f: {  	[tilespmem:s18+$0xFFFFFF80] =	vst v7  }
0x60: {  	v6 =	vld [tilespmem:s9+$0x10];
	_ =	sdelay $0x4  }
0x61: {  	s2 =	simm.s32 $0x80;
	vm15 =	veq.f32 v6, $-1.000000000e+00  }
0x62: {  	v7 =	vld [tilespmem:s2+$0x0];
	v6 =	vsel vm15, v5, v6  }
0x63: {  	v8 =	vsub.f32 $1.000000000e+00, v6  }
0x64: {  	v10 =	vld [tilespmem:s9+$0x2000];
	[tilespmem:s18+$0x10] =	vst v6  }
0x65: {  	[tilespmem:s18+$0xFFFFFF90] =	vst v8  }
0x66: {  	v6 =	vld [tilespmem:s9+$0x20]  }
0x67: {  	vm4 =	veq.f32 v7, $-1.000000000e+00  }
0x68: {  	v7 =	vsel vm4, v5, v7  }
0x69: {  	s13 =	simm.s32 $0x8180;
	v8 =	vsub.f32 $1.000000000e+00, v7  }
0x6a: {  	[tilespmem:s13+$0x0] =	vst v7  }
0x6b: {  	[tilespmem:s13+$0xFFFFFF80] =	vst v8;
	vm5 =	veq.f32 v6, $-1.000000000e+00  }
0x6c: {  	v7 =	vld [tilespmem:s2+$0x10];
	v6 =	vsel vm5, v5, v6  }
0x6d: {  	v8 =	vsub.f32 $1.000000000e+00, v6  }
0x6e: {  	s30 =	simm.s32 $0x100;
	v12 =	vld [tilespmem:s9+$0x2010]  }
0x6f: {  	[tilespmem:s18+$0xFFFFFFA0] =	vst v8;
	v8 =	vld [tilespmem:s30+$0x0];
	_ =	sdelay $0x1  }
0x70: {  	[tilespmem:s18+$0x20] =	vst v6;
	vm6 =	veq.f32 v7, $-1.000000000e+00  }
0x71: {  	v7 =	vsel vm6, v5, v7;
	v6 =	vld [tilespmem:s9+$0x30]  }
0x72: {  	v9 =	vsub.f32 $1.000000000e+00, v7  }
0x73: {  	s26 =	simm.s32 $0x180;
	v18 =	vld [tilespmem:s2+$0x2000];
	[tilespmem:s13+$0x10] =	vst v7;
	vm7 =	veq.f32 v8, $-1.000000000e+00  }
0x74: {  	[tilespmem:s13+$0xFFFFFF90] =	vst v9;
	v7 =	vsel vm7, v5, v8;
	v8 =	vld [tilespmem:s26+$0x0]  }
0x75: {  	v9 =	vld [tilespmem:s2+$0x20]  }
0x76: {  	s12 =	simm.s32 $0x8280;
	vm8 =	veq.f32 v6, $-1.000000000e+00  }
0x77: {  	v11 =	vsub.f32 $1.000000000e+00, v7;
	[tilespmem:s12+$0x0] =	vst v7;
	v6 =	vsel vm8, v5, v6  }
0x78: {  	v22 =	vld [tilespmem:s9+$0x2020];
	v7 =	vsub.f32 $1.000000000e+00, v6;
	[tilespmem:s18+$0x30] =	vst v6  }
0x79: {  	[tilespmem:s12+$0xFFFFFF80] =	vst v11;
	vm9 =	veq.f32 v8, $-1.000000000e+00  }
0x7a: {  	s7 =	simm.s32 $0x8380;
	vm10 =	veq.f32 v9, $-1.000000000e+00;
	v11 =	vld [tilespmem:s30+$0x10];
	[tilespmem:s18+$0xFFFFFFB0] =	vst v7;
	v6 =	vsel vm9, v5, v8  }
0x7b: {  	v7 =	vld [tilespmem:s9+$0x40];
	v8 =	vsel vm10, v5, v9;
	v9 =	vsub.f32 $1.000000000e+00, v6;
	[tilespmem:s7+$0x0] =	vst v6  }
0x7c: {  	s1 =	simm.s32 $0x200;
	v16 =	vld [tilespmem:s2+$0x2010];
	v13 =	vsub.f32 $1.000000000e+00, v8;
	[tilespmem:s13+$0x20] =	vst v8  }
0x7d: {  	v15 =	vld [tilespmem:s1+$0x0];
	[tilespmem:s7+$0xFFFFFF80] =	vst v9  }
0x7e: {  	[tilespmem:s13+$0xFFFFFFA0] =	vst v13;
	v9 =	vld [tilespmem:s26+$0x10]  }
0x7f: {  	vm11 =	veq.f32 v11, $-1.000000000e+00;
	v13 =	vld [tilespmem:s2+$0x30]  }
0x80: {  	v6 =	vsel vm11, v5, v11;
	vm12 =	veq.f32 v7, $-1.000000000e+00  }
0x81: {  	v14 =	vld [tilespmem:s30+$0x2000];
	v11 =	vsub.f32 $1.000000000e+00, v6;
	[tilespmem:s12+$0x10] =	vst v6;
	v6 =	vsel vm12, v5, v7  }
0x82: {  	v8 =	vld [tilespmem:s9+$0x2030];
	v7 =	vsub.f32 $1.000000000e+00, v6;
	[tilespmem:s18+$0x40] =	vst v6  }
0x83: {  	vm15 =	veq.f32 v15, $-1.000000000e+00;
	[tilespmem:s12+$0xFFFFFF90] =	vst v11  }
0x84: {  	s6 =	simm.s32 $0x8480;
	v15 =	vsel vm15, v5, v15;
	v11 =	vld [tilespmem:s30+$0x20];
	[tilespmem:s18+$0xFFFFFFC0] =	vst v7;
	vm13 =	veq.f32 v9, $-1.000000000e+00;
	vm14 =	veq.f32 v13, $-1.000000000e+00  }
0x85: {  	[tilespmem:s6+$0x0] =	vst v15;
	v7 =	vsel vm13, v5, v9;
	v9 =	vld [tilespmem:s9+$0x50];
	v13 =	vsel vm14, v5, v13  }
0x86: {  	v6 =	vld [tilespmem:s26+$0x2000];
	[tilespmem:s7+$0x10] =	vst v7;
	v19 =	vsub.f32 $1.000000000e+00, v13  }
0x87: {  	v17 =	vsub.f32 $1.000000000e+00, v7;
	v7 =	vld [tilespmem:s2+$0x2020];
	[tilespmem:s13+$0x30] =	vst v13  }
0x88: {  	[tilespmem:s13+$0xFFFFFFB0] =	vst v19;
	v19 =	vsub.f32 $1.000000000e+00, v15  }
0x89: {  	v13 =	vld [tilespmem:s9+$0x2040];
	[tilespmem:s7+$0xFFFFFF90] =	vst v17;
	vm5 =	veq.f32 v11, $-1.000000000e+00  }
0x8a: {  	v21 =	vld [tilespmem:s2+$0x40];
	v11 =	vsel vm5, v5, v11;
	vm4 =	veq.f32 v9, $-1.000000000e+00;
	[tilespmem:s6+$0xFFFFFF80] =	vst v19  }
0x8b: {  	v17 =	vld [tilespmem:s30+$0x2010];
	v20 =	vsub.f32 $1.000000000e+00, v11;
	[tilespmem:s12+$0x20] =	vst v11;
	v9 =	vsel vm4, v5, v9  }
0x8c: {  	v19 =	vld [tilespmem:s1+$0x10];
	v15 =	vsub.f32 $1.000000000e+00, v9;
	[tilespmem:s18+$0x50] =	vst v9  }
0x8d: {  	v23 =	vld [tilespmem:s26+$0x20];
	[tilespmem:s12+$0xFFFFFFA0] =	vst v20  }
0x8e: {  	v29 =	vld [tilespmem:s30+$0x30];
	[tilespmem:s18+$0xFFFFFFD0] =	vst v15  }
0x8f: {  	v24 =	vimm.f32 $0.0e+00;
	vm6 =	veq.f32 v21, $-1.000000000e+00;
	v26 =	vld [tilespmem:s9+$0x60]  }
0x90: {  	v27 =	vand.u32 $0x7FFFFFFF, v10;
	v28 =	vadd.f32 v10, v24;
	v10 =	vld [tilespmem:s1+$0x2000];
	v21 =	vsel vm6, v5, v21  }
0x91: {  	v27 =	vadd.f32 v27, v24;
	v9 =	vld [tilespmem:s2+$0x2030];
	v31 =	vsub.f32 $1.000000000e+00, v21;
	vm8 =	veq.f32 v19, $-1.000000000e+00  }
0x92: {  	v32 =	vand.u32 $0x7FFFFFFF, v13;
	v15 =	vld [tilespmem:s26+$0x2010];
	[tilespmem:s13+$0x40] =	vst v21;
	v21 =	vadd.f32 v13, v28;
	v13 =	vsel vm8, v5, v19  }
0x93: {  	s24 =	simm.s32 $0x280;
	v25 =	vand.u32 $0x7FFFFFFF, v12;
	v30 =	vld [tilespmem:s9+$0x2050];
	v19 =	vadd.f32 v32, v27;
	[tilespmem:s13+$0xFFFFFFC0] =	vst v31;
	v27 =	vsub.f32 $1.000000000e+00, v13  }
0x94: {  	v35 =	vadd.f32 v12, v24;
	v28 =	vld [tilespmem:s24+$0x0];
	[tilespmem:s6+$0x10] =	vst v13;
	vm10 =	veq.f32 v29, $-1.000000000e+00;
	vm9 =	veq.f32 v26, $-1.000000000e+00  }
0x95: {  	v25 =	vadd.f32 v25, v24;
	v31 =	vld [tilespmem:s2+$0x50];
	[tilespmem:s6+$0xFFFFFF90] =	vst v27;
	v27 =	vsel vm10, v5, v29;
	v13 =	vsel vm9, v5, v26  }
0x96: {  	v34 =	vand.u32 $0x7FFFFFFF, v18;
	vm7 =	veq.f32 v23, $-1.000000000e+00;
	v33 =	vld [tilespmem:s2+$0x2040];
	v36 =	vsub.f32 $1.000000000e+00, v27;
	[tilespmem:s18+$0x60] =	vst v13  }
0x97: {  	v20 =	vand.u32 $0x7FFFFFFF, v16;
	v23 =	vsel vm7, v5, v23;
	v26 =	vsub.f32 $1.000000000e+00, v13;
	v13 =	vld [tilespmem:s30+$0x2020];
	[tilespmem:s12+$0x30] =	vst v27  }
0x98: {  	v11 =	vand.u32 $0x7FFFFFFF, v17;
	v60 =	vsub.f32 $1.000000000e+00, v23;
	v18 =	vadd.f32 v18, v21;
	v29 =	vld [tilespmem:s1+$0x20];
	[tilespmem:s12+$0xFFFFFFB0] =	vst v36  }
0x99: {  	v12 =	vand.u32 $0x7FFFFFFF, v15;
	v37 =	vand.u32 $0x7FFFFFFF, v30;
	vm11 =	veq.f32 v28, $-1.000000000e+00;
	[tilespmem:s18+$0xFFFFFFE0] =	vst v26;
	v38 =	vld [tilespmem:s30+$0x40]  }
0x9a: {  	[tilespmem:s7+$0x20] =	vst v23;
	v21 =	vsel vm11, v5, v28;
	v26 =	vadd.f32 v30, v35;
	v30 =	vadd.f32 v37, v25;
	v61 =	vld [tilespmem:s9+$0x70]  }
0x9b: {  	s15 =	simm.s32 $0x8580;
	[tilespmem:s7+$0xFFFFFFA0] =	vst v60;
	v25 =	vadd.f32 v34, v19;
	vm12 =	veq.f32 v31, $-1.000000000e+00;
	v19 =	vsub.f32 $1.000000000e+00, v21;
	v62 =	vld [tilespmem:s9+$0x2060]  }
0x9c: {  	[tilespmem:s15+$0x0] =	vst v21;
	v21 =	vand.u32 $0x7FFFFFFF, v33;
	v27 =	vadd.f32 v33, v18;
	v28 =	vsel vm12, v5, v31  }
0x9d: {  	v32 =	vld [tilespmem:s26+$0x30];
	v31 =	vsub.f32 $1.000000000e+00, v28;
	[tilespmem:s13+$0x50] =	vst v28;
	v28 =	vand.u32 $0x7FFFFFFF, v22;
	vm13 =	veq.f32 v29, $-1.000000000e+00  }
0x9e: {  	[tilespmem:s15+$0xFFFFFF80] =	vst v19;
	v19 =	vld [tilespmem:s1+$0x2010];
	v21 =	vadd.f32 v21, v25;
	v25 =	vadd.f32 v28, v24;
	v33 =	vsel vm13, v5, v29  }
0x9f: {  	v29 =	vld [tilespmem:s24+$0x10];
	[tilespmem:s13+$0xFFFFFFD0] =	vst v31;
	v31 =	vadd.f32 v22, v24;
	v63 =	vsub.f32 $1.000000000e+00, v33;
	vm14 =	veq.f32 v61, $-1.000000000e+00  }
0xa0: {  	v37 =	vld [tilespmem:s2+$0x60];
	vm15 =	veq.f32 v38, $-1.000000000e+00;
	v22 =	vand.u32 $0x7FFFFFFF, v62;
	v23 =	vsel vm14, v5, v61  }
0xa1: {  	v28 =	vld [tilespmem:s2+$0x2050];
	[tilespmem:s6+$0xFFFFFFA0] =	vst v63;
	v35 =	vsel vm15, v5, v38;
	v31 =	vadd.f32 v62, v31;
	v34 =	vsub.f32 $1.000000000e+00, v23  }
0xa2: {  	s5 =	simm.s32 $0xC00;
	v18 =	vld [tilespmem:s30+$0x2030];
	v22 =	vadd.f32 v22, v25;
	v25 =	vand.u32 $0x7FFFFFFF, v14;
	[tilespmem:s18+$0x70] =	vst v23;
	v23 =	vimm.f32 $0.0e+00  }
.LBB2_5:
0xa3: {  	s8 =	sshra.s32 s5, $0x2;
	p1 =	sne.s32 s5, $0x7E00;
	s5 =	sadd.s32 $0x200, s5;
	v36 =	vld [tilespmem:s24+$0x2000];
	v38 =	vand.u32 $0x7FFFFFFF, v19;
	v39 =	vsub.f32 $1.000000000e+00, v35;
	v40 =	vand.u32 $0x7FFFFFFF, v8;
	[tilespmem:s18+$0xFFFFFFF0] =	vst v34  }
0xa4: {  	v30 =	vadd.f32 v20, v30;
	v24 =	vadd.f32 v8, v24;
	v20 =	vmovc v11;
	vm0 =	veq.f32 v29, $-1.000000000e+00;
	[tilespmem:s12+$0x40] =	vst v35;
	v34 =	vld [tilespmem:s9+$0x2070];
	s9 =	smov.u32 s2;
	s2 =	smov.u32 s30;
	s30 =	smov.u32 s26  }
0xa5: {  	v43 =	vadd.f32 v16, v26;
	v11 =	vmovc v12;
	s26 =	smov.u32 s1;
	s1 =	smov.u32 s24;
	s24 =	smov.u32 s8;
	v35 =	vld [tilespmem:s8+$0x0];
	v42 =	vsel vm0, v5, v29;
	[tilespmem:s12+$0xFFFFFFC0] =	vst v39;
	vm0 =	veq.f32 v37, $-1.000000000e+00  }
0xa6: {  	v8 =	vmovc v9;
	s18 =	smov.u32 s13;
	s13 =	smov.u32 s12;
	v12 =	vmovc v38;
	s12 =	smov.u32 s7;
	v29 =	vsub.f32 $1.000000000e+00, v42;
	[tilespmem:s15+$0x10] =	vst v42;
	v39 =	vld [tilespmem:s2+$0x50];
	v41 =	vand.u32 $0x7FFFFFFF, v28;
	v37 =	vsel vm0, v5, v37  }
0xa7: {  	v9 =	vmovc v18;
	v16 =	vmovc v17;
	s7 =	smov.u32 s6;
	s6 =	smov.u32 s15;
	v26 =	vadd.f32 v28, v43;
	vm0 =	veq.f32 v32, $-1.000000000e+00;
	v38 =	vld [tilespmem:s2+$0x2040];
	v28 =	vsub.f32 $1.000000000e+00, v37;
	[tilespmem:s18+$0x60] =	vst v37  }
0xa8: {  	v23 =	vadd.f32 v40, v23;
	v30 =	vadd.f32 v41, v30;
	[tilespmem:s15+$0xFFFFFF90] =	vst v29;
	v42 =	vld [tilespmem:s30+$0x2020];
	v18 =	vsel vm0, v5, v32  }
0xa9: {  	v17 =	vmovc v15;
	v15 =	vmovc v19;
	v32 =	vld [tilespmem:s1+$0x20];
	v29 =	vsub.f32 $1.000000000e+00, v18;
	[tilespmem:s18+$0xFFFFFFE0] =	vst v28;
	v24 =	vadd.f32 v34, v24;
	v28 =	vand.u32 $0x7FFFFFFF, v34  }
0xaa: {  	v19 =	vadd.f32 v14, v27;
	v14 =	vmovc v6;
	s15 =	sadd.s32 $0x100, s15;
	vm0 =	veq.f32 v35, $-1.000000000e+00;
	[tilespmem:s12+$0x30] =	vst v18;
	v34 =	vld [tilespmem:s9+$0x70];
	v23 =	vadd.f32 v28, v23  }
0xab: {  	v21 =	vadd.f32 v25, v21;
	v6 =	vmovc v10;
	v18 =	vsel vm0, v5, v35;
	[tilespmem:s12+$0xFFFFFFB0] =	vst v29;
	vm0 =	veq.f32 v39, $-1.000000000e+00;
	v40 =	vld [tilespmem:s9+$0x2060]  }
0xac: {  	v10 =	vmovc v36;
	v25 =	vsub.f32 $1.000000000e+00, v18;
	[tilespmem:s15+$0x0] =	vst v18;
	v35 =	vld [tilespmem:s30+$0x40];
	v28 =	vand.u32 $0x7FFFFFFF, v38;
	v29 =	vsel vm0, v5, v39  }
0xad: {  	v27 =	vadd.f32 v38, v19;
	v18 =	vld [tilespmem:s30+$0x2030];
	v36 =	vsub.f32 $1.000000000e+00, v29;
	[tilespmem:s13+$0x50] =	vst v29;
	v29 =	vand.u32 $0x7FFFFFFF, v7  }
.Ltmp1:
0xae: {  	v21 =	vadd.f32 v28, v21;
	[tilespmem:s15+$0xFFFFFF80] =	vst v25;
	v19 =	vld [tilespmem:s1+$0x2010];
	vm0 =	veq.f32 v32, $-1.000000000e+00;
	v22 =	vadd.f32 v29, v22;
	(pc) =	sbr.rel @p1 .LBB2_5-.Ltmp1, $4  }
0xaf: {  	v31 =	vadd.f32 v7, v31;
	v7 =	vmovc v13;
	v29 =	vld [tilespmem:s24+$0x10];
	v25 =	vsel vm0, v5, v32;
	[tilespmem:s13+$0xFFFFFFD0] =	vst v36;
	vm0 =	veq.f32 v34, $-1.000000000e+00  }
0xb0: {  	v13 =	vmovc v42;
	v32 =	vsub.f32 $1.000000000e+00, v25;
	[tilespmem:s7+$0x20] =	vst v33;
	v37 =	vld [tilespmem:s2+$0x60];
	v36 =	vand.u32 $0x7FFFFFFF, v40;
	v38 =	vsel vm0, v5, v34;
	v33 =	vmovc v25  }
0xb1: {  	vm0 =	veq.f32 v35, $-1.000000000e+00;
	v28 =	vld [tilespmem:s2+$0x2050];
	v22 =	vadd.f32 v36, v22;
	v34 =	vsub.f32 $1.000000000e+00, v38;
	[tilespmem:s18+$0x70] =	vst v38  }
0xb2: {  	v25 =	vand.u32 $0x7FFFFFFF, v14;
	v31 =	vadd.f32 v40, v31;
	[tilespmem:s6+$0xFFFFFFA0] =	vst v32;
	v32 =	vld [tilespmem:s26+$0x30];
	v35 =	vsel vm0, v5, v35  }
0xb3: {  	_ = 	snop  }
0xb4: {  	vm0 =	veq.f32 v29, $-1.000000000e+00  }
0xb5: {  	v36 =	vsel vm0, v5, v29  }
0xb6: {  	v38 =	vsub.f32 $1.000000000e+00, v36  }
0xb7: {  	v29 =	vld [tilespmem:s24+$0x2000];
	[tilespmem:s15+$0x10] =	vst v36  }
0xb8: {  	[tilespmem:s15+$0xFFFFFF90] =	vst v38  }
0xb9: {  	v36 =	vld [tilespmem:s24+$0x20];
	_ =	sdelay $0x1  }
0xba: {  	[tilespmem:s6+$0x20] =	vst v33;
	vm4 =	veq.f32 v32, $-1.000000000e+00  }
0xbb: {  	v50 =	vld [tilespmem:s1+$0x30];
	v48 =	vsel vm4, v5, v32  }
0xbc: {  	v39 =	vsub.f32 $1.000000000e+00, v48  }
0xbd: {  	v32 =	vld [tilespmem:s26+$0x2020];
	[tilespmem:s7+$0x30] =	vst v48;
	vm5 =	veq.f32 v36, $-1.000000000e+00  }
0xbe: {  	[tilespmem:s7+$0xFFFFFFB0] =	vst v39;
	v40 =	vsel vm5, v5, v36  }
0xbf: {  	v39 =	vld [tilespmem:s26+$0x40];
	v49 =	vsub.f32 $1.000000000e+00, v40  }
0xc0: {  	vm6 =	veq.f32 v50, $-1.000000000e+00;
	v36 =	vld [tilespmem:s24+$0x2010];
	[tilespmem:s15+$0x20] =	vst v40  }
0xc1: {  	v52 =	vsel vm6, v5, v50;
	[tilespmem:s15+$0xFFFFFFA0] =	vst v49  }
0xc2: {  	[tilespmem:s18+$0xFFFFFFF0] =	vst v34;
	v38 =	vsub.f32 $1.000000000e+00, v52;
	v40 =	vld [tilespmem:s24+$0x30]  }
0xc3: {  	v33 =	vld [tilespmem:s1+$0x2020];
	[tilespmem:s6+$0x30] =	vst v52  }
0xc4: {  	v51 =	vsub.f32 $1.000000000e+00, v35;
	[tilespmem:s6+$0xFFFFFFB0] =	vst v38  }
0xc5: {  	[tilespmem:s12+$0x40] =	vst v35;
	vm9 =	veq.f32 v37, $-1.000000000e+00;
	v38 =	vld [tilespmem:s1+$0x40];
	vm7 =	veq.f32 v39, $-1.000000000e+00  }
0xc6: {  	[tilespmem:s12+$0xFFFFFFC0] =	vst v51;
	v37 =	vsel vm9, v5, v37;
	v39 =	vsel vm7, v5, v39  }
0xc7: {  	v41 =	vld [tilespmem:s30+$0x50];
	[tilespmem:s13+$0x60] =	vst v37;
	v53 =	vsub.f32 $1.000000000e+00, v39;
	vm8 =	veq.f32 v40, $-1.000000000e+00  }
0xc8: {  	v35 =	vld [tilespmem:s26+$0x2030];
	[tilespmem:s7+$0x40] =	vst v39;
	v54 =	vsel vm8, v5, v40  }
0xc9: {  	v34 =	vld [tilespmem:s24+$0x2020];
	[tilespmem:s7+$0xFFFFFFC0] =	vst v53;
	v40 =	vsub.f32 $1.000000000e+00, v54  }
0xca: {  	v55 =	vsub.f32 $1.000000000e+00, v37;
	vm11 =	veq.f32 v38, $-1.000000000e+00;
	v42 =	vld [tilespmem:s26+$0x50];
	[tilespmem:s15+$0x30] =	vst v54  }
0xcb: {  	v59 =	vsel vm11, v5, v38;
	[tilespmem:s15+$0xFFFFFFB0] =	vst v40  }
0xcc: {  	[tilespmem:s13+$0xFFFFFFE0] =	vst v55;
	vm10 =	veq.f32 v41, $-1.000000000e+00;
	v44 =	vsub.f32 $1.000000000e+00, v59;
	v57 =	vld [tilespmem:s24+$0x40]  }
0xcd: {  	v56 =	vsel vm10, v5, v41;
	v38 =	vld [tilespmem:s1+$0x2030];
	[tilespmem:s6+$0x40] =	vst v59  }
0xce: {  	v43 =	vld [tilespmem:s2+$0x70];
	v58 =	vsub.f32 $1.000000000e+00, v56;
	[tilespmem:s6+$0xFFFFFFC0] =	vst v44  }
0xcf: {  	vm12 =	veq.f32 v42, $-1.000000000e+00;
	v40 =	vld [tilespmem:s30+$0x2040];
	[tilespmem:s12+$0x50] =	vst v56  }
0xd0: {  	v61 =	vld [tilespmem:s1+$0x50];
	[tilespmem:s12+$0xFFFFFFD0] =	vst v58;
	v42 =	vsel vm12, v5, v42  }
0xd1: {  	v45 =	vld [tilespmem:s30+$0x60];
	v60 =	vsub.f32 $1.000000000e+00, v42;
	vm13 =	veq.f32 v57, $-1.000000000e+00  }
0xd2: {  	v39 =	vld [tilespmem:s26+$0x2040];
	[tilespmem:s7+$0x50] =	vst v42;
	v41 =	vsel vm13, v5, v57  }
0xd3: {  	v37 =	vld [tilespmem:s24+$0x2030];
	[tilespmem:s7+$0xFFFFFFD0] =	vst v60;
	v46 =	vsub.f32 $1.000000000e+00, v41  }
0xd4: {  	v47 =	vld [tilespmem:s26+$0x60];
	[tilespmem:s15+$0x40] =	vst v41  }
0xd5: {  	vm14 =	veq.f32 v43, $-1.000000000e+00;
	[tilespmem:s15+$0xFFFFFFC0] =	vst v46  }
0xd6: {  	v43 =	vsel vm14, v5, v43;
	vm4 =	veq.f32 v61, $-1.000000000e+00;
	vm15 =	veq.f32 v45, $-1.000000000e+00;
	v46 =	vld [tilespmem:s24+$0x50]  }
0xd7: {  	v44 =	vld [tilespmem:s2+$0x2060];
	[tilespmem:s13+$0x70] =	vst v43;
	v53 =	vsel vm4, v5, v61;
	v63 =	vsel vm15, v5, v45  }
0xd8: {  	v42 =	vld [tilespmem:s1+$0x2040];
	[tilespmem:s6+$0x50] =	vst v53;
	v52 =	vsub.f32 $1.000000000e+00, v63  }
0xd9: {  	v54 =	vsub.f32 $1.000000000e+00, v53;
	v45 =	vld [tilespmem:s30+$0x2050];
	[tilespmem:s12+$0x60] =	vst v63;
	vm5 =	veq.f32 v47, $-1.000000000e+00  }
0xda: {  	v62 =	vsub.f32 $1.000000000e+00, v43;
	v43 =	vld [tilespmem:s26+$0x2050];
	[tilespmem:s12+$0xFFFFFFE0] =	vst v52;
	v47 =	vsel vm5, v5, v47  }
0xdb: {  	[tilespmem:s6+$0xFFFFFFD0] =	vst v54;
	v49 =	vld [tilespmem:s30+$0x70];
	v50 =	vsub.f32 $1.000000000e+00, v47;
	vm6 =	veq.f32 v46, $-1.000000000e+00  }
0xdc: {  	v55 =	vld [tilespmem:s1+$0x60];
	[tilespmem:s7+$0x60] =	vst v47;
	v46 =	vsel vm6, v5, v46  }
0xdd: {  	v48 =	vld [tilespmem:s9+$0x2070];
	[tilespmem:s7+$0xFFFFFFE0] =	vst v50;
	v57 =	vsub.f32 $1.000000000e+00, v46  }
0xde: {  	v16 =	vadd.f32 v16, v26;
	v20 =	vadd.f32 v20, v30;
	v56 =	vld [tilespmem:s24+$0x2040];
	[tilespmem:s15+$0x50] =	vst v46  }
0xdf: {  	v24 =	vadd.f32 v8, v24;
	v14 =	vadd.f32 v14, v27;
	v8 =	vand.u32 $0x7FFFFFFF, v8;
	v30 =	vld [tilespmem:s26+$0x70];
	[tilespmem:s15+$0xFFFFFFD0] =	vst v57  }
0xe0: {  	v31 =	vadd.f32 v7, v31;
	v8 =	vadd.f32 v8, v23;
	vm7 =	veq.f32 v49, $-1.000000000e+00;
	v46 =	vld [tilespmem:s24+$0x60]  }
0xe1: {  	v16 =	vadd.f32 v28, v16;
	[tilespmem:s13+$0xFFFFFFF0] =	vst v62;
	vm8 =	veq.f32 v55, $-1.000000000e+00;
	v27 =	vsel vm7, v5, v49  }
0xe2: {  	v24 =	vadd.f32 v48, v24;
	v58 =	vld [tilespmem:s30+$0x2060];
	v59 =	vsub.f32 $1.000000000e+00, v27;
	[tilespmem:s12+$0x70] =	vst v27;
	v27 =	vsel vm8, v5, v55  }
0xe3: {  	v16 =	vadd.f32 v17, v16;
	v26 =	vld [tilespmem:s2+$0x2070];
	v47 =	vsub.f32 $1.000000000e+00, v27  }
0xe4: {  	v24 =	vadd.f32 v9, v24;
	v31 =	vadd.f32 v44, v31;
	v17 =	vld [tilespmem:s1+$0x2050];
	[tilespmem:s6+$0x60] =	vst v27  }
0xe5: {  	v14 =	vadd.f32 v40, v14;
	v27 =	vld [tilespmem:s26+$0x2060];
	vm9 =	veq.f32 v30, $-1.000000000e+00;
	[tilespmem:s6+$0xFFFFFFE0] =	vst v47;
	vm1 =	veq.f32 v46, $-1.000000000e+00  }
0xe6: {  	v31 =	vadd.f32 v13, v31;
	[tilespmem:s12+$0xFFFFFFF0] =	vst v59;
	v30 =	vsel vm9, v5, v30;
	v47 =	vld [tilespmem:s1+$0x70];
	v46 =	vsel vm1, v5, v46  }
0xe7: {  	v14 =	vadd.f32 v6, v14;
	v50 =	vld [tilespmem:s30+$0x2070];
	[tilespmem:s7+$0x70] =	vst v30;
	v52 =	vsub.f32 $1.000000000e+00, v46  }
0xe8: {  	v16 =	vadd.f32 v45, v16;
	v51 =	vld [tilespmem:s24+$0x2050];
	v30 =	vsub.f32 $1.000000000e+00, v30;
	[tilespmem:s15+$0x60] =	vst v46  }
0xe9: {  	v24 =	vadd.f32 v26, v24;
	v14 =	vadd.f32 v39, v14;
	[tilespmem:s15+$0xFFFFFFE0] =	vst v52  }
0xea: {  	v15 =	vadd.f32 v15, v16;
	v16 =	vadd.f32 v58, v31;
	[tilespmem:s7+$0xFFFFFFF0] =	vst v30;
	v30 =	vld [tilespmem:s24+$0x70]  }
0xeb: {  	v24 =	vadd.f32 v18, v24;
	v14 =	vadd.f32 v10, v14;
	vm10 =	veq.f32 v47, $-1.000000000e+00  }
0xec: {  	v15 =	vadd.f32 v43, v15;
	v16 =	vadd.f32 v32, v16;
	v31 =	vld [tilespmem:s26+$0x2070];
	v60 =	vsel vm10, v5, v47  }
0xed: {  	v24 =	vadd.f32 v50, v24;
	v62 =	vsub.f32 $1.000000000e+00, v60  }
0xee: {  	v15 =	vadd.f32 v19, v15;
	v61 =	vld [tilespmem:s1+$0x2060];
	v16 =	vadd.f32 v27, v16;
	[tilespmem:s6+$0x70] =	vst v60  }
0xef: {  	v14 =	vadd.f32 v42, v14;
	v24 =	vadd.f32 v35, v24;
	[tilespmem:s6+$0xFFFFFFF0] =	vst v62;
	vm11 =	veq.f32 v30, $-1.000000000e+00  }
0xf0: {  	v15 =	vadd.f32 v17, v15;
	v16 =	vadd.f32 v33, v16;
	v46 =	vld [tilespmem:s1+$0x2070];
	v5 =	vsel vm11, v5, v30  }
0xf1: {  	v24 =	vadd.f32 v31, v24;
	v63 =	vsub.f32 $1.000000000e+00, v5  }
0xf2: {  	v14 =	vadd.f32 v29, v14;
	v15 =	vadd.f32 v36, v15;
	v30 =	vld [tilespmem:s24+$0x2060];
	[tilespmem:s15+$0x70] =	vst v5  }
0xf3: {  	v5 =	vadd.f32 v61, v16;
	v16 =	vadd.f32 v38, v24;
	[tilespmem:s15+$0xFFFFFFF0] =	vst v63  }
0xf4: {  	v14 =	vadd.f32 v56, v14;
	v15 =	vadd.f32 v51, v15;
	v24 =	vand.u32 $0x7FFFFFFF, v28;
	v28 =	vld [tilespmem:s24+$0x2070]  }
0xf5: {  	v7 =	vand.u32 $0x7FFFFFFF, v7;
	v5 =	vadd.f32 v34, v5;
	v16 =	vadd.f32 v46, v16  }
0xf6: {  	v7 =	vadd.f32 v7, v22;
	v14 =	vadd.f32 v15, v14  }
0xf7: {  	v9 =	vand.u32 $0x7FFFFFFF, v9;
	v5 =	vadd.f32 v30, v5;
	v15 =	vadd.f32 v37, v16  }
0xf8: {  	v6 =	vand.u32 $0x7FFFFFFF, v6;
	v20 =	vadd.f32 v24, v20;
	v16 =	vadd.f32 v25, v21  }
0xf9: {  	v5 =	vadd.f32 v5, v14;
	v14 =	vand.u32 $0x7FFFFFFF, v48;
	v15 =	vadd.f32 v28, v15  }
0xfa: {  	v11 =	vadd.f32 v11, v20;
	v8 =	vadd.f32 v14, v8;
	v14 =	vand.u32 $0x7FFFFFFF, v40  }
0xfb: {  	v14 =	vadd.f32 v14, v16;
	v16 =	vand.u32 $0x7FFFFFFF, v45;
	v5 =	vadd.f32 v15, v5  }
0xfc: {  	v11 =	vadd.f32 v16, v11;
	v8 =	vadd.f32 v9, v8;
	v15 =	vand.u32 $0x7FFFFFFF, v44  }
0xfd: {  	v9 =	vand.u32 $0x7FFFFFFF, v13;
	v16 =	vand.u32 $0x7FFFFFFF, v26;
	v7 =	vadd.f32 v15, v7;
	[tilespmem:$0x10000] =	vst v5  }
0xfe: {  	v6 =	vadd.f32 v6, v14;
	v14 =	vand.u32 $0x7FFFFFFF, v58;
	v15 =	vand.u32 $0x7FFFFFFF, v19;
	v13 =	vld.idx.msk [tilespmem:v0+s14+$0x0], $0xffff  }
0xff: {  	v8 =	vadd.f32 v16, v8;
	v7 =	vadd.f32 v9, v7;
	v9 =	vand.u32 $0x7FFFFFFF, v39  }
0x100: {  	v11 =	vadd.f32 v12, v11;
	v12 =	vand.u32 $0x7FFFFFFF, v43;
	v6 =	vadd.f32 v9, v6  }
0x101: {  	v9 =	vand.u32 $0x7FFFFFFF, v10;
	v10 =	vand.u32 $0x7FFFFFFF, v18;
	v7 =	vadd.f32 v14, v7  }
0x102: {  	v16 =	vand.u32 $0x7FFFFFFF, v36;
	v8 =	vadd.f32 v10, v8;
	v10 =	vadd.f32 v12, v11  }
0x103: {  	v11 =	vand.u32 $0x7FFFFFFF, v50;
	v12 =	vand.u32 $0x7FFFFFFF, v27;
	v5 =	vadd.f32 v13, v5  }
0x104: {  	v6 =	vadd.f32 v9, v6;
	v8 =	vadd.f32 v11, v8;
	v11 =	vand.u32 $0x7FFFFFFF, v32  }
0x105: {  	v9 =	vand.u32 $0x7FFFFFFF, v42;
	v10 =	vadd.f32 v15, v10;
	v7 =	vadd.f32 v11, v7;
	[tilespmem:$0x10000] =	vst v5  }
0x106: {  	v6 =	vadd.f32 v9, v6;
	v9 =	vand.u32 $0x7FFFFFFF, v35;
	v13 =	vand.u32 $0x7FFFFFFF, v29;
	v11 =	vld.idx.msk [tilespmem:v1+s14+$0x0], $0xffff  }
0x107: {  	v8 =	vadd.f32 v9, v8;
	v9 =	vand.u32 $0x7FFFFFFF, v17;
	v7 =	vadd.f32 v12, v7  }
0x108: {  	v12 =	vand.u32 $0x7FFFFFFF, v31;
	v9 =	vadd.f32 v9, v10;
	v6 =	vadd.f32 v13, v6  }
0x109: {  	v10 =	vand.u32 $0x7FFFFFFF, v56;
	v8 =	vadd.f32 v12, v8;
	v12 =	vand.u32 $0x7FFFFFFF, v33  }
0x10a: {  	v7 =	vadd.f32 v12, v7;
	v12 =	vand.u32 $0x7FFFFFFF, v38;
	v6 =	vadd.f32 v10, v6  }
0x10b: {  	v10 =	vand.u32 $0x7FFFFFFF, v61;
	v8 =	vadd.f32 v12, v8;
	v5 =	vadd.f32 v11, v5  }
0x10c: {  	v9 =	vadd.f32 v16, v9;
	v7 =	vadd.f32 v10, v7;
	v10 =	vand.u32 $0x7FFFFFFF, v46  }
0x10d: {  	v8 =	vadd.f32 v10, v8;
	v10 =	vand.u32 $0x7FFFFFFF, v34;
	v11 =	vand.u32 $0x7FFFFFFF, v51;
	[tilespmem:$0x10000] =	vst v5  }
0x10e: {  	v7 =	vadd.f32 v10, v7;
	v10 =	vand.u32 $0x7FFFFFFF, v37;
	v9 =	vadd.f32 v11, v9;
	v12 =	vld.idx.msk [tilespmem:v2+s14+$0x0], $0xffff  }
0x10f: {  	v11 =	vand.u32 $0x7FFFFFFF, v30;
	v8 =	vadd.f32 v10, v8  }
0x110: {  	v7 =	vadd.f32 v11, v7;
	v6 =	vadd.f32 v9, v6  }
0x111: {  	v10 =	vand.u32 $0x7FFFFFFF, v28  }
0x112: {  	v8 =	vadd.f32 v10, v8;
	v6 =	vadd.f32 v7, v6  }
0x113: {  	v5 =	vadd.f32 v12, v5  }
0x114: {  	v6 =	vadd.f32 v8, v6  }
0x115: {  	[tilespmem:$0x10000] =	vst v5  }
0x116: {  	v7 =	vld.idx.msk [tilespmem:v3+s14+$0x0], $0xffff;
	[tilespmem:$0x10000] =	vst v6  }
0x117: {  	v8 =	vld.idx.msk [tilespmem:v0+s14+$0x0], $0xffff;
	_ =	sdelay $0x4  }
0x118: {  	v6 =	vadd.f32 v8, v6;
	_ =	sdelay $0x1  }
0x119: {  	[tilespmem:$0x10000] =	vst v6  }
0x11a: {  	v8 =	vld.idx.msk [tilespmem:v1+s14+$0x0], $0xffff;
	_ =	sdelay $0x4  }
0x11b: {  	v6 =	vadd.f32 v8, v6;
	_ =	sdelay $0x1  }
0x11c: {  	[tilespmem:$0x10000] =	vst v6  }
0x11d: {  	v8 =	vld.idx.msk [tilespmem:v2+s14+$0x0], $0xffff;
	_ =	sdelay $0x4  }
0x11e: {  	s26 =	sor.u32 $0x3, s28;
	v6 =	vadd.f32 v8, v6  }
0x11f: {  	s30 =	sshll.u32 s28, $0xB;
	s18 =	sshll.u32 s26, $0x4  }
0x120: {  	s17 =	simm.s32 $0x8000;
	s1 =	sand.u32 $0x70, s18;
	s15 =	sadd.s32 s3, s30;
	[tilespmem:$0x10000] =	vst v6  }
0x121: {  	v8 =	vld.idx.msk [tilespmem:v3+s14+$0x0], $0xffff;
	[hbm4b:s15+s4] =	stream.linear.scatter [tilespmem:s17], [sflag:$0x5], $0x4000, $0x38  }
0x122: {  	s1 =	sadd.s32 s1, s31;
	s24 =	simm.s32 $0x6000  }
0x123: {  	[tilespmem:s24], [sflag:$0x4] =	stream.strided.gather [hbm4b:s1+s10], $0x2000, s11, s10, $0x38;
	[tilespmem:$0x10080] =	vst v63  }
0x124: {  	_ =	swait.ge [sflag:s19], $0x2000  }
0x125: {  	[sflag:s19] =	ssyncset.done $0x0  }
0x126: {  	s1 =	simm.s32 @!p0 $0x6;
	v6 =	vadd.f32 v8, v6;
	[sflag:s19] =	ssyncadd.s32 $0xFFFFE000  }
0x127: {  	_ =	swait.ge @!p0 [sflag:s1], $0x4000  }
0x128: {  	v5 =	vadd.f32 v7, v5;
	v7 =	vmul.f32 $3.000000000e+00, v6;
	[sflag:s1] =	ssyncset.done @!p0 $0x0  }
0x129: {  	s7 =	simm.s32 $0x0;
	[sflag:s1] =	ssyncadd.s32 @!p0 $0xFFFFC000  }
0x12a: {  	v7 =	vadd.f32 v7, v5;
	v8 =	vld [tilespmem:s7+$0x2000]  }
0x12b: {  	v5 =	vsub.f32 v6, v5  }
0x12c: {  	vm12 =	vgt.f32 v7, $1.638400000e+04  }
0x12d: {  	vm13 =	vlt.f32 v5, $1.638400000e+04;
	vm0 =	vmneg vm12  }
0x12e: {  	vm0 =	vmand vm13, vm0  }
0x12f: {  	v5 =	vsel vm0, $0x0, v4;
	vm14 =	veq.f32 v8, $-1.000000000e+00  }
0x130: {  	v6 =	vsel vm14, v5, v8  }
0x131: {  	s5 =	simm.s32 $0xC080;
	v7 =	vsub.f32 $1.000000000e+00, v6  }
0x132: {  	[tilespmem:s5+$0x0] =	vst v6  }
0x133: {  	[tilespmem:s5+$0xFFFFFF80] =	vst v7  }
0x134: {  	v6 =	vld [tilespmem:s7+$0x2010];
	_ =	sdelay $0x4  }
0x135: {  	s1 =	simm.s32 $0x80;
	vm15 =	veq.f32 v6, $-1.000000000e+00  }
0x136: {  	v7 =	vld [tilespmem:s1+$0x2000];
	v6 =	vsel vm15, v5, v6  }
0x137: {  	v8 =	vsub.f32 $1.000000000e+00, v6  }
0x138: {  	v10 =	vld [tilespmem:s7+$0x4000];
	[tilespmem:s5+$0x10] =	vst v6  }
0x139: {  	[tilespmem:s5+$0xFFFFFF90] =	vst v8  }
0x13a: {  	v6 =	vld [tilespmem:s7+$0x2020]  }
0x13b: {  	vm4 =	veq.f32 v7, $-1.000000000e+00  }
0x13c: {  	v7 =	vsel vm4, v5, v7  }
0x13d: {  	s24 =	simm.s32 $0xC180;
	v8 =	vsub.f32 $1.000000000e+00, v7  }
0x13e: {  	[tilespmem:s24+$0x0] =	vst v7  }
0x13f: {  	[tilespmem:s24+$0xFFFFFF80] =	vst v8;
	vm5 =	veq.f32 v6, $-1.000000000e+00  }
0x140: {  	v7 =	vld [tilespmem:s1+$0x2010];
	v6 =	vsel vm5, v5, v6  }
0x141: {  	v8 =	vsub.f32 $1.000000000e+00, v6  }
0x142: {  	s2 =	simm.s32 $0x100;
	v12 =	vld [tilespmem:s7+$0x4010]  }
0x143: {  	[tilespmem:s5+$0xFFFFFFA0] =	vst v8;
	v8 =	vld [tilespmem:s2+$0x2000];
	_ =	sdelay $0x1  }
0x144: {  	[tilespmem:s5+$0x20] =	vst v6;
	vm6 =	veq.f32 v7, $-1.000000000e+00  }
0x145: {  	v7 =	vsel vm6, v5, v7;
	v6 =	vld [tilespmem:s7+$0x2030]  }
0x146: {  	v9 =	vsub.f32 $1.000000000e+00, v7  }
0x147: {  	s31 =	simm.s32 $0x180;
	v18 =	vld [tilespmem:s1+$0x4000];
	[tilespmem:s24+$0x10] =	vst v7;
	vm7 =	veq.f32 v8, $-1.000000000e+00  }
0x148: {  	[tilespmem:s24+$0xFFFFFF90] =	vst v9;
	v7 =	vsel vm7, v5, v8;
	v8 =	vld [tilespmem:s31+$0x2000]  }
0x149: {  	v9 =	vld [tilespmem:s1+$0x2020]  }
0x14a: {  	s6 =	simm.s32 $0xC280;
	vm8 =	veq.f32 v6, $-1.000000000e+00  }
0x14b: {  	v11 =	vsub.f32 $1.000000000e+00, v7;
	[tilespmem:s6+$0x0] =	vst v7;
	v6 =	vsel vm8, v5, v6  }
0x14c: {  	v22 =	vld [tilespmem:s7+$0x4020];
	v7 =	vsub.f32 $1.000000000e+00, v6;
	[tilespmem:s5+$0x30] =	vst v6  }
0x14d: {  	[tilespmem:s6+$0xFFFFFF80] =	vst v11;
	vm9 =	veq.f32 v8, $-1.000000000e+00  }
0x14e: {  	s9 =	simm.s32 $0xC380;
	vm10 =	veq.f32 v9, $-1.000000000e+00;
	v11 =	vld [tilespmem:s2+$0x2010];
	[tilespmem:s5+$0xFFFFFFB0] =	vst v7;
	v6 =	vsel vm9, v5, v8  }
0x14f: {  	v7 =	vld [tilespmem:s7+$0x2040];
	v8 =	vsel vm10, v5, v9;
	v9 =	vsub.f32 $1.000000000e+00, v6;
	[tilespmem:s9+$0x0] =	vst v6  }
0x150: {  	s12 =	simm.s32 $0x200;
	v16 =	vld [tilespmem:s1+$0x4010];
	v13 =	vsub.f32 $1.000000000e+00, v8;
	[tilespmem:s24+$0x20] =	vst v8  }
0x151: {  	v15 =	vld [tilespmem:s12+$0x2000];
	[tilespmem:s9+$0xFFFFFF80] =	vst v9  }
0x152: {  	[tilespmem:s24+$0xFFFFFFA0] =	vst v13;
	v9 =	vld [tilespmem:s31+$0x2010]  }
0x153: {  	vm11 =	veq.f32 v11, $-1.000000000e+00;
	v13 =	vld [tilespmem:s1+$0x2030]  }
0x154: {  	v6 =	vsel vm11, v5, v11;
	vm12 =	veq.f32 v7, $-1.000000000e+00  }
0x155: {  	v14 =	vld [tilespmem:s2+$0x4000];
	v11 =	vsub.f32 $1.000000000e+00, v6;
	[tilespmem:s6+$0x10] =	vst v6;
	v6 =	vsel vm12, v5, v7  }
0x156: {  	v8 =	vld [tilespmem:s7+$0x4030];
	v7 =	vsub.f32 $1.000000000e+00, v6;
	[tilespmem:s5+$0x40] =	vst v6  }
0x157: {  	vm15 =	veq.f32 v15, $-1.000000000e+00;
	[tilespmem:s6+$0xFFFFFF90] =	vst v11  }
0x158: {  	s13 =	simm.s32 $0xC480;
	v15 =	vsel vm15, v5, v15;
	v11 =	vld [tilespmem:s2+$0x2020];
	[tilespmem:s5+$0xFFFFFFC0] =	vst v7;
	vm13 =	veq.f32 v9, $-1.000000000e+00;
	vm14 =	veq.f32 v13, $-1.000000000e+00  }
0x159: {  	[tilespmem:s13+$0x0] =	vst v15;
	v7 =	vsel vm13, v5, v9;
	v9 =	vld [tilespmem:s7+$0x2050];
	v13 =	vsel vm14, v5, v13  }
0x15a: {  	v6 =	vld [tilespmem:s31+$0x4000];
	[tilespmem:s9+$0x10] =	vst v7;
	v19 =	vsub.f32 $1.000000000e+00, v13  }
0x15b: {  	v17 =	vsub.f32 $1.000000000e+00, v7;
	v7 =	vld [tilespmem:s1+$0x4020];
	[tilespmem:s24+$0x30] =	vst v13  }
0x15c: {  	v13 =	vld [tilespmem:s7+$0x4040];
	[tilespmem:s24+$0xFFFFFFB0] =	vst v19;
	v19 =	vsub.f32 $1.000000000e+00, v15  }
0x15d: {  	[tilespmem:s9+$0xFFFFFF90] =	vst v17;
	vm5 =	veq.f32 v11, $-1.000000000e+00;
	v21 =	vld [tilespmem:s1+$0x2040]  }
0x15e: {  	v17 =	vld [tilespmem:s2+$0x4010];
	v11 =	vsel vm5, v5, v11;
	vm4 =	veq.f32 v9, $-1.000000000e+00;
	[tilespmem:s13+$0xFFFFFF80] =	vst v19  }
0x15f: {  	v20 =	vsub.f32 $1.000000000e+00, v11;
	[tilespmem:s6+$0x20] =	vst v11;
	v9 =	vsel vm4, v5, v9;
	v19 =	vld [tilespmem:s12+$0x2010]  }
0x160: {  	v23 =	vld [tilespmem:s31+$0x2020];
	v15 =	vsub.f32 $1.000000000e+00, v9;
	[tilespmem:s5+$0x50] =	vst v9  }
0x161: {  	v24 =	vimm.f32 $0.0e+00;
	[tilespmem:s6+$0xFFFFFFA0] =	vst v20  }
0x162: {  	v27 =	vand.u32 $0x7FFFFFFF, v10;
	v10 =	vadd.f32 v10, v24;
	v28 =	vld [tilespmem:s2+$0x2030];
	[tilespmem:s5+$0xFFFFFFD0] =	vst v15;
	vm6 =	veq.f32 v21, $-1.000000000e+00  }
0x163: {  	v26 =	vld [tilespmem:s7+$0x2060];
	v21 =	vsel vm6, v5, v21  }
0x164: {  	v52 =	vadd.f32 v13, v10;
	v10 =	vld [tilespmem:s12+$0x4000];
	v31 =	vsub.f32 $1.000000000e+00, v21;
	vm8 =	veq.f32 v19, $-1.000000000e+00  }
0x165: {  	v29 =	vand.u32 $0x7FFFFFFF, v13;
	v9 =	vld [tilespmem:s1+$0x4030];
	vm7 =	veq.f32 v23, $-1.000000000e+00;
	[tilespmem:s24+$0x40] =	vst v21;
	v13 =	vsel vm8, v5, v19  }
0x166: {  	v27 =	vadd.f32 v27, v24;
	v15 =	vld [tilespmem:s31+$0x4010];
	v23 =	vsel vm7, v5, v23;
	[tilespmem:s24+$0xFFFFFFC0] =	vst v31;
	v19 =	vsub.f32 $1.000000000e+00, v13  }
0x167: {  	s15 =	simm.s32 $0x280;
	v30 =	vld [tilespmem:s7+$0x4050];
	[tilespmem:s13+$0x10] =	vst v13;
	v31 =	vsub.f32 $1.000000000e+00, v23  }
0x168: {  	v21 =	vadd.f32 v29, v27;
	v27 =	vld [tilespmem:s15+$0x2000];
	vm10 =	veq.f32 v28, $-1.000000000e+00;
	vm9 =	veq.f32 v26, $-1.000000000e+00;
	[tilespmem:s13+$0xFFFFFF90] =	vst v19  }
0x169: {  	v29 =	vld [tilespmem:s1+$0x2050];
	v19 =	vsel vm10, v5, v28;
	[tilespmem:s9+$0xFFFFFFA0] =	vst v31;
	v13 =	vsel vm9, v5, v26  }
0x16a: {  	v25 =	vand.u32 $0x7FFFFFFF, v12;
	v55 =	vadd.f32 v12, v24;
	v53 =	vld [tilespmem:s1+$0x4040];
	v56 =	vsub.f32 $1.000000000e+00, v19;
	[tilespmem:s5+$0x60] =	vst v13  }
0x16b: {  	v25 =	vadd.f32 v25, v24;
	v54 =	vand.u32 $0x7FFFFFFF, v18;
	v26 =	vsub.f32 $1.000000000e+00, v13;
	v13 =	vld [tilespmem:s2+$0x4020];
	[tilespmem:s6+$0x30] =	vst v19  }
0x16c: {  	v62 =	vadd.f32 v22, v24;
	v20 =	vand.u32 $0x7FFFFFFF, v16;
	v11 =	vand.u32 $0x7FFFFFFF, v17;
	v28 =	vld [tilespmem:s12+$0x2020];
	[tilespmem:s6+$0xFFFFFFB0] =	vst v56  }
0x16d: {  	v18 =	vadd.f32 v18, v52;
	v21 =	vadd.f32 v54, v21;
	vm11 =	veq.f32 v27, $-1.000000000e+00;
	[tilespmem:s5+$0xFFFFFFE0] =	vst v26;
	v31 =	vld [tilespmem:s2+$0x2040]  }
0x16e: {  	v12 =	vand.u32 $0x7FFFFFFF, v15;
	v57 =	vand.u32 $0x7FFFFFFF, v30;
	v19 =	vsel vm11, v5, v27;
	v58 =	vld [tilespmem:s7+$0x2070]  }
0x16f: {  	s18 =	simm.s32 $0xC580;
	[tilespmem:s9+$0x20] =	vst v23;
	v26 =	vadd.f32 v30, v55;
	v30 =	vadd.f32 v57, v25;
	vm12 =	veq.f32 v29, $-1.000000000e+00;
	v59 =	vld [tilespmem:s7+$0x4060]  }
0x170: {  	[tilespmem:s18+$0x0] =	vst v19;
	v25 =	vsub.f32 $1.000000000e+00, v19;
	v60 =	vand.u32 $0x7FFFFFFF, v53;
	v19 =	vsel vm12, v5, v29  }
0x171: {  	v32 =	vld [tilespmem:s31+$0x2030];
	v27 =	vadd.f32 v53, v18;
	v61 =	vsub.f32 $1.000000000e+00, v19;
	[tilespmem:s24+$0x50] =	vst v19;
	vm13 =	veq.f32 v28, $-1.000000000e+00  }
0x172: {  	v29 =	vand.u32 $0x7FFFFFFF, v22;
	v21 =	vadd.f32 v60, v21;
	[tilespmem:s18+$0xFFFFFF80] =	vst v25;
	v19 =	vld [tilespmem:s12+$0x4010];
	v33 =	vsel vm13, v5, v28  }
0x173: {  	v25 =	vadd.f32 v29, v24;
	v29 =	vld [tilespmem:s15+$0x2010];
	[tilespmem:s24+$0xFFFFFFD0] =	vst v61;
	v63 =	vsub.f32 $1.000000000e+00, v33;
	vm14 =	veq.f32 v58, $-1.000000000e+00  }
0x174: {  	v37 =	vld [tilespmem:s1+$0x2060];
	vm15 =	veq.f32 v31, $-1.000000000e+00;
	v22 =	vand.u32 $0x7FFFFFFF, v59;
	v23 =	vsel vm14, v5, v58  }
0x175: {  	v28 =	vld [tilespmem:s1+$0x4050];
	[tilespmem:s13+$0xFFFFFFA0] =	vst v63;
	v35 =	vsel vm15, v5, v31;
	v31 =	vadd.f32 v59, v62;
	v34 =	vsub.f32 $1.000000000e+00, v23  }
0x176: {  	s8 =	simm.s32 $0xC00;
	v18 =	vld [tilespmem:s2+$0x4030];
	v22 =	vadd.f32 v22, v25;
	v25 =	vand.u32 $0x7FFFFFFF, v14;
	[tilespmem:s5+$0x70] =	vst v23;
	v23 =	vimm.f32 $0.0e+00  }
.LBB2_7:
0x177: {  	s17 =	sshra.s32 s8, $0x2;
	p0 =	sne.s32 s8, $0x7E00;
	s8 =	sadd.s32 $0x200, s8;
	v36 =	vld [tilespmem:s15+$0x4000];
	v38 =	vand.u32 $0x7FFFFFFF, v19;
	v39 =	vsub.f32 $1.000000000e+00, v35;
	v40 =	vand.u32 $0x7FFFFFFF, v8;
	[tilespmem:s5+$0xFFFFFFF0] =	vst v34  }
0x178: {  	v30 =	vadd.f32 v20, v30;
	v24 =	vadd.f32 v8, v24;
	v20 =	vmovc v11;
	vm0 =	veq.f32 v29, $-1.000000000e+00;
	[tilespmem:s6+$0x40] =	vst v35;
	v34 =	vld [tilespmem:s7+$0x4070];
	s7 =	smov.u32 s1;
	s1 =	smov.u32 s2;
	s2 =	smov.u32 s31  }
0x179: {  	v43 =	vadd.f32 v16, v26;
	v11 =	vmovc v12;
	s31 =	smov.u32 s12;
	s12 =	smov.u32 s15;
	s15 =	smov.u32 s17;
	v35 =	vld [tilespmem:s17+$0x2000];
	v42 =	vsel vm0, v5, v29;
	[tilespmem:s6+$0xFFFFFFC0] =	vst v39;
	vm0 =	veq.f32 v37, $-1.000000000e+00  }
0x17a: {  	v8 =	vmovc v9;
	s5 =	smov.u32 s24;
	s24 =	smov.u32 s6;
	v12 =	vmovc v38;
	s6 =	smov.u32 s9;
	v29 =	vsub.f32 $1.000000000e+00, v42;
	[tilespmem:s18+$0x10] =	vst v42;
	v39 =	vld [tilespmem:s1+$0x2050];
	v41 =	vand.u32 $0x7FFFFFFF, v28;
	v37 =	vsel vm0, v5, v37  }
0x17b: {  	v9 =	vmovc v18;
	v16 =	vmovc v17;
	s9 =	smov.u32 s13;
	s13 =	smov.u32 s18;
	v26 =	vadd.f32 v28, v43;
	vm0 =	veq.f32 v32, $-1.000000000e+00;
	v38 =	vld [tilespmem:s1+$0x4040];
	v28 =	vsub.f32 $1.000000000e+00, v37;
	[tilespmem:s5+$0x60] =	vst v37  }
0x17c: {  	v23 =	vadd.f32 v40, v23;
	v30 =	vadd.f32 v41, v30;
	[tilespmem:s18+$0xFFFFFF90] =	vst v29;
	v42 =	vld [tilespmem:s2+$0x4020];
	v18 =	vsel vm0, v5, v32  }
0x17d: {  	v17 =	vmovc v15;
	v15 =	vmovc v19;
	v32 =	vld [tilespmem:s12+$0x2020];
	v29 =	vsub.f32 $1.000000000e+00, v18;
	[tilespmem:s5+$0xFFFFFFE0] =	vst v28;
	v24 =	vadd.f32 v34, v24;
	v28 =	vand.u32 $0x7FFFFFFF, v34  }
0x17e: {  	v19 =	vadd.f32 v14, v27;
	v14 =	vmovc v6;
	s18 =	sadd.s32 $0x100, s18;
	vm0 =	veq.f32 v35, $-1.000000000e+00;
	[tilespmem:s6+$0x30] =	vst v18;
	v34 =	vld [tilespmem:s7+$0x2070];
	v23 =	vadd.f32 v28, v23  }
0x17f: {  	v21 =	vadd.f32 v25, v21;
	v6 =	vmovc v10;
	v18 =	vsel vm0, v5, v35;
	[tilespmem:s6+$0xFFFFFFB0] =	vst v29;
	vm0 =	veq.f32 v39, $-1.000000000e+00;
	v40 =	vld [tilespmem:s7+$0x4060]  }
0x180: {  	v10 =	vmovc v36;
	v25 =	vsub.f32 $1.000000000e+00, v18;
	[tilespmem:s18+$0x0] =	vst v18;
	v35 =	vld [tilespmem:s2+$0x2040];
	v28 =	vand.u32 $0x7FFFFFFF, v38;
	v29 =	vsel vm0, v5, v39  }
0x181: {  	v27 =	vadd.f32 v38, v19;
	v18 =	vld [tilespmem:s2+$0x4030];
	v36 =	vsub.f32 $1.000000000e+00, v29;
	[tilespmem:s24+$0x50] =	vst v29;
	v29 =	vand.u32 $0x7FFFFFFF, v7  }
.Ltmp2:
0x182: {  	v21 =	vadd.f32 v28, v21;
	[tilespmem:s18+$0xFFFFFF80] =	vst v25;
	v19 =	vld [tilespmem:s12+$0x4010];
	vm0 =	veq.f32 v32, $-1.000000000e+00;
	v22 =	vadd.f32 v29, v22;
	(pc) =	sbr.rel @p0 .LBB2_7-.Ltmp2, $4  }
0x183: {  	v31 =	vadd.f32 v7, v31;
	v7 =	vmovc v13;
	v29 =	vld [tilespmem:s15+$0x2010];
	v25 =	vsel vm0, v5, v32;
	[tilespmem:s24+$0xFFFFFFD0] =	vst v36;
	vm0 =	veq.f32 v34, $-1.000000000e+00  }
0x184: {  	v13 =	vmovc v42;
	v32 =	vsub.f32 $1.000000000e+00, v25;
	[tilespmem:s9+$0x20] =	vst v33;
	v37 =	vld [tilespmem:s1+$0x2060];
	v36 =	vand.u32 $0x7FFFFFFF, v40;
	v38 =	vsel vm0, v5, v34;
	v33 =	vmovc v25  }
0x185: {  	vm0 =	veq.f32 v35, $-1.000000000e+00;
	v28 =	vld [tilespmem:s1+$0x4050];
	v22 =	vadd.f32 v36, v22;
	v34 =	vsub.f32 $1.000000000e+00, v38;
	[tilespmem:s5+$0x70] =	vst v38  }
0x186: {  	v25 =	vand.u32 $0x7FFFFFFF, v14;
	v31 =	vadd.f32 v40, v31;
	[tilespmem:s13+$0xFFFFFFA0] =	vst v32;
	v32 =	vld [tilespmem:s31+$0x2030];
	v35 =	vsel vm0, v5, v35  }
0x187: {  	_ = 	snop  }
0x188: {  	vm0 =	veq.f32 v29, $-1.000000000e+00  }
0x189: {  	v36 =	vsel vm0, v5, v29  }
0x18a: {  	v38 =	vsub.f32 $1.000000000e+00, v36  }
0x18b: {  	v29 =	vld [tilespmem:s15+$0x4000];
	[tilespmem:s18+$0x10] =	vst v36  }
0x18c: {  	[tilespmem:s18+$0xFFFFFF90] =	vst v38  }
0x18d: {  	v36 =	vld [tilespmem:s15+$0x2020];
	_ =	sdelay $0x1  }
0x18e: {  	[tilespmem:s13+$0x20] =	vst v33;
	vm4 =	veq.f32 v32, $-1.000000000e+00  }
0x18f: {  	v50 =	vld [tilespmem:s12+$0x2030];
	v48 =	vsel vm4, v5, v32  }
0x190: {  	v39 =	vsub.f32 $1.000000000e+00, v48  }
0x191: {  	v32 =	vld [tilespmem:s31+$0x4020];
	[tilespmem:s9+$0x30] =	vst v48;
	vm5 =	veq.f32 v36, $-1.000000000e+00  }
0x192: {  	[tilespmem:s9+$0xFFFFFFB0] =	vst v39;
	v40 =	vsel vm5, v5, v36  }
0x193: {  	v39 =	vld [tilespmem:s31+$0x2040];
	v49 =	vsub.f32 $1.000000000e+00, v40  }
0x194: {  	vm6 =	veq.f32 v50, $-1.000000000e+00;
	v36 =	vld [tilespmem:s15+$0x4010];
	[tilespmem:s18+$0x20] =	vst v40  }
0x195: {  	v52 =	vsel vm6, v5, v50;
	[tilespmem:s18+$0xFFFFFFA0] =	vst v49  }
0x196: {  	[tilespmem:s5+$0xFFFFFFF0] =	vst v34;
	v38 =	vsub.f32 $1.000000000e+00, v52;
	v40 =	vld [tilespmem:s15+$0x2030]  }
0x197: {  	v33 =	vld [tilespmem:s12+$0x4020];
	[tilespmem:s13+$0x30] =	vst v52  }
0x198: {  	v51 =	vsub.f32 $1.000000000e+00, v35;
	[tilespmem:s13+$0xFFFFFFB0] =	vst v38  }
0x199: {  	[tilespmem:s6+$0x40] =	vst v35;
	vm9 =	veq.f32 v37, $-1.000000000e+00;
	v38 =	vld [tilespmem:s12+$0x2040];
	vm7 =	veq.f32 v39, $-1.000000000e+00  }
0x19a: {  	[tilespmem:s6+$0xFFFFFFC0] =	vst v51;
	v37 =	vsel vm9, v5, v37;
	v39 =	vsel vm7, v5, v39  }
0x19b: {  	v41 =	vld [tilespmem:s2+$0x2050];
	[tilespmem:s24+$0x60] =	vst v37;
	v53 =	vsub.f32 $1.000000000e+00, v39;
	vm8 =	veq.f32 v40, $-1.000000000e+00  }
0x19c: {  	v35 =	vld [tilespmem:s31+$0x4030];
	[tilespmem:s9+$0x40] =	vst v39;
	v54 =	vsel vm8, v5, v40  }
0x19d: {  	v34 =	vld [tilespmem:s15+$0x4020];
	[tilespmem:s9+$0xFFFFFFC0] =	vst v53;
	v40 =	vsub.f32 $1.000000000e+00, v54  }
0x19e: {  	v55 =	vsub.f32 $1.000000000e+00, v37;
	vm11 =	veq.f32 v38, $-1.000000000e+00;
	v42 =	vld [tilespmem:s31+$0x2050];
	[tilespmem:s18+$0x30] =	vst v54  }
0x19f: {  	v59 =	vsel vm11, v5, v38;
	[tilespmem:s18+$0xFFFFFFB0] =	vst v40  }
0x1a0: {  	[tilespmem:s24+$0xFFFFFFE0] =	vst v55;
	vm10 =	veq.f32 v41, $-1.000000000e+00;
	v44 =	vsub.f32 $1.000000000e+00, v59;
	v57 =	vld [tilespmem:s15+$0x2040]  }
0x1a1: {  	v56 =	vsel vm10, v5, v41;
	v38 =	vld [tilespmem:s12+$0x4030];
	[tilespmem:s13+$0x40] =	vst v59  }
0x1a2: {  	v43 =	vld [tilespmem:s1+$0x2070];
	v58 =	vsub.f32 $1.000000000e+00, v56;
	[tilespmem:s13+$0xFFFFFFC0] =	vst v44  }
0x1a3: {  	vm12 =	veq.f32 v42, $-1.000000000e+00;
	v40 =	vld [tilespmem:s2+$0x4040];
	[tilespmem:s6+$0x50] =	vst v56  }
0x1a4: {  	v61 =	vld [tilespmem:s12+$0x2050];
	[tilespmem:s6+$0xFFFFFFD0] =	vst v58;
	v42 =	vsel vm12, v5, v42  }
0x1a5: {  	v45 =	vld [tilespmem:s2+$0x2060];
	v60 =	vsub.f32 $1.000000000e+00, v42;
	vm13 =	veq.f32 v57, $-1.000000000e+00  }
0x1a6: {  	v39 =	vld [tilespmem:s31+$0x4040];
	[tilespmem:s9+$0x50] =	vst v42;
	v41 =	vsel vm13, v5, v57  }
0x1a7: {  	v37 =	vld [tilespmem:s15+$0x4030];
	[tilespmem:s9+$0xFFFFFFD0] =	vst v60;
	v46 =	vsub.f32 $1.000000000e+00, v41  }
0x1a8: {  	v47 =	vld [tilespmem:s31+$0x2060];
	[tilespmem:s18+$0x40] =	vst v41  }
0x1a9: {  	vm14 =	veq.f32 v43, $-1.000000000e+00;
	[tilespmem:s18+$0xFFFFFFC0] =	vst v46  }
0x1aa: {  	v43 =	vsel vm14, v5, v43;
	vm4 =	veq.f32 v61, $-1.000000000e+00;
	vm15 =	veq.f32 v45, $-1.000000000e+00;
	v46 =	vld [tilespmem:s15+$0x2050]  }
0x1ab: {  	v44 =	vld [tilespmem:s1+$0x4060];
	[tilespmem:s24+$0x70] =	vst v43;
	v53 =	vsel vm4, v5, v61;
	v63 =	vsel vm15, v5, v45  }
0x1ac: {  	v42 =	vld [tilespmem:s12+$0x4040];
	[tilespmem:s13+$0x50] =	vst v53;
	v52 =	vsub.f32 $1.000000000e+00, v63  }
0x1ad: {  	v54 =	vsub.f32 $1.000000000e+00, v53;
	v45 =	vld [tilespmem:s2+$0x4050];
	[tilespmem:s6+$0x60] =	vst v63;
	vm5 =	veq.f32 v47, $-1.000000000e+00  }
0x1ae: {  	v62 =	vsub.f32 $1.000000000e+00, v43;
	v43 =	vld [tilespmem:s31+$0x4050];
	[tilespmem:s6+$0xFFFFFFE0] =	vst v52;
	v47 =	vsel vm5, v5, v47  }
0x1af: {  	[tilespmem:s13+$0xFFFFFFD0] =	vst v54;
	v49 =	vld [tilespmem:s2+$0x2070];
	v50 =	vsub.f32 $1.000000000e+00, v47;
	vm6 =	veq.f32 v46, $-1.000000000e+00  }
0x1b0: {  	v55 =	vld [tilespmem:s12+$0x2060];
	[tilespmem:s9+$0x60] =	vst v47;
	v46 =	vsel vm6, v5, v46  }
0x1b1: {  	v48 =	vld [tilespmem:s7+$0x4070];
	[tilespmem:s9+$0xFFFFFFE0] =	vst v50;
	v57 =	vsub.f32 $1.000000000e+00, v46  }
0x1b2: {  	v16 =	vadd.f32 v16, v26;
	v20 =	vadd.f32 v20, v30;
	v56 =	vld [tilespmem:s15+$0x4040];
	[tilespmem:s18+$0x50] =	vst v46  }
0x1b3: {  	v24 =	vadd.f32 v8, v24;
	v14 =	vadd.f32 v14, v27;
	v8 =	vand.u32 $0x7FFFFFFF, v8;
	v30 =	vld [tilespmem:s31+$0x2070];
	[tilespmem:s18+$0xFFFFFFD0] =	vst v57  }
0x1b4: {  	v31 =	vadd.f32 v7, v31;
	v8 =	vadd.f32 v8, v23;
	vm7 =	veq.f32 v49, $-1.000000000e+00;
	v46 =	vld [tilespmem:s15+$0x2060]  }
0x1b5: {  	v16 =	vadd.f32 v28, v16;
	[tilespmem:s24+$0xFFFFFFF0] =	vst v62;
	vm8 =	veq.f32 v55, $-1.000000000e+00;
	v27 =	vsel vm7, v5, v49  }
0x1b6: {  	v24 =	vadd.f32 v48, v24;
	v58 =	vld [tilespmem:s2+$0x4060];
	v59 =	vsub.f32 $1.000000000e+00, v27;
	[tilespmem:s6+$0x70] =	vst v27;
	v27 =	vsel vm8, v5, v55  }
0x1b7: {  	v16 =	vadd.f32 v17, v16;
	v26 =	vld [tilespmem:s1+$0x4070];
	v47 =	vsub.f32 $1.000000000e+00, v27  }
0x1b8: {  	v24 =	vadd.f32 v9, v24;
	v31 =	vadd.f32 v44, v31;
	v17 =	vld [tilespmem:s12+$0x4050];
	[tilespmem:s13+$0x60] =	vst v27  }
0x1b9: {  	v14 =	vadd.f32 v40, v14;
	v27 =	vld [tilespmem:s31+$0x4060];
	vm9 =	veq.f32 v30, $-1.000000000e+00;
	[tilespmem:s13+$0xFFFFFFE0] =	vst v47;
	vm1 =	veq.f32 v46, $-1.000000000e+00  }
0x1ba: {  	v31 =	vadd.f32 v13, v31;
	[tilespmem:s6+$0xFFFFFFF0] =	vst v59;
	v30 =	vsel vm9, v5, v30;
	v47 =	vld [tilespmem:s12+$0x2070];
	v46 =	vsel vm1, v5, v46  }
0x1bb: {  	v14 =	vadd.f32 v6, v14;
	v50 =	vld [tilespmem:s2+$0x4070];
	[tilespmem:s9+$0x70] =	vst v30;
	v52 =	vsub.f32 $1.000000000e+00, v46  }
0x1bc: {  	v16 =	vadd.f32 v45, v16;
	v51 =	vld [tilespmem:s15+$0x4050];
	v30 =	vsub.f32 $1.000000000e+00, v30;
	[tilespmem:s18+$0x60] =	vst v46  }
0x1bd: {  	v24 =	vadd.f32 v26, v24;
	v14 =	vadd.f32 v39, v14;
	[tilespmem:s18+$0xFFFFFFE0] =	vst v52  }
0x1be: {  	v15 =	vadd.f32 v15, v16;
	v16 =	vadd.f32 v58, v31;
	[tilespmem:s9+$0xFFFFFFF0] =	vst v30;
	v30 =	vld [tilespmem:s15+$0x2070]  }
0x1bf: {  	v24 =	vadd.f32 v18, v24;
	v14 =	vadd.f32 v10, v14;
	vm10 =	veq.f32 v47, $-1.000000000e+00  }
0x1c0: {  	v15 =	vadd.f32 v43, v15;
	v16 =	vadd.f32 v32, v16;
	v31 =	vld [tilespmem:s31+$0x4070];
	v60 =	vsel vm10, v5, v47  }
0x1c1: {  	v24 =	vadd.f32 v50, v24;
	v62 =	vsub.f32 $1.000000000e+00, v60  }
0x1c2: {  	v15 =	vadd.f32 v19, v15;
	v61 =	vld [tilespmem:s12+$0x4060];
	v16 =	vadd.f32 v27, v16;
	[tilespmem:s13+$0x70] =	vst v60  }
0x1c3: {  	v14 =	vadd.f32 v42, v14;
	v24 =	vadd.f32 v35, v24;
	[tilespmem:s13+$0xFFFFFFF0] =	vst v62;
	vm11 =	veq.f32 v30, $-1.000000000e+00  }
0x1c4: {  	v15 =	vadd.f32 v17, v15;
	v16 =	vadd.f32 v33, v16;
	v46 =	vld [tilespmem:s12+$0x4070];
	v5 =	vsel vm11, v5, v30  }
0x1c5: {  	v24 =	vadd.f32 v31, v24;
	v63 =	vsub.f32 $1.000000000e+00, v5  }
0x1c6: {  	v14 =	vadd.f32 v29, v14;
	v15 =	vadd.f32 v36, v15;
	v30 =	vld [tilespmem:s15+$0x4060];
	[tilespmem:s18+$0x70] =	vst v5  }
0x1c7: {  	v5 =	vadd.f32 v61, v16;
	v16 =	vadd.f32 v38, v24;
	[tilespmem:s18+$0xFFFFFFF0] =	vst v63  }
0x1c8: {  	v14 =	vadd.f32 v56, v14;
	v15 =	vadd.f32 v51, v15;
	v24 =	vand.u32 $0x7FFFFFFF, v28;
	v28 =	vld [tilespmem:s15+$0x4070]  }
0x1c9: {  	v7 =	vand.u32 $0x7FFFFFFF, v7;
	v5 =	vadd.f32 v34, v5;
	v16 =	vadd.f32 v46, v16  }
0x1ca: {  	v7 =	vadd.f32 v7, v22;
	v14 =	vadd.f32 v15, v14  }
0x1cb: {  	v9 =	vand.u32 $0x7FFFFFFF, v9;
	v5 =	vadd.f32 v30, v5;
	v15 =	vadd.f32 v37, v16  }
0x1cc: {  	v6 =	vand.u32 $0x7FFFFFFF, v6;
	v20 =	vadd.f32 v24, v20;
	v16 =	vadd.f32 v25, v21  }
0x1cd: {  	v5 =	vadd.f32 v5, v14;
	v14 =	vand.u32 $0x7FFFFFFF, v48;
	v15 =	vadd.f32 v28, v15  }
0x1ce: {  	v11 =	vadd.f32 v11, v20;
	v8 =	vadd.f32 v14, v8;
	v14 =	vand.u32 $0x7FFFFFFF, v40  }
0x1cf: {  	v14 =	vadd.f32 v14, v16;
	v16 =	vand.u32 $0x7FFFFFFF, v45;
	v5 =	vadd.f32 v15, v5  }
0x1d0: {  	v11 =	vadd.f32 v16, v11;
	v8 =	vadd.f32 v9, v8;
	v15 =	vand.u32 $0x7FFFFFFF, v44  }
0x1d1: {  	v9 =	vand.u32 $0x7FFFFFFF, v13;
	v16 =	vand.u32 $0x7FFFFFFF, v26;
	v7 =	vadd.f32 v15, v7;
	[tilespmem:$0x10000] =	vst v5  }
0x1d2: {  	v6 =	vadd.f32 v6, v14;
	v14 =	vand.u32 $0x7FFFFFFF, v58;
	v15 =	vand.u32 $0x7FFFFFFF, v19;
	v13 =	vld.idx.msk [tilespmem:v0+s14+$0x0], $0xffff  }
0x1d3: {  	v8 =	vadd.f32 v16, v8;
	v7 =	vadd.f32 v9, v7;
	v9 =	vand.u32 $0x7FFFFFFF, v39  }
0x1d4: {  	v11 =	vadd.f32 v12, v11;
	v12 =	vand.u32 $0x7FFFFFFF, v43;
	v6 =	vadd.f32 v9, v6  }
0x1d5: {  	v9 =	vand.u32 $0x7FFFFFFF, v10;
	v10 =	vand.u32 $0x7FFFFFFF, v18;
	v7 =	vadd.f32 v14, v7  }
0x1d6: {  	v16 =	vand.u32 $0x7FFFFFFF, v36;
	v8 =	vadd.f32 v10, v8;
	v10 =	vadd.f32 v12, v11  }
0x1d7: {  	v11 =	vand.u32 $0x7FFFFFFF, v50;
	v12 =	vand.u32 $0x7FFFFFFF, v27;
	v5 =	vadd.f32 v13, v5  }
0x1d8: {  	v6 =	vadd.f32 v9, v6;
	v8 =	vadd.f32 v11, v8;
	v11 =	vand.u32 $0x7FFFFFFF, v32  }
0x1d9: {  	v9 =	vand.u32 $0x7FFFFFFF, v42;
	v10 =	vadd.f32 v15, v10;
	v7 =	vadd.f32 v11, v7;
	[tilespmem:$0x10000] =	vst v5  }
0x1da: {  	v6 =	vadd.f32 v9, v6;
	v9 =	vand.u32 $0x7FFFFFFF, v35;
	v13 =	vand.u32 $0x7FFFFFFF, v29;
	v11 =	vld.idx.msk [tilespmem:v1+s14+$0x0], $0xffff  }
0x1db: {  	v8 =	vadd.f32 v9, v8;
	v9 =	vand.u32 $0x7FFFFFFF, v17;
	v7 =	vadd.f32 v12, v7  }
0x1dc: {  	v12 =	vand.u32 $0x7FFFFFFF, v31;
	v9 =	vadd.f32 v9, v10;
	v6 =	vadd.f32 v13, v6  }
0x1dd: {  	v10 =	vand.u32 $0x7FFFFFFF, v56;
	v8 =	vadd.f32 v12, v8;
	v12 =	vand.u32 $0x7FFFFFFF, v33  }
0x1de: {  	v7 =	vadd.f32 v12, v7;
	v12 =	vand.u32 $0x7FFFFFFF, v38;
	v6 =	vadd.f32 v10, v6  }
0x1df: {  	v10 =	vand.u32 $0x7FFFFFFF, v61;
	v8 =	vadd.f32 v12, v8;
	v5 =	vadd.f32 v11, v5  }
0x1e0: {  	v9 =	vadd.f32 v16, v9;
	v7 =	vadd.f32 v10, v7;
	v10 =	vand.u32 $0x7FFFFFFF, v46  }
0x1e1: {  	v8 =	vadd.f32 v10, v8;
	v10 =	vand.u32 $0x7FFFFFFF, v34;
	v11 =	vand.u32 $0x7FFFFFFF, v51;
	[tilespmem:$0x10000] =	vst v5  }
0x1e2: {  	v7 =	vadd.f32 v10, v7;
	v10 =	vand.u32 $0x7FFFFFFF, v37;
	v9 =	vadd.f32 v11, v9;
	v12 =	vld.idx.msk [tilespmem:v2+s14+$0x0], $0xffff  }
0x1e3: {  	v11 =	vand.u32 $0x7FFFFFFF, v30;
	v8 =	vadd.f32 v10, v8  }
0x1e4: {  	v7 =	vadd.f32 v11, v7;
	v6 =	vadd.f32 v9, v6  }
0x1e5: {  	v10 =	vand.u32 $0x7FFFFFFF, v28  }
0x1e6: {  	v8 =	vadd.f32 v10, v8;
	v6 =	vadd.f32 v7, v6  }
0x1e7: {  	v5 =	vadd.f32 v12, v5  }
0x1e8: {  	v6 =	vadd.f32 v8, v6  }
0x1e9: {  	[tilespmem:$0x10000] =	vst v5  }
0x1ea: {  	v7 =	vld.idx.msk [tilespmem:v3+s14+$0x0], $0xffff;
	[tilespmem:$0x10000] =	vst v6  }
0x1eb: {  	v8 =	vld.idx.msk [tilespmem:v0+s14+$0x0], $0xffff;
	_ =	sdelay $0x4  }
0x1ec: {  	v6 =	vadd.f32 v8, v6;
	_ =	sdelay $0x1  }
0x1ed: {  	[tilespmem:$0x10000] =	vst v6  }
0x1ee: {  	v8 =	vld.idx.msk [tilespmem:v1+s14+$0x0], $0xffff;
	_ =	sdelay $0x4  }
0x1ef: {  	v6 =	vadd.f32 v8, v6;
	_ =	sdelay $0x1  }
0x1f0: {  	[tilespmem:$0x10000] =	vst v6  }
0x1f1: {  	v8 =	vld.idx.msk [tilespmem:v2+s14+$0x0], $0xffff;
	_ =	sdelay $0x4  }
0x1f2: {  	v6 =	vadd.f32 v8, v6  }
0x1f3: {  	s31 =	rddreg [dreg:$0x6]  }
0x1f4: {  	p0 =	seq.s32 s25, $0x7;
	s1 =	sadd.s32 s30, s31;
	[tilespmem:$0x10000] =	vst v6  }
0x1f5: {  	v8 =	vld.idx.msk [tilespmem:v3+s14+$0x0], $0xffff;
	[hbm4b:s1+s4] =	stream.linear.scatter [tilespmem:s20], [sflag:$0x6], $0x4000, $0x38  }
0x1f6: {  	s1 =	sadd.s32 @!p0 $0x4, s28  }
0x1f7: {  	s2 =	sshll.u32 @!p0 s1, $0x4  }
0x1f8: {  	s1 =	sshll.u32 @!p0 s1, $0xA;
	s2 =	sand.u32 @!p0 $0x40, s2  }
0x1f9: {  	s5 =	simm.s32 @!p0 $0x400;
	s1 =	sand.u32 @!p0 $0xFFFE000, s1;
	s2 =	sadd.s32 @!p0 s0, s2  }
0x1fa: {  	s6 =	simm.s32 @!p0 $0x0;
	s1 =	sadd.s32 @!p0 s1, s2;
	s2 =	simm.s32 @!p0 $0x80  }
0x1fb: {  	[tilespmem:s6], [sflag:$0x1] =	stream.strided.gather @!p0 [hbm4b:s1+s2], $0x2000, s5, s2, $0x38;
	[tilespmem:$0x10080] =	vst v63  }
0x1fc: {  	_ =	swait.ge [sflag:s21], $0x2000  }
0x1fd: {  	[sflag:s21] =	ssyncset.done $0x0  }
0x1fe: {  	v6 =	vadd.f32 v8, v6;
	[sflag:s21] =	ssyncadd.s32 $0xFFFFE000  }
0x1ff: {  	_ =	swait.ge [sflag:s22], $0x4000  }
0x200: {  	v5 =	vadd.f32 v7, v5;
	v7 =	vmul.f32 $3.000000000e+00, v6;
	[sflag:s22] =	ssyncset.done $0x0  }
0x201: {  	s7 =	simm.s32 $0x0;
	[sflag:s22] =	ssyncadd.s32 $0xFFFFC000  }
0x202: {  	v7 =	vadd.f32 v7, v5;
	v8 =	vld [tilespmem:s7+$0x4000]  }
0x203: {  	v5 =	vsub.f32 v6, v5  }
0x204: {  	vm12 =	vgt.f32 v7, $1.638400000e+04  }
0x205: {  	vm13 =	vlt.f32 v5, $1.638400000e+04;
	vm0 =	vmneg vm12  }
0x206: {  	vm0 =	vmand vm13, vm0  }
0x207: {  	v5 =	vsel vm0, $0x0, v4;
	vm14 =	veq.f32 v8, $-1.000000000e+00  }
0x208: {  	v6 =	vsel vm14, v5, v8  }
0x209: {  	s5 =	simm.s32 $0x8080;
	v7 =	vsub.f32 $1.000000000e+00, v6  }
0x20a: {  	[tilespmem:s5+$0x0] =	vst v6  }
0x20b: {  	[tilespmem:s5+$0xFFFFFF80] =	vst v7  }
0x20c: {  	v6 =	vld [tilespmem:s7+$0x4010];
	_ =	sdelay $0x4  }
0x20d: {  	s1 =	simm.s32 $0x80;
	vm15 =	veq.f32 v6, $-1.000000000e+00  }
0x20e: {  	v7 =	vld [tilespmem:s1+$0x4000];
	v6 =	vsel vm15, v5, v6  }
0x20f: {  	v8 =	vsub.f32 $1.000000000e+00, v6  }
0x210: {  	v10 =	vld [tilespmem:s7+$0x6000];
	[tilespmem:s5+$0x10] =	vst v6  }
0x211: {  	[tilespmem:s5+$0xFFFFFF90] =	vst v8  }
0x212: {  	v6 =	vld [tilespmem:s7+$0x4020]  }
0x213: {  	vm4 =	veq.f32 v7, $-1.000000000e+00  }
0x214: {  	v7 =	vsel vm4, v5, v7  }
0x215: {  	s24 =	simm.s32 $0x8180;
	v8 =	vsub.f32 $1.000000000e+00, v7  }
0x216: {  	[tilespmem:s24+$0x0] =	vst v7  }
0x217: {  	[tilespmem:s24+$0xFFFFFF80] =	vst v8;
	vm5 =	veq.f32 v6, $-1.000000000e+00  }
0x218: {  	v7 =	vld [tilespmem:s1+$0x4010];
	v6 =	vsel vm5, v5, v6  }
0x219: {  	v8 =	vsub.f32 $1.000000000e+00, v6  }
0x21a: {  	s2 =	simm.s32 $0x100;
	v12 =	vld [tilespmem:s7+$0x6010]  }
0x21b: {  	[tilespmem:s5+$0xFFFFFFA0] =	vst v8;
	v8 =	vld [tilespmem:s2+$0x4000];
	_ =	sdelay $0x1  }
0x21c: {  	[tilespmem:s5+$0x20] =	vst v6;
	vm6 =	veq.f32 v7, $-1.000000000e+00  }
0x21d: {  	v7 =	vsel vm6, v5, v7;
	v6 =	vld [tilespmem:s7+$0x4030]  }
0x21e: {  	v9 =	vsub.f32 $1.000000000e+00, v7  }
0x21f: {  	s30 =	simm.s32 $0x180;
	v18 =	vld [tilespmem:s1+$0x6000];
	[tilespmem:s24+$0x10] =	vst v7;
	vm7 =	veq.f32 v8, $-1.000000000e+00  }
0x220: {  	[tilespmem:s24+$0xFFFFFF90] =	vst v9;
	v7 =	vsel vm7, v5, v8;
	v8 =	vld [tilespmem:s30+$0x4000]  }
0x221: {  	v9 =	vld [tilespmem:s1+$0x4020]  }
0x222: {  	s6 =	simm.s32 $0x8280;
	vm8 =	veq.f32 v6, $-1.000000000e+00  }
0x223: {  	v11 =	vsub.f32 $1.000000000e+00, v7;
	[tilespmem:s6+$0x0] =	vst v7;
	v6 =	vsel vm8, v5, v6  }
0x224: {  	v22 =	vld [tilespmem:s7+$0x6020];
	v7 =	vsub.f32 $1.000000000e+00, v6;
	[tilespmem:s5+$0x30] =	vst v6  }
0x225: {  	[tilespmem:s6+$0xFFFFFF80] =	vst v11;
	vm9 =	veq.f32 v8, $-1.000000000e+00  }
0x226: {  	s9 =	simm.s32 $0x8380;
	vm10 =	veq.f32 v9, $-1.000000000e+00;
	v11 =	vld [tilespmem:s2+$0x4010];
	[tilespmem:s5+$0xFFFFFFB0] =	vst v7;
	v6 =	vsel vm9, v5, v8  }
0x227: {  	v7 =	vld [tilespmem:s7+$0x4040];
	v8 =	vsel vm10, v5, v9;
	v9 =	vsub.f32 $1.000000000e+00, v6;
	[tilespmem:s9+$0x0] =	vst v6  }
0x228: {  	s12 =	simm.s32 $0x200;
	v16 =	vld [tilespmem:s1+$0x6010];
	v13 =	vsub.f32 $1.000000000e+00, v8;
	[tilespmem:s24+$0x20] =	vst v8  }
0x229: {  	v15 =	vld [tilespmem:s12+$0x4000];
	[tilespmem:s9+$0xFFFFFF80] =	vst v9  }
0x22a: {  	[tilespmem:s24+$0xFFFFFFA0] =	vst v13;
	v9 =	vld [tilespmem:s30+$0x4010]  }
0x22b: {  	vm11 =	veq.f32 v11, $-1.000000000e+00;
	v13 =	vld [tilespmem:s1+$0x4030]  }
0x22c: {  	v6 =	vsel vm11, v5, v11;
	vm12 =	veq.f32 v7, $-1.000000000e+00  }
0x22d: {  	v14 =	vld [tilespmem:s2+$0x6000];
	v11 =	vsub.f32 $1.000000000e+00, v6;
	[tilespmem:s6+$0x10] =	vst v6;
	v6 =	vsel vm12, v5, v7  }
0x22e: {  	v8 =	vld [tilespmem:s7+$0x6030];
	v7 =	vsub.f32 $1.000000000e+00, v6;
	[tilespmem:s5+$0x40] =	vst v6  }
0x22f: {  	vm15 =	veq.f32 v15, $-1.000000000e+00;
	[tilespmem:s6+$0xFFFFFF90] =	vst v11  }
0x230: {  	s13 =	simm.s32 $0x8480;
	v15 =	vsel vm15, v5, v15;
	v11 =	vld [tilespmem:s2+$0x4020];
	[tilespmem:s5+$0xFFFFFFC0] =	vst v7;
	vm13 =	veq.f32 v9, $-1.000000000e+00;
	vm14 =	veq.f32 v13, $-1.000000000e+00  }
0x231: {  	[tilespmem:s13+$0x0] =	vst v15;
	v7 =	vsel vm13, v5, v9;
	v9 =	vld [tilespmem:s7+$0x4050];
	v13 =	vsel vm14, v5, v13  }
0x232: {  	v6 =	vld [tilespmem:s30+$0x6000];
	[tilespmem:s9+$0x10] =	vst v7;
	v19 =	vsub.f32 $1.000000000e+00, v13  }
0x233: {  	v17 =	vsub.f32 $1.000000000e+00, v7;
	v7 =	vld [tilespmem:s1+$0x6020];
	[tilespmem:s24+$0x30] =	vst v13  }
0x234: {  	v13 =	vld [tilespmem:s7+$0x6040];
	[tilespmem:s24+$0xFFFFFFB0] =	vst v19;
	v19 =	vsub.f32 $1.000000000e+00, v15  }
0x235: {  	[tilespmem:s9+$0xFFFFFF90] =	vst v17;
	vm5 =	veq.f32 v11, $-1.000000000e+00;
	v21 =	vld [tilespmem:s1+$0x4040]  }
0x236: {  	v17 =	vld [tilespmem:s2+$0x6010];
	v11 =	vsel vm5, v5, v11;
	vm4 =	veq.f32 v9, $-1.000000000e+00;
	[tilespmem:s13+$0xFFFFFF80] =	vst v19  }
0x237: {  	v20 =	vsub.f32 $1.000000000e+00, v11;
	[tilespmem:s6+$0x20] =	vst v11;
	v9 =	vsel vm4, v5, v9;
	v19 =	vld [tilespmem:s12+$0x4010]  }
0x238: {  	v23 =	vld [tilespmem:s30+$0x4020];
	v15 =	vsub.f32 $1.000000000e+00, v9;
	[tilespmem:s5+$0x50] =	vst v9  }
0x239: {  	v24 =	vimm.f32 $0.0e+00;
	[tilespmem:s6+$0xFFFFFFA0] =	vst v20  }
0x23a: {  	v27 =	vand.u32 $0x7FFFFFFF, v10;
	v10 =	vadd.f32 v10, v24;
	v28 =	vld [tilespmem:s2+$0x4030];
	[tilespmem:s5+$0xFFFFFFD0] =	vst v15;
	vm6 =	veq.f32 v21, $-1.000000000e+00  }
0x23b: {  	v26 =	vld [tilespmem:s7+$0x4060];
	v21 =	vsel vm6, v5, v21  }
0x23c: {  	v52 =	vadd.f32 v13, v10;
	v10 =	vld [tilespmem:s12+$0x6000];
	v31 =	vsub.f32 $1.000000000e+00, v21;
	vm8 =	veq.f32 v19, $-1.000000000e+00  }
0x23d: {  	v29 =	vand.u32 $0x7FFFFFFF, v13;
	v9 =	vld [tilespmem:s1+$0x6030];
	vm7 =	veq.f32 v23, $-1.000000000e+00;
	[tilespmem:s24+$0x40] =	vst v21;
	v13 =	vsel vm8, v5, v19  }
0x23e: {  	v27 =	vadd.f32 v27, v24;
	v15 =	vld [tilespmem:s30+$0x6010];
	v23 =	vsel vm7, v5, v23;
	[tilespmem:s24+$0xFFFFFFC0] =	vst v31;
	v19 =	vsub.f32 $1.000000000e+00, v13  }
0x23f: {  	s15 =	simm.s32 $0x280;
	v30 =	vld [tilespmem:s7+$0x6050];
	[tilespmem:s13+$0x10] =	vst v13;
	v31 =	vsub.f32 $1.000000000e+00, v23  }
0x240: {  	v21 =	vadd.f32 v29, v27;
	v27 =	vld [tilespmem:s15+$0x4000];
	vm10 =	veq.f32 v28, $-1.000000000e+00;
	vm9 =	veq.f32 v26, $-1.000000000e+00;
	[tilespmem:s13+$0xFFFFFF90] =	vst v19  }
0x241: {  	v29 =	vld [tilespmem:s1+$0x4050];
	v19 =	vsel vm10, v5, v28;
	[tilespmem:s9+$0xFFFFFFA0] =	vst v31;
	v13 =	vsel vm9, v5, v26  }
0x242: {  	v25 =	vand.u32 $0x7FFFFFFF, v12;
	v55 =	vadd.f32 v12, v24;
	v53 =	vld [tilespmem:s1+$0x6040];
	v56 =	vsub.f32 $1.000000000e+00, v19;
	[tilespmem:s5+$0x60] =	vst v13  }
0x243: {  	v25 =	vadd.f32 v25, v24;
	v54 =	vand.u32 $0x7FFFFFFF, v18;
	v26 =	vsub.f32 $1.000000000e+00, v13;
	v13 =	vld [tilespmem:s2+$0x6020];
	[tilespmem:s6+$0x30] =	vst v19  }
0x244: {  	v62 =	vadd.f32 v22, v24;
	v20 =	vand.u32 $0x7FFFFFFF, v16;
	v11 =	vand.u32 $0x7FFFFFFF, v17;
	v28 =	vld [tilespmem:s12+$0x4020];
	[tilespmem:s6+$0xFFFFFFB0] =	vst v56  }
0x245: {  	v18 =	vadd.f32 v18, v52;
	v21 =	vadd.f32 v54, v21;
	vm11 =	veq.f32 v27, $-1.000000000e+00;
	[tilespmem:s5+$0xFFFFFFE0] =	vst v26;
	v31 =	vld [tilespmem:s2+$0x4040]  }
0x246: {  	v12 =	vand.u32 $0x7FFFFFFF, v15;
	v57 =	vand.u32 $0x7FFFFFFF, v30;
	v19 =	vsel vm11, v5, v27;
	v58 =	vld [tilespmem:s7+$0x4070]  }
0x247: {  	s18 =	simm.s32 $0x8580;
	[tilespmem:s9+$0x20] =	vst v23;
	v26 =	vadd.f32 v30, v55;
	v30 =	vadd.f32 v57, v25;
	vm12 =	veq.f32 v29, $-1.000000000e+00;
	v59 =	vld [tilespmem:s7+$0x6060]  }
0x248: {  	[tilespmem:s18+$0x0] =	vst v19;
	v25 =	vsub.f32 $1.000000000e+00, v19;
	v60 =	vand.u32 $0x7FFFFFFF, v53;
	v19 =	vsel vm12, v5, v29  }
0x249: {  	v32 =	vld [tilespmem:s30+$0x4030];
	v27 =	vadd.f32 v53, v18;
	v61 =	vsub.f32 $1.000000000e+00, v19;
	[tilespmem:s24+$0x50] =	vst v19;
	vm13 =	veq.f32 v28, $-1.000000000e+00  }
0x24a: {  	v29 =	vand.u32 $0x7FFFFFFF, v22;
	v21 =	vadd.f32 v60, v21;
	[tilespmem:s18+$0xFFFFFF80] =	vst v25;
	v19 =	vld [tilespmem:s12+$0x6010];
	v33 =	vsel vm13, v5, v28  }
0x24b: {  	v25 =	vadd.f32 v29, v24;
	v29 =	vld [tilespmem:s15+$0x4010];
	[tilespmem:s24+$0xFFFFFFD0] =	vst v61;
	v63 =	vsub.f32 $1.000000000e+00, v33;
	vm14 =	veq.f32 v58, $-1.000000000e+00  }
0x24c: {  	v37 =	vld [tilespmem:s1+$0x4060];
	vm15 =	veq.f32 v31, $-1.000000000e+00;
	v22 =	vand.u32 $0x7FFFFFFF, v59;
	v23 =	vsel vm14, v5, v58  }
0x24d: {  	v28 =	vld [tilespmem:s1+$0x6050];
	[tilespmem:s13+$0xFFFFFFA0] =	vst v63;
	v35 =	vsel vm15, v5, v31;
	v31 =	vadd.f32 v59, v62;
	v34 =	vsub.f32 $1.000000000e+00, v23  }
0x24e: {  	s8 =	simm.s32 $0xC00;
	v18 =	vld [tilespmem:s2+$0x6030];
	v22 =	vadd.f32 v22, v25;
	v25 =	vand.u32 $0x7FFFFFFF, v14;
	[tilespmem:s5+$0x70] =	vst v23;
	v23 =	vimm.f32 $0.0e+00  }
.LBB2_9:
0x24f: {  	s17 =	sshra.s32 s8, $0x2;
	p1 =	sne.s32 s8, $0x7E00;
	s8 =	sadd.s32 $0x200, s8;
	v36 =	vld [tilespmem:s15+$0x6000];
	v38 =	vand.u32 $0x7FFFFFFF, v19;
	v39 =	vsub.f32 $1.000000000e+00, v35;
	v40 =	vand.u32 $0x7FFFFFFF, v8;
	[tilespmem:s5+$0xFFFFFFF0] =	vst v34  }
0x250: {  	v30 =	vadd.f32 v20, v30;
	v24 =	vadd.f32 v8, v24;
	v20 =	vmovc v11;
	vm0 =	veq.f32 v29, $-1.000000000e+00;
	[tilespmem:s6+$0x40] =	vst v35;
	v34 =	vld [tilespmem:s7+$0x6070];
	s7 =	smov.u32 s1;
	s1 =	smov.u32 s2;
	s2 =	smov.u32 s30  }
0x251: {  	v43 =	vadd.f32 v16, v26;
	v11 =	vmovc v12;
	s30 =	smov.u32 s12;
	s12 =	smov.u32 s15;
	s15 =	smov.u32 s17;
	v35 =	vld [tilespmem:s17+$0x4000];
	v42 =	vsel vm0, v5, v29;
	[tilespmem:s6+$0xFFFFFFC0] =	vst v39;
	vm0 =	veq.f32 v37, $-1.000000000e+00  }
0x252: {  	v8 =	vmovc v9;
	s5 =	smov.u32 s24;
	s24 =	smov.u32 s6;
	v12 =	vmovc v38;
	s6 =	smov.u32 s9;
	v29 =	vsub.f32 $1.000000000e+00, v42;
	[tilespmem:s18+$0x10] =	vst v42;
	v39 =	vld [tilespmem:s1+$0x4050];
	v41 =	vand.u32 $0x7FFFFFFF, v28;
	v37 =	vsel vm0, v5, v37  }
0x253: {  	v9 =	vmovc v18;
	v16 =	vmovc v17;
	s9 =	smov.u32 s13;
	s13 =	smov.u32 s18;
	v26 =	vadd.f32 v28, v43;
	vm0 =	veq.f32 v32, $-1.000000000e+00;
	v38 =	vld [tilespmem:s1+$0x6040];
	v28 =	vsub.f32 $1.000000000e+00, v37;
	[tilespmem:s5+$0x60] =	vst v37  }
0x254: {  	v23 =	vadd.f32 v40, v23;
	v30 =	vadd.f32 v41, v30;
	[tilespmem:s18+$0xFFFFFF90] =	vst v29;
	v42 =	vld [tilespmem:s2+$0x6020];
	v18 =	vsel vm0, v5, v32  }
0x255: {  	v17 =	vmovc v15;
	v15 =	vmovc v19;
	v32 =	vld [tilespmem:s12+$0x4020];
	v29 =	vsub.f32 $1.000000000e+00, v18;
	[tilespmem:s5+$0xFFFFFFE0] =	vst v28;
	v24 =	vadd.f32 v34, v24;
	v28 =	vand.u32 $0x7FFFFFFF, v34  }
0x256: {  	v19 =	vadd.f32 v14, v27;
	v14 =	vmovc v6;
	s18 =	sadd.s32 $0x100, s18;
	vm0 =	veq.f32 v35, $-1.000000000e+00;
	[tilespmem:s6+$0x30] =	vst v18;
	v34 =	vld [tilespmem:s7+$0x4070];
	v23 =	vadd.f32 v28, v23  }
0x257: {  	v21 =	vadd.f32 v25, v21;
	v6 =	vmovc v10;
	v18 =	vsel vm0, v5, v35;
	[tilespmem:s6+$0xFFFFFFB0] =	vst v29;
	vm0 =	veq.f32 v39, $-1.000000000e+00;
	v40 =	vld [tilespmem:s7+$0x6060]  }
0x258: {  	v10 =	vmovc v36;
	v25 =	vsub.f32 $1.000000000e+00, v18;
	[tilespmem:s18+$0x0] =	vst v18;
	v35 =	vld [tilespmem:s2+$0x4040];
	v28 =	vand.u32 $0x7FFFFFFF, v38;
	v29 =	vsel vm0, v5, v39  }
0x259: {  	v27 =	vadd.f32 v38, v19;
	v18 =	vld [tilespmem:s2+$0x6030];
	v36 =	vsub.f32 $1.000000000e+00, v29;
	[tilespmem:s24+$0x50] =	vst v29;
	v29 =	vand.u32 $0x7FFFFFFF, v7  }
.Ltmp3:
0x25a: {  	v21 =	vadd.f32 v28, v21;
	[tilespmem:s18+$0xFFFFFF80] =	vst v25;
	v19 =	vld [tilespmem:s12+$0x6010];
	vm0 =	veq.f32 v32, $-1.000000000e+00;
	v22 =	vadd.f32 v29, v22;
	(pc) =	sbr.rel @p1 .LBB2_9-.Ltmp3, $4  }
0x25b: {  	v31 =	vadd.f32 v7, v31;
	v7 =	vmovc v13;
	v29 =	vld [tilespmem:s15+$0x4010];
	v25 =	vsel vm0, v5, v32;
	[tilespmem:s24+$0xFFFFFFD0] =	vst v36;
	vm0 =	veq.f32 v34, $-1.000000000e+00  }
0x25c: {  	v13 =	vmovc v42;
	v32 =	vsub.f32 $1.000000000e+00, v25;
	[tilespmem:s9+$0x20] =	vst v33;
	v37 =	vld [tilespmem:s1+$0x4060];
	v36 =	vand.u32 $0x7FFFFFFF, v40;
	v38 =	vsel vm0, v5, v34;
	v33 =	vmovc v25  }
0x25d: {  	vm0 =	veq.f32 v35, $-1.000000000e+00;
	v28 =	vld [tilespmem:s1+$0x6050];
	v22 =	vadd.f32 v36, v22;
	v34 =	vsub.f32 $1.000000000e+00, v38;
	[tilespmem:s5+$0x70] =	vst v38  }
0x25e: {  	v25 =	vand.u32 $0x7FFFFFFF, v14;
	v31 =	vadd.f32 v40, v31;
	[tilespmem:s13+$0xFFFFFFA0] =	vst v32;
	v32 =	vld [tilespmem:s30+$0x4030];
	v35 =	vsel vm0, v5, v35  }
0x25f: {  	_ = 	snop  }
0x260: {  	vm0 =	veq.f32 v29, $-1.000000000e+00  }
0x261: {  	v36 =	vsel vm0, v5, v29  }
0x262: {  	v38 =	vsub.f32 $1.000000000e+00, v36  }
0x263: {  	v29 =	vld [tilespmem:s15+$0x6000];
	[tilespmem:s18+$0x10] =	vst v36  }
0x264: {  	[tilespmem:s18+$0xFFFFFF90] =	vst v38  }
0x265: {  	v36 =	vld [tilespmem:s15+$0x4020];
	_ =	sdelay $0x1  }
0x266: {  	[tilespmem:s13+$0x20] =	vst v33;
	vm4 =	veq.f32 v32, $-1.000000000e+00  }
0x267: {  	v50 =	vld [tilespmem:s12+$0x4030];
	v48 =	vsel vm4, v5, v32  }
0x268: {  	v39 =	vsub.f32 $1.000000000e+00, v48  }
0x269: {  	v32 =	vld [tilespmem:s30+$0x6020];
	[tilespmem:s9+$0x30] =	vst v48;
	vm5 =	veq.f32 v36, $-1.000000000e+00  }
0x26a: {  	[tilespmem:s9+$0xFFFFFFB0] =	vst v39;
	v40 =	vsel vm5, v5, v36  }
0x26b: {  	v39 =	vld [tilespmem:s30+$0x4040];
	v49 =	vsub.f32 $1.000000000e+00, v40  }
0x26c: {  	vm6 =	veq.f32 v50, $-1.000000000e+00;
	v36 =	vld [tilespmem:s15+$0x6010];
	[tilespmem:s18+$0x20] =	vst v40  }
0x26d: {  	v52 =	vsel vm6, v5, v50;
	[tilespmem:s18+$0xFFFFFFA0] =	vst v49  }
0x26e: {  	[tilespmem:s5+$0xFFFFFFF0] =	vst v34;
	v38 =	vsub.f32 $1.000000000e+00, v52;
	v40 =	vld [tilespmem:s15+$0x4030]  }
0x26f: {  	v33 =	vld [tilespmem:s12+$0x6020];
	[tilespmem:s13+$0x30] =	vst v52  }
0x270: {  	v51 =	vsub.f32 $1.000000000e+00, v35;
	[tilespmem:s13+$0xFFFFFFB0] =	vst v38  }
0x271: {  	[tilespmem:s6+$0x40] =	vst v35;
	vm9 =	veq.f32 v37, $-1.000000000e+00;
	v38 =	vld [tilespmem:s12+$0x4040];
	vm7 =	veq.f32 v39, $-1.000000000e+00  }
0x272: {  	[tilespmem:s6+$0xFFFFFFC0] =	vst v51;
	v37 =	vsel vm9, v5, v37;
	v39 =	vsel vm7, v5, v39  }
0x273: {  	v41 =	vld [tilespmem:s2+$0x4050];
	[tilespmem:s24+$0x60] =	vst v37;
	v53 =	vsub.f32 $1.000000000e+00, v39;
	vm8 =	veq.f32 v40, $-1.000000000e+00  }
0x274: {  	v35 =	vld [tilespmem:s30+$0x6030];
	[tilespmem:s9+$0x40] =	vst v39;
	v54 =	vsel vm8, v5, v40  }
0x275: {  	v34 =	vld [tilespmem:s15+$0x6020];
	[tilespmem:s9+$0xFFFFFFC0] =	vst v53;
	v40 =	vsub.f32 $1.000000000e+00, v54  }
0x276: {  	v55 =	vsub.f32 $1.000000000e+00, v37;
	vm11 =	veq.f32 v38, $-1.000000000e+00;
	v42 =	vld [tilespmem:s30+$0x4050];
	[tilespmem:s18+$0x30] =	vst v54  }
0x277: {  	v59 =	vsel vm11, v5, v38;
	[tilespmem:s18+$0xFFFFFFB0] =	vst v40  }
0x278: {  	[tilespmem:s24+$0xFFFFFFE0] =	vst v55;
	vm10 =	veq.f32 v41, $-1.000000000e+00;
	v44 =	vsub.f32 $1.000000000e+00, v59;
	v57 =	vld [tilespmem:s15+$0x4040]  }
0x279: {  	v56 =	vsel vm10, v5, v41;
	v38 =	vld [tilespmem:s12+$0x6030];
	[tilespmem:s13+$0x40] =	vst v59  }
0x27a: {  	v43 =	vld [tilespmem:s1+$0x4070];
	v58 =	vsub.f32 $1.000000000e+00, v56;
	[tilespmem:s13+$0xFFFFFFC0] =	vst v44  }
0x27b: {  	vm12 =	veq.f32 v42, $-1.000000000e+00;
	v40 =	vld [tilespmem:s2+$0x6040];
	[tilespmem:s6+$0x50] =	vst v56  }
0x27c: {  	v61 =	vld [tilespmem:s12+$0x4050];
	[tilespmem:s6+$0xFFFFFFD0] =	vst v58;
	v42 =	vsel vm12, v5, v42  }
0x27d: {  	v45 =	vld [tilespmem:s2+$0x4060];
	v60 =	vsub.f32 $1.000000000e+00, v42;
	vm13 =	veq.f32 v57, $-1.000000000e+00  }
0x27e: {  	v39 =	vld [tilespmem:s30+$0x6040];
	[tilespmem:s9+$0x50] =	vst v42;
	v41 =	vsel vm13, v5, v57  }
0x27f: {  	v37 =	vld [tilespmem:s15+$0x6030];
	[tilespmem:s9+$0xFFFFFFD0] =	vst v60;
	v46 =	vsub.f32 $1.000000000e+00, v41  }
0x280: {  	v47 =	vld [tilespmem:s30+$0x4060];
	[tilespmem:s18+$0x40] =	vst v41  }
0x281: {  	vm14 =	veq.f32 v43, $-1.000000000e+00;
	[tilespmem:s18+$0xFFFFFFC0] =	vst v46  }
0x282: {  	v43 =	vsel vm14, v5, v43;
	vm4 =	veq.f32 v61, $-1.000000000e+00;
	vm15 =	veq.f32 v45, $-1.000000000e+00;
	v46 =	vld [tilespmem:s15+$0x4050]  }
0x283: {  	v44 =	vld [tilespmem:s1+$0x6060];
	[tilespmem:s24+$0x70] =	vst v43;
	v53 =	vsel vm4, v5, v61;
	v63 =	vsel vm15, v5, v45  }
0x284: {  	v42 =	vld [tilespmem:s12+$0x6040];
	[tilespmem:s13+$0x50] =	vst v53;
	v52 =	vsub.f32 $1.000000000e+00, v63  }
0x285: {  	v54 =	vsub.f32 $1.000000000e+00, v53;
	v45 =	vld [tilespmem:s2+$0x6050];
	[tilespmem:s6+$0x60] =	vst v63;
	vm5 =	veq.f32 v47, $-1.000000000e+00  }
0x286: {  	v62 =	vsub.f32 $1.000000000e+00, v43;
	v43 =	vld [tilespmem:s30+$0x6050];
	[tilespmem:s6+$0xFFFFFFE0] =	vst v52;
	v47 =	vsel vm5, v5, v47  }
0x287: {  	[tilespmem:s13+$0xFFFFFFD0] =	vst v54;
	v49 =	vld [tilespmem:s2+$0x4070];
	v50 =	vsub.f32 $1.000000000e+00, v47;
	vm6 =	veq.f32 v46, $-1.000000000e+00  }
0x288: {  	v55 =	vld [tilespmem:s12+$0x4060];
	[tilespmem:s9+$0x60] =	vst v47;
	v46 =	vsel vm6, v5, v46  }
0x289: {  	v48 =	vld [tilespmem:s7+$0x6070];
	[tilespmem:s9+$0xFFFFFFE0] =	vst v50;
	v57 =	vsub.f32 $1.000000000e+00, v46  }
0x28a: {  	v16 =	vadd.f32 v16, v26;
	v20 =	vadd.f32 v20, v30;
	v56 =	vld [tilespmem:s15+$0x6040];
	[tilespmem:s18+$0x50] =	vst v46  }
0x28b: {  	v24 =	vadd.f32 v8, v24;
	v14 =	vadd.f32 v14, v27;
	v8 =	vand.u32 $0x7FFFFFFF, v8;
	v30 =	vld [tilespmem:s30+$0x4070];
	[tilespmem:s18+$0xFFFFFFD0] =	vst v57  }
0x28c: {  	v31 =	vadd.f32 v7, v31;
	v8 =	vadd.f32 v8, v23;
	vm7 =	veq.f32 v49, $-1.000000000e+00;
	v46 =	vld [tilespmem:s15+$0x4060]  }
0x28d: {  	v16 =	vadd.f32 v28, v16;
	[tilespmem:s24+$0xFFFFFFF0] =	vst v62;
	vm8 =	veq.f32 v55, $-1.000000000e+00;
	v27 =	vsel vm7, v5, v49  }
0x28e: {  	v24 =	vadd.f32 v48, v24;
	v58 =	vld [tilespmem:s2+$0x6060];
	v59 =	vsub.f32 $1.000000000e+00, v27;
	[tilespmem:s6+$0x70] =	vst v27;
	v27 =	vsel vm8, v5, v55  }
0x28f: {  	v16 =	vadd.f32 v17, v16;
	v26 =	vld [tilespmem:s1+$0x6070];
	v47 =	vsub.f32 $1.000000000e+00, v27  }
0x290: {  	v24 =	vadd.f32 v9, v24;
	v31 =	vadd.f32 v44, v31;
	v17 =	vld [tilespmem:s12+$0x6050];
	[tilespmem:s13+$0x60] =	vst v27  }
0x291: {  	v14 =	vadd.f32 v40, v14;
	v27 =	vld [tilespmem:s30+$0x6060];
	vm9 =	veq.f32 v30, $-1.000000000e+00;
	[tilespmem:s13+$0xFFFFFFE0] =	vst v47;
	vm1 =	veq.f32 v46, $-1.000000000e+00  }
0x292: {  	v31 =	vadd.f32 v13, v31;
	[tilespmem:s6+$0xFFFFFFF0] =	vst v59;
	v30 =	vsel vm9, v5, v30;
	v47 =	vld [tilespmem:s12+$0x4070];
	v46 =	vsel vm1, v5, v46  }
0x293: {  	v14 =	vadd.f32 v6, v14;
	v50 =	vld [tilespmem:s2+$0x6070];
	[tilespmem:s9+$0x70] =	vst v30;
	v52 =	vsub.f32 $1.000000000e+00, v46  }
0x294: {  	v16 =	vadd.f32 v45, v16;
	v51 =	vld [tilespmem:s15+$0x6050];
	v30 =	vsub.f32 $1.000000000e+00, v30;
	[tilespmem:s18+$0x60] =	vst v46  }
0x295: {  	v24 =	vadd.f32 v26, v24;
	v14 =	vadd.f32 v39, v14;
	[tilespmem:s18+$0xFFFFFFE0] =	vst v52  }
0x296: {  	v15 =	vadd.f32 v15, v16;
	v16 =	vadd.f32 v58, v31;
	[tilespmem:s9+$0xFFFFFFF0] =	vst v30;
	v30 =	vld [tilespmem:s15+$0x4070]  }
0x297: {  	v24 =	vadd.f32 v18, v24;
	v14 =	vadd.f32 v10, v14;
	vm10 =	veq.f32 v47, $-1.000000000e+00  }
0x298: {  	v15 =	vadd.f32 v43, v15;
	v16 =	vadd.f32 v32, v16;
	v31 =	vld [tilespmem:s30+$0x6070];
	v60 =	vsel vm10, v5, v47  }
0x299: {  	v24 =	vadd.f32 v50, v24;
	v62 =	vsub.f32 $1.000000000e+00, v60  }
0x29a: {  	v15 =	vadd.f32 v19, v15;
	v61 =	vld [tilespmem:s12+$0x6060];
	v16 =	vadd.f32 v27, v16;
	[tilespmem:s13+$0x70] =	vst v60  }
0x29b: {  	v14 =	vadd.f32 v42, v14;
	v24 =	vadd.f32 v35, v24;
	[tilespmem:s13+$0xFFFFFFF0] =	vst v62;
	vm11 =	veq.f32 v30, $-1.000000000e+00  }
0x29c: {  	v15 =	vadd.f32 v17, v15;
	v16 =	vadd.f32 v33, v16;
	v46 =	vld [tilespmem:s12+$0x6070];
	v5 =	vsel vm11, v5, v30  }
0x29d: {  	v24 =	vadd.f32 v31, v24;
	v63 =	vsub.f32 $1.000000000e+00, v5  }
0x29e: {  	v14 =	vadd.f32 v29, v14;
	v15 =	vadd.f32 v36, v15;
	v30 =	vld [tilespmem:s15+$0x6060];
	[tilespmem:s18+$0x70] =	vst v5  }
0x29f: {  	v5 =	vadd.f32 v61, v16;
	v16 =	vadd.f32 v38, v24;
	[tilespmem:s18+$0xFFFFFFF0] =	vst v63  }
0x2a0: {  	v14 =	vadd.f32 v56, v14;
	v15 =	vadd.f32 v51, v15;
	v24 =	vand.u32 $0x7FFFFFFF, v28;
	v28 =	vld [tilespmem:s15+$0x6070]  }
0x2a1: {  	v7 =	vand.u32 $0x7FFFFFFF, v7;
	v5 =	vadd.f32 v34, v5;
	v16 =	vadd.f32 v46, v16  }
0x2a2: {  	v7 =	vadd.f32 v7, v22;
	v14 =	vadd.f32 v15, v14  }
0x2a3: {  	v9 =	vand.u32 $0x7FFFFFFF, v9;
	v5 =	vadd.f32 v30, v5;
	v15 =	vadd.f32 v37, v16  }
0x2a4: {  	v6 =	vand.u32 $0x7FFFFFFF, v6;
	v20 =	vadd.f32 v24, v20;
	v16 =	vadd.f32 v25, v21  }
0x2a5: {  	v5 =	vadd.f32 v5, v14;
	v14 =	vand.u32 $0x7FFFFFFF, v48;
	v15 =	vadd.f32 v28, v15  }
0x2a6: {  	v11 =	vadd.f32 v11, v20;
	v8 =	vadd.f32 v14, v8;
	v14 =	vand.u32 $0x7FFFFFFF, v40  }
0x2a7: {  	v14 =	vadd.f32 v14, v16;
	v16 =	vand.u32 $0x7FFFFFFF, v45;
	v5 =	vadd.f32 v15, v5  }
0x2a8: {  	v11 =	vadd.f32 v16, v11;
	v8 =	vadd.f32 v9, v8;
	v15 =	vand.u32 $0x7FFFFFFF, v44  }
0x2a9: {  	v9 =	vand.u32 $0x7FFFFFFF, v13;
	v16 =	vand.u32 $0x7FFFFFFF, v26;
	v7 =	vadd.f32 v15, v7;
	[tilespmem:$0x10000] =	vst v5  }
0x2aa: {  	v6 =	vadd.f32 v6, v14;
	v14 =	vand.u32 $0x7FFFFFFF, v58;
	v15 =	vand.u32 $0x7FFFFFFF, v19;
	v13 =	vld.idx.msk [tilespmem:v0+s14+$0x0], $0xffff  }
0x2ab: {  	v8 =	vadd.f32 v16, v8;
	v7 =	vadd.f32 v9, v7;
	v9 =	vand.u32 $0x7FFFFFFF, v39  }
0x2ac: {  	v11 =	vadd.f32 v12, v11;
	v12 =	vand.u32 $0x7FFFFFFF, v43;
	v6 =	vadd.f32 v9, v6  }
0x2ad: {  	v9 =	vand.u32 $0x7FFFFFFF, v10;
	v10 =	vand.u32 $0x7FFFFFFF, v18;
	v7 =	vadd.f32 v14, v7  }
0x2ae: {  	v16 =	vand.u32 $0x7FFFFFFF, v36;
	v8 =	vadd.f32 v10, v8;
	v10 =	vadd.f32 v12, v11  }
0x2af: {  	v11 =	vand.u32 $0x7FFFFFFF, v50;
	v12 =	vand.u32 $0x7FFFFFFF, v27;
	v5 =	vadd.f32 v13, v5  }
0x2b0: {  	v6 =	vadd.f32 v9, v6;
	v8 =	vadd.f32 v11, v8;
	v11 =	vand.u32 $0x7FFFFFFF, v32  }
0x2b1: {  	v9 =	vand.u32 $0x7FFFFFFF, v42;
	v10 =	vadd.f32 v15, v10;
	v7 =	vadd.f32 v11, v7;
	[tilespmem:$0x10000] =	vst v5  }
0x2b2: {  	v6 =	vadd.f32 v9, v6;
	v9 =	vand.u32 $0x7FFFFFFF, v35;
	v13 =	vand.u32 $0x7FFFFFFF, v29;
	v11 =	vld.idx.msk [tilespmem:v1+s14+$0x0], $0xffff  }
0x2b3: {  	v8 =	vadd.f32 v9, v8;
	v9 =	vand.u32 $0x7FFFFFFF, v17;
	v7 =	vadd.f32 v12, v7  }
0x2b4: {  	v12 =	vand.u32 $0x7FFFFFFF, v31;
	v9 =	vadd.f32 v9, v10;
	v6 =	vadd.f32 v13, v6  }
0x2b5: {  	v10 =	vand.u32 $0x7FFFFFFF, v56;
	v8 =	vadd.f32 v12, v8;
	v12 =	vand.u32 $0x7FFFFFFF, v33  }
0x2b6: {  	v7 =	vadd.f32 v12, v7;
	v12 =	vand.u32 $0x7FFFFFFF, v38;
	v6 =	vadd.f32 v10, v6  }
0x2b7: {  	v10 =	vand.u32 $0x7FFFFFFF, v61;
	v8 =	vadd.f32 v12, v8;
	v5 =	vadd.f32 v11, v5  }
0x2b8: {  	v9 =	vadd.f32 v16, v9;
	v7 =	vadd.f32 v10, v7;
	v10 =	vand.u32 $0x7FFFFFFF, v46  }
0x2b9: {  	v8 =	vadd.f32 v10, v8;
	v10 =	vand.u32 $0x7FFFFFFF, v34;
	v11 =	vand.u32 $0x7FFFFFFF, v51;
	[tilespmem:$0x10000] =	vst v5  }
0x2ba: {  	v7 =	vadd.f32 v10, v7;
	v10 =	vand.u32 $0x7FFFFFFF, v37;
	v9 =	vadd.f32 v11, v9;
	v12 =	vld.idx.msk [tilespmem:v2+s14+$0x0], $0xffff  }
0x2bb: {  	v11 =	vand.u32 $0x7FFFFFFF, v30;
	v8 =	vadd.f32 v10, v8  }
0x2bc: {  	v7 =	vadd.f32 v11, v7;
	v6 =	vadd.f32 v9, v6  }
0x2bd: {  	v10 =	vand.u32 $0x7FFFFFFF, v28  }
0x2be: {  	v8 =	vadd.f32 v10, v8;
	v6 =	vadd.f32 v7, v6  }
0x2bf: {  	v5 =	vadd.f32 v12, v5  }
0x2c0: {  	v6 =	vadd.f32 v8, v6  }
0x2c1: {  	[tilespmem:$0x10000] =	vst v5  }
0x2c2: {  	v7 =	vld.idx.msk [tilespmem:v3+s14+$0x0], $0xffff;
	[tilespmem:$0x10000] =	vst v6  }
0x2c3: {  	v8 =	vld.idx.msk [tilespmem:v0+s14+$0x0], $0xffff;
	_ =	sdelay $0x4  }
0x2c4: {  	v6 =	vadd.f32 v8, v6;
	_ =	sdelay $0x1  }
0x2c5: {  	[tilespmem:$0x10000] =	vst v6  }
0x2c6: {  	v8 =	vld.idx.msk [tilespmem:v1+s14+$0x0], $0xffff;
	_ =	sdelay $0x4  }
0x2c7: {  	v6 =	vadd.f32 v8, v6;
	_ =	sdelay $0x1  }
0x2c8: {  	[tilespmem:$0x10000] =	vst v6  }
0x2c9: {  	v8 =	vld.idx.msk [tilespmem:v2+s14+$0x0], $0xffff;
	_ =	sdelay $0x4  }
0x2ca: {  	s30 =	sshll.u32 s29, $0xB;
	v6 =	vadd.f32 v8, v6  }
0x2cb: {  	s1 =	sand.u32 $0x1FFFF000, s30  }
0x2cc: {  	s31 =	simm.s32 $0x8000;
	s1 =	sadd.s32 s3, s1;
	[tilespmem:$0x10000] =	vst v6  }
0x2cd: {  	v8 =	vld.idx.msk [tilespmem:v3+s14+$0x0], $0xffff;
	[hbm4b:s1+s4] =	stream.linear.scatter [tilespmem:s31], [sflag:$0x5], $0x4000, $0x38  }
0x2ce: {  	s1 =	sadd.s32 @!p0 $0x5, s28  }
0x2cf: {  	s2 =	sshll.u32 @!p0 s1, $0x4  }
0x2d0: {  	s1 =	sshll.u32 @!p0 s1, $0xA;
	s2 =	sand.u32 @!p0 $0x50, s2  }
0x2d1: {  	s5 =	simm.s32 @!p0 $0x400;
	s1 =	sand.u32 @!p0 $0xFFFE000, s1;
	s2 =	sadd.s32 @!p0 s0, s2  }
0x2d2: {  	s6 =	simm.s32 @!p0 $0x2000;
	s1 =	sadd.s32 @!p0 s1, s2;
	s2 =	simm.s32 @!p0 $0x80  }
0x2d3: {  	[tilespmem:s6], [sflag:$0x2] =	stream.strided.gather @!p0 [hbm4b:s1+s2], $0x2000, s5, s2, $0x38;
	[tilespmem:$0x10080] =	vst v63  }
0x2d4: {  	s1 =	simm.s32 @!p0 $0x1  }
0x2d5: {  	_ =	swait.ge @!p0 [sflag:s1], $0x2000  }
0x2d6: {  	[sflag:s1] =	ssyncset.done @!p0 $0x0  }
0x2d7: {  	v6 =	vadd.f32 v8, v6;
	[sflag:s1] =	ssyncadd.s32 @!p0 $0xFFFFE000  }
0x2d8: {  	_ =	swait.ge [sflag:s23], $0x4000  }
0x2d9: {  	v5 =	vadd.f32 v7, v5;
	v7 =	vmul.f32 $3.000000000e+00, v6;
	[sflag:s23] =	ssyncset.done $0x0  }
0x2da: {  	s7 =	simm.s32 $0x0;
	[sflag:s23] =	ssyncadd.s32 $0xFFFFC000  }
0x2db: {  	v7 =	vadd.f32 v7, v5;
	v8 =	vld [tilespmem:s7+$0x6000]  }
0x2dc: {  	v5 =	vsub.f32 v6, v5  }
0x2dd: {  	vm12 =	vgt.f32 v7, $1.638400000e+04  }
0x2de: {  	vm13 =	vlt.f32 v5, $1.638400000e+04;
	vm0 =	vmneg vm12  }
0x2df: {  	vm0 =	vmand vm13, vm0  }
0x2e0: {  	v5 =	vsel vm0, $0x0, v4;
	vm14 =	veq.f32 v8, $-1.000000000e+00  }
0x2e1: {  	v6 =	vsel vm14, v5, v8  }
0x2e2: {  	s5 =	simm.s32 $0xC080;
	v7 =	vsub.f32 $1.000000000e+00, v6  }
0x2e3: {  	[tilespmem:s5+$0x0] =	vst v6  }
0x2e4: {  	[tilespmem:s5+$0xFFFFFF80] =	vst v7  }
0x2e5: {  	v6 =	vld [tilespmem:s7+$0x6010];
	_ =	sdelay $0x4  }
0x2e6: {  	s1 =	simm.s32 $0x80;
	vm15 =	veq.f32 v6, $-1.000000000e+00  }
0x2e7: {  	v7 =	vld [tilespmem:s1+$0x6000];
	v6 =	vsel vm15, v5, v6  }
0x2e8: {  	v8 =	vsub.f32 $1.000000000e+00, v6  }
0x2e9: {  	v10 =	vld [tilespmem:s7+$0x0];
	[tilespmem:s5+$0x10] =	vst v6  }
0x2ea: {  	[tilespmem:s5+$0xFFFFFF90] =	vst v8  }
0x2eb: {  	v6 =	vld [tilespmem:s7+$0x6020]  }
0x2ec: {  	vm4 =	veq.f32 v7, $-1.000000000e+00  }
0x2ed: {  	v7 =	vsel vm4, v5, v7  }
0x2ee: {  	s24 =	simm.s32 $0xC180;
	v8 =	vsub.f32 $1.000000000e+00, v7  }
0x2ef: {  	[tilespmem:s24+$0x0] =	vst v7  }
0x2f0: {  	[tilespmem:s24+$0xFFFFFF80] =	vst v8;
	vm5 =	veq.f32 v6, $-1.000000000e+00  }
0x2f1: {  	v7 =	vld [tilespmem:s1+$0x6010];
	v6 =	vsel vm5, v5, v6  }
0x2f2: {  	v8 =	vsub.f32 $1.000000000e+00, v6  }
0x2f3: {  	s2 =	simm.s32 $0x100;
	v12 =	vld [tilespmem:s7+$0x10]  }
0x2f4: {  	[tilespmem:s5+$0xFFFFFFA0] =	vst v8;
	v8 =	vld [tilespmem:s2+$0x6000];
	_ =	sdelay $0x1  }
0x2f5: {  	[tilespmem:s5+$0x20] =	vst v6;
	vm6 =	veq.f32 v7, $-1.000000000e+00  }
0x2f6: {  	v7 =	vsel vm6, v5, v7;
	v6 =	vld [tilespmem:s7+$0x6030]  }
0x2f7: {  	v9 =	vsub.f32 $1.000000000e+00, v7  }
0x2f8: {  	s28 =	simm.s32 $0x180;
	v18 =	vld [tilespmem:s1+$0x0];
	[tilespmem:s24+$0x10] =	vst v7;
	vm7 =	veq.f32 v8, $-1.000000000e+00  }
0x2f9: {  	[tilespmem:s24+$0xFFFFFF90] =	vst v9;
	v7 =	vsel vm7, v5, v8;
	v8 =	vld [tilespmem:s28+$0x6000]  }
0x2fa: {  	v9 =	vld [tilespmem:s1+$0x6020]  }
0x2fb: {  	s6 =	simm.s32 $0xC280;
	vm8 =	veq.f32 v6, $-1.000000000e+00  }
0x2fc: {  	v11 =	vsub.f32 $1.000000000e+00, v7;
	[tilespmem:s6+$0x0] =	vst v7;
	v6 =	vsel vm8, v5, v6  }
0x2fd: {  	v22 =	vld [tilespmem:s7+$0x20];
	v7 =	vsub.f32 $1.000000000e+00, v6;
	[tilespmem:s5+$0x30] =	vst v6  }
0x2fe: {  	[tilespmem:s6+$0xFFFFFF80] =	vst v11;
	vm9 =	veq.f32 v8, $-1.000000000e+00  }
0x2ff: {  	s9 =	simm.s32 $0xC380;
	vm10 =	veq.f32 v9, $-1.000000000e+00;
	v11 =	vld [tilespmem:s2+$0x6010];
	[tilespmem:s5+$0xFFFFFFB0] =	vst v7;
	v6 =	vsel vm9, v5, v8  }
0x300: {  	v7 =	vld [tilespmem:s7+$0x6040];
	v8 =	vsel vm10, v5, v9;
	v9 =	vsub.f32 $1.000000000e+00, v6;
	[tilespmem:s9+$0x0] =	vst v6  }
0x301: {  	s12 =	simm.s32 $0x200;
	v16 =	vld [tilespmem:s1+$0x10];
	v13 =	vsub.f32 $1.000000000e+00, v8;
	[tilespmem:s24+$0x20] =	vst v8  }
0x302: {  	v15 =	vld [tilespmem:s12+$0x6000];
	[tilespmem:s9+$0xFFFFFF80] =	vst v9  }
0x303: {  	[tilespmem:s24+$0xFFFFFFA0] =	vst v13;
	v9 =	vld [tilespmem:s28+$0x6010]  }
0x304: {  	vm11 =	veq.f32 v11, $-1.000000000e+00;
	v13 =	vld [tilespmem:s1+$0x6030]  }
0x305: {  	v6 =	vsel vm11, v5, v11;
	vm12 =	veq.f32 v7, $-1.000000000e+00  }
0x306: {  	v14 =	vld [tilespmem:s2+$0x0];
	v11 =	vsub.f32 $1.000000000e+00, v6;
	[tilespmem:s6+$0x10] =	vst v6;
	v6 =	vsel vm12, v5, v7  }
0x307: {  	v8 =	vld [tilespmem:s7+$0x30];
	v7 =	vsub.f32 $1.000000000e+00, v6;
	[tilespmem:s5+$0x40] =	vst v6  }
0x308: {  	vm15 =	veq.f32 v15, $-1.000000000e+00;
	[tilespmem:s6+$0xFFFFFF90] =	vst v11  }
0x309: {  	s13 =	simm.s32 $0xC480;
	v15 =	vsel vm15, v5, v15;
	v11 =	vld [tilespmem:s2+$0x6020];
	[tilespmem:s5+$0xFFFFFFC0] =	vst v7;
	vm13 =	veq.f32 v9, $-1.000000000e+00;
	vm14 =	veq.f32 v13, $-1.000000000e+00  }
0x30a: {  	[tilespmem:s13+$0x0] =	vst v15;
	v7 =	vsel vm13, v5, v9;
	v9 =	vld [tilespmem:s7+$0x6050];
	v13 =	vsel vm14, v5, v13  }
0x30b: {  	v6 =	vld [tilespmem:s28+$0x0];
	[tilespmem:s9+$0x10] =	vst v7;
	v19 =	vsub.f32 $1.000000000e+00, v13  }
0x30c: {  	v17 =	vsub.f32 $1.000000000e+00, v7;
	v7 =	vld [tilespmem:s1+$0x20];
	[tilespmem:s24+$0x30] =	vst v13  }
0x30d: {  	v13 =	vld [tilespmem:s7+$0x40];
	[tilespmem:s24+$0xFFFFFFB0] =	vst v19;
	v19 =	vsub.f32 $1.000000000e+00, v15  }
0x30e: {  	[tilespmem:s9+$0xFFFFFF90] =	vst v17;
	vm5 =	veq.f32 v11, $-1.000000000e+00;
	v21 =	vld [tilespmem:s1+$0x6040]  }
0x30f: {  	v17 =	vld [tilespmem:s2+$0x10];
	v11 =	vsel vm5, v5, v11;
	vm4 =	veq.f32 v9, $-1.000000000e+00;
	[tilespmem:s13+$0xFFFFFF80] =	vst v19  }
0x310: {  	v20 =	vsub.f32 $1.000000000e+00, v11;
	[tilespmem:s6+$0x20] =	vst v11;
	v9 =	vsel vm4, v5, v9;
	v19 =	vld [tilespmem:s12+$0x6010]  }
0x311: {  	v23 =	vld [tilespmem:s28+$0x6020];
	v15 =	vsub.f32 $1.000000000e+00, v9;
	[tilespmem:s5+$0x50] =	vst v9  }
0x312: {  	v24 =	vimm.f32 $0.0e+00;
	[tilespmem:s6+$0xFFFFFFA0] =	vst v20  }
0x313: {  	v27 =	vand.u32 $0x7FFFFFFF, v10;
	v10 =	vadd.f32 v10, v24;
	v28 =	vld [tilespmem:s2+$0x6030];
	[tilespmem:s5+$0xFFFFFFD0] =	vst v15;
	vm6 =	veq.f32 v21, $-1.000000000e+00  }
0x314: {  	v26 =	vld [tilespmem:s7+$0x6060];
	v21 =	vsel vm6, v5, v21  }
0x315: {  	v52 =	vadd.f32 v13, v10;
	v10 =	vld [tilespmem:s12+$0x0];
	v31 =	vsub.f32 $1.000000000e+00, v21;
	vm8 =	veq.f32 v19, $-1.000000000e+00  }
0x316: {  	v29 =	vand.u32 $0x7FFFFFFF, v13;
	v9 =	vld [tilespmem:s1+$0x30];
	vm7 =	veq.f32 v23, $-1.000000000e+00;
	[tilespmem:s24+$0x40] =	vst v21;
	v13 =	vsel vm8, v5, v19  }
0x317: {  	v27 =	vadd.f32 v27, v24;
	v15 =	vld [tilespmem:s28+$0x10];
	v23 =	vsel vm7, v5, v23;
	[tilespmem:s24+$0xFFFFFFC0] =	vst v31;
	v19 =	vsub.f32 $1.000000000e+00, v13  }
0x318: {  	s15 =	simm.s32 $0x280;
	v30 =	vld [tilespmem:s7+$0x50];
	[tilespmem:s13+$0x10] =	vst v13;
	v31 =	vsub.f32 $1.000000000e+00, v23  }
0x319: {  	v21 =	vadd.f32 v29, v27;
	v27 =	vld [tilespmem:s15+$0x6000];
	vm10 =	veq.f32 v28, $-1.000000000e+00;
	vm9 =	veq.f32 v26, $-1.000000000e+00;
	[tilespmem:s13+$0xFFFFFF90] =	vst v19  }
0x31a: {  	v29 =	vld [tilespmem:s1+$0x6050];
	v19 =	vsel vm10, v5, v28;
	[tilespmem:s9+$0xFFFFFFA0] =	vst v31;
	v13 =	vsel vm9, v5, v26  }
0x31b: {  	v25 =	vand.u32 $0x7FFFFFFF, v12;
	v55 =	vadd.f32 v12, v24;
	v53 =	vld [tilespmem:s1+$0x40];
	v56 =	vsub.f32 $1.000000000e+00, v19;
	[tilespmem:s5+$0x60] =	vst v13  }
0x31c: {  	v25 =	vadd.f32 v25, v24;
	v54 =	vand.u32 $0x7FFFFFFF, v18;
	v26 =	vsub.f32 $1.000000000e+00, v13;
	v13 =	vld [tilespmem:s2+$0x20];
	[tilespmem:s6+$0x30] =	vst v19  }
0x31d: {  	v62 =	vadd.f32 v22, v24;
	v20 =	vand.u32 $0x7FFFFFFF, v16;
	v11 =	vand.u32 $0x7FFFFFFF, v17;
	v28 =	vld [tilespmem:s12+$0x6020];
	[tilespmem:s6+$0xFFFFFFB0] =	vst v56  }
0x31e: {  	v18 =	vadd.f32 v18, v52;
	v21 =	vadd.f32 v54, v21;
	vm11 =	veq.f32 v27, $-1.000000000e+00;
	[tilespmem:s5+$0xFFFFFFE0] =	vst v26;
	v31 =	vld [tilespmem:s2+$0x6040]  }
0x31f: {  	v12 =	vand.u32 $0x7FFFFFFF, v15;
	v57 =	vand.u32 $0x7FFFFFFF, v30;
	v19 =	vsel vm11, v5, v27;
	v58 =	vld [tilespmem:s7+$0x6070]  }
0x320: {  	s18 =	simm.s32 $0xC580;
	[tilespmem:s9+$0x20] =	vst v23;
	v26 =	vadd.f32 v30, v55;
	v30 =	vadd.f32 v57, v25;
	vm12 =	veq.f32 v29, $-1.000000000e+00;
	v59 =	vld [tilespmem:s7+$0x60]  }
0x321: {  	[tilespmem:s18+$0x0] =	vst v19;
	v25 =	vsub.f32 $1.000000000e+00, v19;
	v60 =	vand.u32 $0x7FFFFFFF, v53;
	v19 =	vsel vm12, v5, v29  }
0x322: {  	v32 =	vld [tilespmem:s28+$0x6030];
	v27 =	vadd.f32 v53, v18;
	v61 =	vsub.f32 $1.000000000e+00, v19;
	[tilespmem:s24+$0x50] =	vst v19;
	vm13 =	veq.f32 v28, $-1.000000000e+00  }
0x323: {  	v29 =	vand.u32 $0x7FFFFFFF, v22;
	v21 =	vadd.f32 v60, v21;
	[tilespmem:s18+$0xFFFFFF80] =	vst v25;
	v19 =	vld [tilespmem:s12+$0x10];
	v33 =	vsel vm13, v5, v28  }
0x324: {  	v25 =	vadd.f32 v29, v24;
	v29 =	vld [tilespmem:s15+$0x6010];
	[tilespmem:s24+$0xFFFFFFD0] =	vst v61;
	v63 =	vsub.f32 $1.000000000e+00, v33;
	vm14 =	veq.f32 v58, $-1.000000000e+00  }
0x325: {  	v37 =	vld [tilespmem:s1+$0x6060];
	vm15 =	veq.f32 v31, $-1.000000000e+00;
	v22 =	vand.u32 $0x7FFFFFFF, v59;
	v23 =	vsel vm14, v5, v58  }
0x326: {  	v28 =	vld [tilespmem:s1+$0x50];
	[tilespmem:s13+$0xFFFFFFA0] =	vst v63;
	v35 =	vsel vm15, v5, v31;
	v31 =	vadd.f32 v59, v62;
	v34 =	vsub.f32 $1.000000000e+00, v23  }
0x327: {  	s8 =	simm.s32 $0xC00;
	v18 =	vld [tilespmem:s2+$0x30];
	v22 =	vadd.f32 v22, v25;
	v25 =	vand.u32 $0x7FFFFFFF, v14;
	[tilespmem:s5+$0x70] =	vst v23;
	v23 =	vimm.f32 $0.0e+00  }
.LBB2_11:
0x328: {  	s17 =	sshra.s32 s8, $0x2;
	p0 =	sne.s32 s8, $0x7E00;
	s8 =	sadd.s32 $0x200, s8;
	v36 =	vld [tilespmem:s15+$0x0];
	v38 =	vand.u32 $0x7FFFFFFF, v19;
	v39 =	vsub.f32 $1.000000000e+00, v35;
	v40 =	vand.u32 $0x7FFFFFFF, v8;
	[tilespmem:s5+$0xFFFFFFF0] =	vst v34  }
0x329: {  	v30 =	vadd.f32 v20, v30;
	v24 =	vadd.f32 v8, v24;
	v20 =	vmovc v11;
	vm0 =	veq.f32 v29, $-1.000000000e+00;
	[tilespmem:s6+$0x40] =	vst v35;
	v34 =	vld [tilespmem:s7+$0x70];
	s7 =	smov.u32 s1;
	s1 =	smov.u32 s2;
	s2 =	smov.u32 s28  }
0x32a: {  	v43 =	vadd.f32 v16, v26;
	v11 =	vmovc v12;
	s28 =	smov.u32 s12;
	s12 =	smov.u32 s15;
	s15 =	smov.u32 s17;
	v35 =	vld [tilespmem:s17+$0x6000];
	v42 =	vsel vm0, v5, v29;
	[tilespmem:s6+$0xFFFFFFC0] =	vst v39;
	vm0 =	veq.f32 v37, $-1.000000000e+00  }
0x32b: {  	v8 =	vmovc v9;
	s5 =	smov.u32 s24;
	s24 =	smov.u32 s6;
	v12 =	vmovc v38;
	s6 =	smov.u32 s9;
	v29 =	vsub.f32 $1.000000000e+00, v42;
	[tilespmem:s18+$0x10] =	vst v42;
	v39 =	vld [tilespmem:s1+$0x6050];
	v41 =	vand.u32 $0x7FFFFFFF, v28;
	v37 =	vsel vm0, v5, v37  }
0x32c: {  	v9 =	vmovc v18;
	v16 =	vmovc v17;
	s9 =	smov.u32 s13;
	s13 =	smov.u32 s18;
	v26 =	vadd.f32 v28, v43;
	vm0 =	veq.f32 v32, $-1.000000000e+00;
	v38 =	vld [tilespmem:s1+$0x40];
	v28 =	vsub.f32 $1.000000000e+00, v37;
	[tilespmem:s5+$0x60] =	vst v37  }
0x32d: {  	v23 =	vadd.f32 v40, v23;
	v30 =	vadd.f32 v41, v30;
	[tilespmem:s18+$0xFFFFFF90] =	vst v29;
	v42 =	vld [tilespmem:s2+$0x20];
	v18 =	vsel vm0, v5, v32  }
0x32e: {  	v17 =	vmovc v15;
	v15 =	vmovc v19;
	v32 =	vld [tilespmem:s12+$0x6020];
	v29 =	vsub.f32 $1.000000000e+00, v18;
	[tilespmem:s5+$0xFFFFFFE0] =	vst v28;
	v24 =	vadd.f32 v34, v24;
	v28 =	vand.u32 $0x7FFFFFFF, v34  }
0x32f: {  	v19 =	vadd.f32 v14, v27;
	v14 =	vmovc v6;
	s18 =	sadd.s32 $0x100, s18;
	vm0 =	veq.f32 v35, $-1.000000000e+00;
	[tilespmem:s6+$0x30] =	vst v18;
	v34 =	vld [tilespmem:s7+$0x6070];
	v23 =	vadd.f32 v28, v23  }
0x330: {  	v21 =	vadd.f32 v25, v21;
	v6 =	vmovc v10;
	v18 =	vsel vm0, v5, v35;
	[tilespmem:s6+$0xFFFFFFB0] =	vst v29;
	vm0 =	veq.f32 v39, $-1.000000000e+00;
	v40 =	vld [tilespmem:s7+$0x60]  }
0x331: {  	v10 =	vmovc v36;
	v25 =	vsub.f32 $1.000000000e+00, v18;
	[tilespmem:s18+$0x0] =	vst v18;
	v35 =	vld [tilespmem:s2+$0x6040];
	v28 =	vand.u32 $0x7FFFFFFF, v38;
	v29 =	vsel vm0, v5, v39  }
0x332: {  	v27 =	vadd.f32 v38, v19;
	v18 =	vld [tilespmem:s2+$0x30];
	v36 =	vsub.f32 $1.000000000e+00, v29;
	[tilespmem:s24+$0x50] =	vst v29;
	v29 =	vand.u32 $0x7FFFFFFF, v7  }
.Ltmp4:
0x333: {  	v21 =	vadd.f32 v28, v21;
	[tilespmem:s18+$0xFFFFFF80] =	vst v25;
	v19 =	vld [tilespmem:s12+$0x10];
	vm0 =	veq.f32 v32, $-1.000000000e+00;
	v22 =	vadd.f32 v29, v22;
	(pc) =	sbr.rel @p0 .LBB2_11-.Ltmp4, $4  }
0x334: {  	v31 =	vadd.f32 v7, v31;
	v7 =	vmovc v13;
	v29 =	vld [tilespmem:s15+$0x6010];
	v25 =	vsel vm0, v5, v32;
	[tilespmem:s24+$0xFFFFFFD0] =	vst v36;
	vm0 =	veq.f32 v34, $-1.000000000e+00  }
0x335: {  	v13 =	vmovc v42;
	v32 =	vsub.f32 $1.000000000e+00, v25;
	[tilespmem:s9+$0x20] =	vst v33;
	v37 =	vld [tilespmem:s1+$0x6060];
	v36 =	vand.u32 $0x7FFFFFFF, v40;
	v38 =	vsel vm0, v5, v34;
	v33 =	vmovc v25  }
0x336: {  	vm0 =	veq.f32 v35, $-1.000000000e+00;
	v28 =	vld [tilespmem:s1+$0x50];
	v22 =	vadd.f32 v36, v22;
	v34 =	vsub.f32 $1.000000000e+00, v38;
	[tilespmem:s5+$0x70] =	vst v38  }
0x337: {  	v25 =	vand.u32 $0x7FFFFFFF, v14;
	v31 =	vadd.f32 v40, v31;
	[tilespmem:s13+$0xFFFFFFA0] =	vst v32;
	v32 =	vld [tilespmem:s28+$0x6030];
	v35 =	vsel vm0, v5, v35  }
0x338: {  	_ = 	snop  }
0x339: {  	vm0 =	veq.f32 v29, $-1.000000000e+00  }
0x33a: {  	v36 =	vsel vm0, v5, v29  }
0x33b: {  	v38 =	vsub.f32 $1.000000000e+00, v36  }
0x33c: {  	v29 =	vld [tilespmem:s15+$0x0];
	[tilespmem:s18+$0x10] =	vst v36  }
0x33d: {  	[tilespmem:s18+$0xFFFFFF90] =	vst v38  }
0x33e: {  	v36 =	vld [tilespmem:s15+$0x6020];
	_ =	sdelay $0x1  }
0x33f: {  	[tilespmem:s13+$0x20] =	vst v33;
	vm6 =	veq.f32 v32, $-1.000000000e+00  }
0x340: {  	v46 =	vld [tilespmem:s12+$0x6030];
	v44 =	vsel vm6, v5, v32  }
0x341: {  	v39 =	vsub.f32 $1.000000000e+00, v44  }
0x342: {  	v32 =	vld [tilespmem:s28+$0x20];
	[tilespmem:s9+$0x30] =	vst v44;
	vm7 =	veq.f32 v36, $-1.000000000e+00  }
0x343: {  	[tilespmem:s9+$0xFFFFFFB0] =	vst v39;
	v40 =	vsel vm7, v5, v36  }
0x344: {  	v39 =	vld [tilespmem:s28+$0x6040];
	v45 =	vsub.f32 $1.000000000e+00, v40  }
0x345: {  	vm8 =	veq.f32 v46, $-1.000000000e+00;
	v36 =	vld [tilespmem:s15+$0x10];
	[tilespmem:s18+$0x20] =	vst v40  }
0x346: {  	v48 =	vsel vm8, v5, v46;
	[tilespmem:s18+$0xFFFFFFA0] =	vst v45  }
0x347: {  	[tilespmem:s5+$0xFFFFFFF0] =	vst v34;
	v38 =	vsub.f32 $1.000000000e+00, v48;
	v40 =	vld [tilespmem:s15+$0x6030]  }
0x348: {  	v33 =	vld [tilespmem:s12+$0x20];
	[tilespmem:s13+$0x30] =	vst v48  }
0x349: {  	v47 =	vsub.f32 $1.000000000e+00, v35;
	[tilespmem:s13+$0xFFFFFFB0] =	vst v38  }
0x34a: {  	[tilespmem:s6+$0x40] =	vst v35;
	vm11 =	veq.f32 v37, $-1.000000000e+00;
	v38 =	vld [tilespmem:s12+$0x6040];
	vm9 =	veq.f32 v39, $-1.000000000e+00  }
0x34b: {  	[tilespmem:s6+$0xFFFFFFC0] =	vst v47;
	v37 =	vsel vm11, v5, v37;
	v39 =	vsel vm9, v5, v39  }
0x34c: {  	v41 =	vld [tilespmem:s2+$0x6050];
	[tilespmem:s24+$0x60] =	vst v37;
	v49 =	vsub.f32 $1.000000000e+00, v39;
	vm10 =	veq.f32 v40, $-1.000000000e+00  }
0x34d: {  	v35 =	vld [tilespmem:s28+$0x30];
	[tilespmem:s9+$0x40] =	vst v39;
	v50 =	vsel vm10, v5, v40  }
0x34e: {  	v34 =	vld [tilespmem:s15+$0x20];
	[tilespmem:s9+$0xFFFFFFC0] =	vst v49;
	v40 =	vsub.f32 $1.000000000e+00, v50  }
0x34f: {  	v51 =	vsub.f32 $1.000000000e+00, v37;
	vm13 =	veq.f32 v38, $-1.000000000e+00;
	v42 =	vld [tilespmem:s28+$0x6050];
	[tilespmem:s18+$0x30] =	vst v50  }
0x350: {  	v55 =	vsel vm13, v5, v38;
	[tilespmem:s18+$0xFFFFFFB0] =	vst v40  }
0x351: {  	[tilespmem:s24+$0xFFFFFFE0] =	vst v51;
	v44 =	vsub.f32 $1.000000000e+00, v55;
	v53 =	vld [tilespmem:s15+$0x6040]  }
0x352: {  	vm12 =	veq.f32 v41, $-1.000000000e+00;
	v38 =	vld [tilespmem:s12+$0x30];
	[tilespmem:s13+$0x40] =	vst v55  }
0x353: {  	v43 =	vld [tilespmem:s1+$0x6070];
	v52 =	vsel vm12, v5, v41;
	[tilespmem:s13+$0xFFFFFFC0] =	vst v44  }
0x354: {  	v54 =	vsub.f32 $1.000000000e+00, v52;
	v57 =	vld [tilespmem:s12+$0x6050];
	vm14 =	veq.f32 v42, $-1.000000000e+00  }
0x355: {  	v40 =	vld [tilespmem:s2+$0x40];
	[tilespmem:s6+$0x50] =	vst v52;
	v42 =	vsel vm14, v5, v42  }
0x356: {  	v39 =	vld [tilespmem:s28+$0x40];
	[tilespmem:s6+$0xFFFFFFD0] =	vst v54;
	v56 =	vsub.f32 $1.000000000e+00, v42;
	vm15 =	veq.f32 v53, $-1.000000000e+00  }
0x357: {  	v45 =	vld [tilespmem:s2+$0x6060];
	[tilespmem:s9+$0x50] =	vst v42;
	v41 =	vsel vm15, v5, v53  }
0x358: {  	v37 =	vld [tilespmem:s15+$0x30];
	[tilespmem:s9+$0xFFFFFFD0] =	vst v56;
	v46 =	vsub.f32 $1.000000000e+00, v41  }
0x359: {  	v47 =	vld [tilespmem:s28+$0x6060];
	[tilespmem:s18+$0x40] =	vst v41  }
0x35a: {  	vm4 =	veq.f32 v43, $-1.000000000e+00;
	vm6 =	veq.f32 v57, $-1.000000000e+00;
	[tilespmem:s18+$0xFFFFFFC0] =	vst v46  }
0x35b: {  	v43 =	vsel vm4, v5, v43;
	v61 =	vsel vm6, v5, v57;
	v46 =	vld [tilespmem:s15+$0x6050]  }
0x35c: {  	v44 =	vld [tilespmem:s1+$0x60];
	[tilespmem:s24+$0x70] =	vst v43;
	v62 =	vsub.f32 $1.000000000e+00, v61;
	vm5 =	veq.f32 v45, $-1.000000000e+00  }
0x35d: {  	v42 =	vld [tilespmem:s12+$0x40];
	[tilespmem:s13+$0x50] =	vst v61;
	v59 =	vsel vm5, v5, v45  }
0x35e: {  	v48 =	vld [tilespmem:s7+$0x70];
	[tilespmem:s13+$0xFFFFFFD0] =	vst v62;
	v60 =	vsub.f32 $1.000000000e+00, v59;
	vm7 =	veq.f32 v47, $-1.000000000e+00  }
0x35f: {  	v45 =	vld [tilespmem:s2+$0x50];
	[tilespmem:s6+$0x60] =	vst v59;
	v47 =	vsel vm7, v5, v47  }
0x360: {  	v63 =	vld [tilespmem:s12+$0x6060];
	[tilespmem:s6+$0xFFFFFFE0] =	vst v60;
	v50 =	vsub.f32 $1.000000000e+00, v47;
	vm8 =	veq.f32 v46, $-1.000000000e+00  }
0x361: {  	v58 =	vsub.f32 $1.000000000e+00, v43;
	v43 =	vld [tilespmem:s28+$0x50];
	[tilespmem:s9+$0x60] =	vst v47;
	v46 =	vsel vm8, v5, v46  }
0x362: {  	v49 =	vld [tilespmem:s2+$0x6070];
	[tilespmem:s9+$0xFFFFFFE0] =	vst v50;
	v52 =	vsub.f32 $1.000000000e+00, v46  }
0x363: {  	v16 =	vadd.f32 v16, v26;
	v20 =	vadd.f32 v20, v30;
	v41 =	vld [tilespmem:s15+$0x40];
	[tilespmem:s18+$0x50] =	vst v46  }
0x364: {  	v24 =	vadd.f32 v8, v24;
	v14 =	vadd.f32 v14, v27;
	v53 =	vld [tilespmem:s28+$0x6070];
	[tilespmem:s18+$0xFFFFFFD0] =	vst v52  }
0x365: {  	v31 =	vadd.f32 v7, v31;
	v7 =	vand.u32 $0x7FFFFFFF, v7;
	[tilespmem:s24+$0xFFFFFFF0] =	vst v58;
	vm10 =	veq.f32 v63, $-1.000000000e+00;
	v46 =	vld [tilespmem:s15+$0x6060]  }
0x366: {  	v16 =	vadd.f32 v28, v16;
	v24 =	vadd.f32 v48, v24;
	v26 =	vld [tilespmem:s1+$0x70];
	v56 =	vsel vm10, v5, v63  }
0x367: {  	v7 =	vadd.f32 v7, v22;
	v47 =	vsub.f32 $1.000000000e+00, v56;
	vm9 =	veq.f32 v49, $-1.000000000e+00  }
0x368: {  	v16 =	vadd.f32 v17, v16;
	v24 =	vadd.f32 v9, v24;
	v17 =	vld [tilespmem:s12+$0x50];
	[tilespmem:s13+$0x60] =	vst v56;
	v54 =	vsel vm9, v5, v49  }
0x369: {  	v31 =	vadd.f32 v44, v31;
	v27 =	vld [tilespmem:s28+$0x60];
	[tilespmem:s13+$0xFFFFFFE0] =	vst v47;
	v55 =	vsub.f32 $1.000000000e+00, v54  }
0x36a: {  	v14 =	vadd.f32 v40, v14;
	v49 =	vld [tilespmem:s2+$0x60];
	[tilespmem:s6+$0x70] =	vst v54;
	vm11 =	veq.f32 v53, $-1.000000000e+00;
	vm1 =	veq.f32 v46, $-1.000000000e+00  }
0x36b: {  	v24 =	vadd.f32 v26, v24;
	v47 =	vld [tilespmem:s12+$0x6070];
	[tilespmem:s6+$0xFFFFFFF0] =	vst v55;
	v30 =	vsel vm11, v5, v53;
	v46 =	vsel vm1, v5, v46  }
0x36c: {  	v14 =	vadd.f32 v6, v14;
	v50 =	vld [tilespmem:s2+$0x70];
	[tilespmem:s9+$0x70] =	vst v30;
	v52 =	vsub.f32 $1.000000000e+00, v46  }
0x36d: {  	v31 =	vadd.f32 v13, v31;
	v16 =	vadd.f32 v45, v16;
	v51 =	vld [tilespmem:s15+$0x50];
	[tilespmem:s18+$0x60] =	vst v46  }
0x36e: {  	v14 =	vadd.f32 v39, v14;
	v30 =	vsub.f32 $1.000000000e+00, v30;
	[tilespmem:s18+$0xFFFFFFE0] =	vst v52  }
0x36f: {  	v15 =	vadd.f32 v15, v16;
	v57 =	vadd.f32 v49, v31;
	v58 =	vld [tilespmem:s15+$0x6070]  }
0x370: {  	v24 =	vadd.f32 v18, v24;
	v14 =	vadd.f32 v10, v14;
	vm12 =	veq.f32 v47, $-1.000000000e+00;
	[tilespmem:s9+$0xFFFFFFF0] =	vst v30  }
0x371: {  	v15 =	vadd.f32 v43, v15;
	v59 =	vsel vm12, v5, v47;
	v31 =	vld [tilespmem:s28+$0x70];
	v16 =	vadd.f32 v32, v57  }
0x372: {  	v60 =	vsub.f32 $1.000000000e+00, v59;
	v24 =	vadd.f32 v50, v24  }
0x373: {  	v15 =	vadd.f32 v19, v15;
	v47 =	vld [tilespmem:s12+$0x60];
	[tilespmem:s13+$0x70] =	vst v59;
	v16 =	vadd.f32 v27, v16  }
0x374: {  	v14 =	vadd.f32 v42, v14;
	[tilespmem:s13+$0xFFFFFFF0] =	vst v60;
	v24 =	vadd.f32 v35, v24;
	vm13 =	veq.f32 v58, $-1.000000000e+00  }
0x375: {  	v15 =	vadd.f32 v17, v15;
	v16 =	vadd.f32 v33, v16;
	v46 =	vld [tilespmem:s12+$0x70];
	v5 =	vsel vm13, v5, v58  }
0x376: {  	v24 =	vadd.f32 v31, v24;
	v61 =	vsub.f32 $1.000000000e+00, v5  }
0x377: {  	v14 =	vadd.f32 v29, v14;
	v15 =	vadd.f32 v36, v15;
	v30 =	vld [tilespmem:s15+$0x60];
	[tilespmem:s18+$0x70] =	vst v5  }
0x378: {  	v62 =	vadd.f32 v38, v24;
	v5 =	vadd.f32 v47, v16;
	[tilespmem:s18+$0xFFFFFFF0] =	vst v61  }
0x379: {  	v63 =	vand.u32 $0x7FFFFFFF, v28;
	v14 =	vadd.f32 v41, v14;
	v15 =	vadd.f32 v51, v15;
	v28 =	vld [tilespmem:s15+$0x70]  }
0x37a: {  	v16 =	vadd.f32 v46, v62;
	v5 =	vadd.f32 v34, v5  }
0x37b: {  	v22 =	vand.u32 $0x7FFFFFFF, v18;
	v20 =	vadd.f32 v63, v20;
	v14 =	vadd.f32 v15, v14  }
0x37c: {  	v15 =	vand.u32 $0x7FFFFFFF, v8;
	v24 =	vadd.f32 v37, v16;
	v5 =	vadd.f32 v30, v5  }
0x37d: {  	v6 =	vand.u32 $0x7FFFFFFF, v6;
	v11 =	vadd.f32 v11, v20;
	v8 =	vadd.f32 v15, v23  }
0x37e: {  	v56 =	vand.u32 $0x7FFFFFFF, v19;
	v5 =	vadd.f32 v5, v14;
	v15 =	vadd.f32 v28, v24  }
0x37f: {  	v20 =	vand.u32 $0x7FFFFFFF, v36;
	v54 =	vand.u32 $0x7FFFFFFF, v40;
	v55 =	vand.u32 $0x7FFFFFFF, v44  }
0x380: {  	v53 =	vand.u32 $0x7FFFFFFF, v48;
	v7 =	vadd.f32 v55, v7;
	v5 =	vadd.f32 v15, v5  }
0x381: {  	v48 =	vand.u32 $0x7FFFFFFF, v41;
	v55 =	vand.u32 $0x7FFFFFFF, v34;
	v59 =	vand.u32 $0x7FFFFFFF, v13  }
0x382: {  	v63 =	vand.u32 $0x7FFFFFFF, v49;
	v7 =	vadd.f32 v59, v7;
	v8 =	vadd.f32 v53, v8;
	[tilespmem:$0x10000] =	vst v5  }
0x383: {  	v36 =	vand.u32 $0x7FFFFFFF, v32;
	v49 =	vand.u32 $0x7FFFFFFF, v33;
	v57 =	vand.u32 $0x7FFFFFFF, v9;
	v60 =	vld.idx.msk [tilespmem:v0+s14+$0x0], $0xffff  }
0x384: {  	v7 =	vadd.f32 v63, v7;
	v8 =	vadd.f32 v57, v8;
	v58 =	vand.u32 $0x7FFFFFFF, v45  }
0x385: {  	v52 =	vadd.f32 v25, v21;
	v11 =	vadd.f32 v58, v11;
	v61 =	vand.u32 $0x7FFFFFFF, v26  }
0x386: {  	v7 =	vadd.f32 v36, v7;
	v23 =	vand.u32 $0x7FFFFFFF, v43;
	v8 =	vadd.f32 v61, v8  }
0x387: {  	v44 =	vand.u32 $0x7FFFFFFF, v31;
	v11 =	vadd.f32 v12, v11;
	v14 =	vadd.f32 v54, v52  }
0x388: {  	v25 =	vand.u32 $0x7FFFFFFF, v50;
	v8 =	vadd.f32 v22, v8;
	v5 =	vadd.f32 v60, v5  }
0x389: {  	v26 =	vand.u32 $0x7FFFFFFF, v42;
	v42 =	vand.u32 $0x7FFFFFFF, v27;
	v6 =	vadd.f32 v6, v14  }
0x38a: {  	v62 =	vand.u32 $0x7FFFFFFF, v39;
	v7 =	vadd.f32 v42, v7;
	v8 =	vadd.f32 v25, v8;
	[tilespmem:$0x10000] =	vst v5  }
0x38b: {  	v39 =	vand.u32 $0x7FFFFFFF, v35;
	v24 =	vadd.f32 v23, v11;
	v6 =	vadd.f32 v62, v6;
	v40 =	vld.idx.msk [tilespmem:v1+s14+$0x0], $0xffff  }
0x38c: {  	v21 =	vand.u32 $0x7FFFFFFF, v10;
	v7 =	vadd.f32 v49, v7;
	v8 =	vadd.f32 v39, v8  }
0x38d: {  	v52 =	vand.u32 $0x7FFFFFFF, v47;
	v10 =	vadd.f32 v56, v24;
	v6 =	vadd.f32 v21, v6  }
0x38e: {  	v43 =	vand.u32 $0x7FFFFFFF, v17;
	v7 =	vadd.f32 v52, v7;
	v8 =	vadd.f32 v44, v8  }
0x38f: {  	v50 =	vand.u32 $0x7FFFFFFF, v38;
	v9 =	vadd.f32 v43, v10;
	v6 =	vadd.f32 v26, v6  }
0x390: {  	v45 =	vand.u32 $0x7FFFFFFF, v29;
	v8 =	vadd.f32 v50, v8;
	v5 =	vadd.f32 v40, v5  }
0x391: {  	v53 =	vand.u32 $0x7FFFFFFF, v46;
	v9 =	vadd.f32 v20, v9;
	v6 =	vadd.f32 v45, v6  }
0x392: {  	v54 =	vand.u32 $0x7FFFFFFF, v51;
	v7 =	vadd.f32 v55, v7;
	v8 =	vadd.f32 v53, v8;
	[tilespmem:$0x10000] =	vst v5  }
0x393: {  	v58 =	vand.u32 $0x7FFFFFFF, v30;
	v9 =	vadd.f32 v54, v9;
	v6 =	vadd.f32 v48, v6;
	v56 =	vld.idx.msk [tilespmem:v2+s14+$0x0], $0xffff  }
0x394: {  	v57 =	vand.u32 $0x7FFFFFFF, v37;
	v7 =	vadd.f32 v58, v7  }
0x395: {  	v8 =	vadd.f32 v57, v8;
	v6 =	vadd.f32 v9, v6  }
0x396: {  	v59 =	vand.u32 $0x7FFFFFFF, v28  }
0x397: {  	v8 =	vadd.f32 v59, v8;
	v6 =	vadd.f32 v7, v6  }
0x398: {  	v5 =	vadd.f32 v56, v5  }
0x399: {  	v6 =	vadd.f32 v8, v6  }
0x39a: {  	[tilespmem:$0x10000] =	vst v5  }
0x39b: {  	v7 =	vld.idx.msk [tilespmem:v3+s14+$0x0], $0xffff;
	[tilespmem:$0x10000] =	vst v6  }
0x39c: {  	v60 =	vld.idx.msk [tilespmem:v0+s14+$0x0], $0xffff;
	_ =	sdelay $0x4  }
0x39d: {  	v6 =	vadd.f32 v60, v6;
	_ =	sdelay $0x1  }
0x39e: {  	[tilespmem:$0x10000] =	vst v6  }
0x39f: {  	v61 =	vld.idx.msk [tilespmem:v1+s14+$0x0], $0xffff;
	_ =	sdelay $0x4  }
0x3a0: {  	v6 =	vadd.f32 v61, v6;
	_ =	sdelay $0x1  }
0x3a1: {  	[tilespmem:$0x10000] =	vst v6  }
0x3a2: {  	v62 =	vld.idx.msk [tilespmem:v2+s14+$0x0], $0xffff;
	_ =	sdelay $0x4  }
0x3a3: {  	v6 =	vadd.f32 v62, v6;
	_ =	sdelay $0x1  }
0x3a4: {  	[tilespmem:$0x10000] =	vst v6  }
0x3a5: {  	v63 =	vld.idx.msk [tilespmem:v3+s14+$0x0], $0xffff;
	_ =	sdelay $0x4  }
0x3a6: {  	v6 =	vadd.f32 v63, v6;
	_ =	sdelay $0x1  }
0x3a7: {  	v5 =	vadd.f32 v7, v5;
	v7 =	vmul.f32 $3.000000000e+00, v6  }
0x3a8: {  	s25 =	sadd.s32 $0x1, s25  }
0x3a9: {  	p0 =	sne.s32 s25, $0x8;
	v7 =	vadd.f32 v7, v5  }
.Ltmp5:
0x3aa: {  	v5 =	vsub.f32 v6, v5;
	(pc) =	sbr.rel @p0 .LBB2_4-.Ltmp5, $4  }
0x3ab: {  	s31 =	sshll.u32 s26, $0xB;
	vm14 =	vgt.f32 v7, $1.638400000e+04  }
0x3ac: {  	s1 =	sand.u32 $0x1FFFF800, s31;
	vm15 =	vlt.f32 v5, $1.638400000e+04;
	vm0 =	vmneg vm14  }
0x3ad: {  	s1 =	sadd.s32 s3, s1;
	vm0 =	vmand vm15, vm0  }
0x3ae: {  	[hbm4b:s1+s4] =	stream.linear.scatter [tilespmem:s20], [sflag:$0x6], $0x4000, $0x38;
	v5 =	vsel vm0, $0x0, v4;
	[tilespmem:$0x10080] =	vst v63  }
0x3af: {  	_ =	swait.ge [sflag:s22], $0x4000  }
0x3b0: {  	[sflag:s22] =	ssyncset.done $0x0  }
0x3b1: {  	[sflag:s22] =	ssyncadd.s32 $0xFFFFC000  }
0x3b2: {  	_ =	swait.ge [sflag:s23], $0x4000  }
0x3b3: {  	s2 =	rddreg [dreg:$0x8]  }
0x3b4: {  	s1 =	rddreg [dreg:$0x7];
	s2 =	sadd.s32 $0x1, s2  }
0x3b5: {  	p0 =	sne.s32 s2, s1  }
.Ltmp6:
0x3b6: {  	_ = 	snop;
	(pc) =	sbr.rel @p0 .LBB2_1-.Ltmp6, $3  }
0x3b7: {  	_ =	sdelay $0x1  }
0x3b8: {  	[sflag:s23] =	ssyncset.done $0x0  }
0x3b9: {  	[sflag:s23] =	ssyncadd.s32 $0xFFFFC000  }
0x3ba: {  	_ =	sfence.sel $0x180000  }
0x3bb: {  	[bflag:$0x0] =	sbarrier.arrive $0xFFFF  }
0x3bc: {  	_ =	strace $0x90000047  }
0x3bd: {  	s0 =	stileid.u32;
	[bflag:$0x2] =	sbarrier.arrive $0xFFFF  }
0x3be: {  	p0 =	sne.s32 s0, $0x0;
	s0 =	rddreg [dreg:$0x2]  }
0x3bf: {  	s0 =	sadd.s32 @!p0 $0x100000, s0  }
0x3c0: {  	[sflag:s0] =	ssyncadd.tile.s32 @!p0 $0x1;
	_ =	shalt  }
.Lfunc_end2:
_tile_overlayer_lowered:
.L_overlay_start_2:
0x3c1: {  	(tag) =	ssettag $0x2  }
0x3c2: {  	s0 =	rddreg [dreg:$0x0];
	s2 =	stileid.u32  }
0x3c3: {  	s1 =	rddreg [dreg:$0x1];
	p0 =	sne.s32 s2, $0x0  }
0x3c4: {  	s3 =	rddreg [dreg:$0x2];
	[bflag:$0x3] =	sbarrier.arrive $0xFFFF;
	s2 =	simm.s32 @!p0 $0x1C07  }
0x3c5: {  	[timem:s3], [sflag:s2] =	dma.local @!p0 [hbm:s0], s1  }
0x3c6: {  	s0 =	simm.s32 @!p0 $0x7  }
0x3c7: {  	_ =	swait.ge @!p0 [sflag:s0], s1  }
0x3c8: {  	s1 =	ssub.s32 @!p0 $0x0, s1;
	[sflag:s0] =	ssyncset.done @!p0 $0x0  }
0x3c9: {  	[sflag:s0] =	ssyncadd.s32 @!p0 s1  }
0x3ca: {  	[bflag:$0x3] =	sbarrier.arrive $0xFFFF  }
0x3cb: {  	_ =	shalt  }

</sc_bundles>
